<compile_context>
chip_gen: v7x
topology: tpu7x:2x2x1
jax: 0.10.2.dev20260603
libtpu: 0.0.44.dev20260713+nightly
codegen_flags: <defaults>
</compile_context>

<pallas_src>
import functools

import jax
import jax.numpy as jnp
from jax import lax
from jax.experimental import pallas as pl
from jax.experimental.pallas import tpu as pltpu
from jax.experimental.pallas import tpu_sc as plsc

N = 10000
NPAD = 10240
E = 320000
ED = 640000
NC = 2
NS = 16
NW = NC * NS
CH = 250
NROWS = E // CH
CPW = NROWS // NW
RPT = NPAD // NS

EPW = ED // NW
DCH = 2000
NG = DCH // 16
NBUF = 4


def _make_seg_kernel(D):
    mesh = plsc.VectorSubcoreMesh(core_axis_name="c", subcore_axis_name="s")

    @functools.partial(
        pl.kernel,
        mesh=mesh,
        out_type=jax.ShapeDtypeStruct((NC * NPAD, D), jnp.float32),
        compiler_params=pltpu.CompilerParams(use_tc_tiling_on_sc=False),
        scratch_types=[
            pltpu.VMEM((CPW, CH), jnp.int32),
            pltpu.VMEM((CPW, CH), jnp.int32),
            pltpu.VMEM((NBUF, CH, D), jnp.float32),
            pltpu.VMEM_SHARED((NPAD, D), jnp.float32),
            [pltpu.SemaphoreType.DMA] * NBUF,
        ],
    )
    def seg(table_hbm, src_hbm, dst_hbm, zeros_hbm, out_hbm,
            src_v, dst_v, rows_v, acc_sh, gsems):
        cid = lax.axis_index("c")
        sid = lax.axis_index("s")
        wid = cid * NS + sid
        pltpu.sync_copy(zeros_hbm.at[pl.ds(sid * RPT, RPT)],
                        acc_sh.at[pl.ds(sid * RPT, RPT)])
        pltpu.sync_copy(src_hbm.at[pl.ds(wid * CPW, CPW)], src_v)
        pltpu.sync_copy(dst_hbm.at[pl.ds(wid * CPW, CPW)], dst_v)
        plsc.subcore_barrier()

        for b in range(NBUF):
            pltpu.async_copy(table_hbm.at[src_v.at[b]], rows_v.at[b], gsems[b])

        def body(i, carry):
            k0 = i * NBUF
            for b in range(NBUF):
                k = k0 + b
                pltpu.make_async_copy(
                    table_hbm.at[src_v.at[k]], rows_v.at[b], gsems[b]).wait()
                pltpu.sync_copy(rows_v.at[b], acc_sh.at[dst_v.at[k]], add=True)

                @pl.when(k + NBUF < CPW)
                def _():
                    pltpu.async_copy(
                        table_hbm.at[src_v.at[k + NBUF]], rows_v.at[b],
                        gsems[b])
            return carry

        lax.fori_loop(0, CPW // NBUF, body, 0)
        plsc.subcore_barrier()
        pltpu.sync_copy(acc_sh.at[pl.ds(sid * RPT, RPT)],
                        out_hbm.at[pl.ds(cid * NPAD + sid * RPT, RPT)])

    return seg


_seg8 = _make_seg_kernel(8)
_seg64 = _make_seg_kernel(64)


def _dense_a(S2_ref, xp_ref, W1_ref, r1_ref, b1_ref, W2_ref, rt2_ref, b2_ref,
             m1_ref, m2_ref):
    S = S2_ref[0] + S2_ref[1]
    cnt = jnp.maximum(S[:, 1:2], 1.0)
    a = S[:, 0:1] / cnt
    h1 = jnp.maximum(
        a * W1_ref[...] + xp_ref[...] * r1_ref[...] + b1_ref[...], 0.0)
    m1_ref[...] = jnp.dot(h1, W2_ref[...], preferred_element_type=jnp.float32)
    m2_ref[...] = (jnp.dot(h1, rt2_ref[...], preferred_element_type=jnp.float32)
                   + b2_ref[...])


def _dense_b(G_ref, S2_ref, m2_ref, Wl_ref, bl_ref, z_ref):
    S = S2_ref[0] + S2_ref[1]
    invc = 1.0 / jnp.maximum(S[:, 1:2], 1.0)
    h2 = jnp.maximum((G_ref[0] + G_ref[1]) * invc + m2_ref[...], 0.0)
    z_ref[...] = (jnp.dot(h2, Wl_ref[...], preferred_element_type=jnp.float32)
                  + bl_ref[...])


def _make_decode_kernel():
    mesh = plsc.VectorSubcoreMesh(core_axis_name="c", subcore_axis_name="s")

    @functools.partial(
        pl.kernel,
        mesh=mesh,
        out_type=jax.ShapeDtypeStruct((ED * 4,), jnp.float32),
        compiler_params=pltpu.CompilerParams(needs_layout_passes=False),
        scratch_types=[
            pltpu.VMEM((NPAD * 4,), jnp.float32),
            pltpu.VMEM((DCH,), jnp.int32),
            pltpu.VMEM((DCH,), jnp.int32),
            pltpu.VMEM((DCH * 4,), jnp.float32),
        ],
    )
    def dec(zf_hbm, pos_hbm, neg_hbm, out_hbm, z_v, e0_v, e1_v, out_v):
        cid = lax.axis_index("c")
        sid = lax.axis_index("s")
        wid = cid * NS + sid
        lw = lax.rem(wid, NS)
        pltpu.sync_copy(zf_hbm, z_v)

        def run(eref):
            def chunk(c, carry):
                base = lw * EPW + c * DCH
                pltpu.sync_copy(eref.at[pl.ds(base, DCH)], e0_v)
                pltpu.sync_copy(eref.at[pl.ds(E + base, DCH)], e1_v)

                @plsc.parallel_loop(0, NG, 1, unroll=4)
                def grp(g):
                    i0 = e0_v[pl.ds(g * 16, 16)] * 4
                    i1 = e1_v[pl.ds(g * 16, 16)] * 4
                    l = []
                    for j in range(4):
                        aj = plsc.load_gather(z_v, [i0 + j])
                        bj = plsc.load_gather(z_v, [i1 + j])
                        l.append(aj * bj)
                    m = jnp.maximum(jnp.maximum(l[0], l[1]),
                                    jnp.maximum(l[2], l[3]))
                    e = [jnp.exp(v - m) for v in l]
                    r = 1.0 / ((e[0] + e[1]) + (e[2] + e[3]))
                    lane = g * 16 + lax.iota(jnp.int32, 16)
                    for j in range(4):
                        plsc.store_scatter(out_v, [j * DCH + lane], e[j] * r)
                obase = wid * EPW + c * DCH
                for j in range(4):
                    pltpu.sync_copy(out_v.at[pl.ds(j * DCH, DCH)],
                                    out_hbm.at[pl.ds(j * ED + obase, DCH)])
                return carry

            lax.fori_loop(0, EPW // DCH, chunk, 0)

        @pl.when(wid < NS)
        def _():
            run(pos_hbm)

        @pl.when(wid >= NS)
        def _():
            run(neg_hbm)

    return dec


_decode = _make_decode_kernel()


def kernel(x, train_edge_index, train_pos_edge_index, negative_edge_index,
           W1, root1, b1, W2, root2, b2, Wlin, blin):
    f32 = jnp.float32
    xp = jnp.pad(x.astype(f32), ((0, NPAD - N), (0, 0)))
    T = jnp.concatenate(
        [xp, jnp.ones((NPAD, 1), f32), jnp.zeros((NPAD, 6), f32)], axis=1)
    src2d = train_edge_index[0].reshape(NROWS, CH)
    dst2d = train_edge_index[1].reshape(NROWS, CH)
    z8 = jnp.zeros((NPAD, 8), f32)
    z64 = jnp.zeros((NPAD, 64), f32)

    S2 = _seg8(T, src2d, dst2d, z8).reshape(NC, NPAD, 8)

    m1, m2 = pl.pallas_call(
        _dense_a,
        out_shape=[jax.ShapeDtypeStruct((NPAD, 64), f32),
                   jax.ShapeDtypeStruct((NPAD, 64), f32)],
    )(S2, xp, W1, root1, b1.reshape(1, 128), W2, root2, b2.reshape(1, 64))

    G = _seg64(m1, src2d, dst2d, z64).reshape(NC, NPAD, 64)

    z = pl.pallas_call(
        _dense_b,
        out_shape=jax.ShapeDtypeStruct((NPAD, 4), f32),
    )(G, S2, m2, Wlin, blin.reshape(1, 4))

    return _decode(z.reshape(-1), train_pos_edge_index.reshape(-1),
                   negative_edge_index.reshape(-1)).reshape(4, ED).T

# --- scband reference (transcript-rebuilt; emitter-appended) ---
"""Pipeline reference for scband-rgcnnet-42511586296381 (READ-ONLY COPY).

The authoritative reference and input builder live on the scoring server;
editing this copy changes nothing except your own understanding.
"""

import jax, jax.numpy as jnp
import numpy as np

N_NODES = 10000
N_EDGES = 320000
NUM_CLASSES = 4


def setup_inputs(seed: int = 0) -> dict:
    key = jax.random.key(seed)
    ks = jax.random.split(key, 12)
    x = jax.random.normal(ks[0], (N_NODES, 1), dtype=jnp.float32)
    train_edge_index = jax.random.randint(ks[1], (2, N_EDGES), 0, N_NODES, dtype=jnp.int32)
    train_pos_edge_index = jax.random.randint(ks[2], (2, N_EDGES), 0, N_NODES, dtype=jnp.int32)
    negative_edge_index = jax.random.randint(ks[3], (2, N_EDGES), 0, N_NODES, dtype=jnp.int32)
    # RGCNConv params (num_relations=1): relation weight, root weight, bias
    W1 = jax.random.normal(ks[4], (1, 128), dtype=jnp.float32) * 0.1
    root1 = jax.random.normal(ks[5], (1, 128), dtype=jnp.float32) * 0.1
    b1 = jnp.zeros((128,), dtype=jnp.float32)
    W2 = jax.random.normal(ks[6], (128, 64), dtype=jnp.float32) * 0.05
    root2 = jax.random.normal(ks[7], (128, 64), dtype=jnp.float32) * 0.05
    b2 = jnp.zeros((64,), dtype=jnp.float32)
    Wlin = jax.random.normal(ks[8], (64, NUM_CLASSES), dtype=jnp.float32) * 0.1
    blin = jnp.zeros((NUM_CLASSES,), dtype=jnp.float32)
    return {
        "x": x,
        "train_edge_index": train_edge_index,
        "train_pos_edge_index": train_pos_edge_index,
        "negative_edge_index": negative_edge_index,
        "W1": W1, "root1": root1, "b1": b1,
        "W2": W2, "root2": root2, "b2": b2,
        "Wlin": Wlin, "blin": blin,
    }


def _rgcn_layer(x, edge_index, W, root, b):
    # RGCNConv with a single relation (all edge_type treated as one relation),
    # mean aggregation over incoming messages + root transform + bias.
    src = edge_index[0]
    dst = edge_index[1]
    msg = jnp.take(x, src, axis=0) @ W
    agg = jax.ops.segment_sum(msg, dst, num_segments=N_NODES)
    cnt = jax.ops.segment_sum(jnp.ones((edge_index.shape[1],), dtype=x.dtype), dst, num_segments=N_NODES)
    agg = agg / jnp.maximum(cnt, 1.0)[:, None]
    return agg + x @ root + b


def reference(x, train_edge_index, train_pos_edge_index, negative_edge_index,
              W1, root1, b1, W2, root2, b2, Wlin, blin):
    # encode
    h = jax.nn.relu(_rgcn_layer(x, train_edge_index, W1, root1, b1))
    h = jax.nn.relu(_rgcn_layer(h, train_edge_index, W2, root2, b2))
    z = h @ Wlin + blin
    # decode(z, train_pos_edge_index, negative_edge_index)
    edge_index = jnp.concatenate([train_pos_edge_index, negative_edge_index], axis=-1)
    logits = jnp.take(z, edge_index[0], axis=0) * jnp.take(z, edge_index[1], axis=0)
    return jax.nn.softmax(logits, axis=-1)

if __name__ == "__main__":
    import jax
    _d = setup_inputs()
    print(jax.jit(kernel)(*tuple(_d.values())))

</pallas_src>

<mosaic_0001>
#map = affine_map<(d0, d1) -> (0, 0)>
module attributes {stable_mosaic.version = 14 : i64} {
  func.func @seg(%arg0: i32, %arg1: i32, %arg2: memref<10240x8xf32, #tpu.memory_space<hbm>>, %arg3: memref<1280x250xi32, #tpu.memory_space<hbm>>, %arg4: memref<1280x250xi32, #tpu.memory_space<hbm>>, %arg5: memref<10240x8xf32, #tpu.memory_space<hbm>>, %arg6: memref<20480x8xf32, #tpu.memory_space<hbm>>, %arg7: memref<40x250xi32, #tpu.memory_space<vmem>>, %arg8: memref<40x250xi32, #tpu.memory_space<vmem>>, %arg9: memref<4x250x8xf32, #tpu.memory_space<vmem>>, %arg10: memref<10240x8xf32, #tpu.memory_space<vmem_shared>>, %arg11: memref<!tpu.dma_semaphore, #tpu.memory_space<semaphore_mem>>, %arg12: memref<!tpu.dma_semaphore, #tpu.memory_space<semaphore_mem>>, %arg13: memref<!tpu.dma_semaphore, #tpu.memory_space<semaphore_mem>>, %arg14: memref<!tpu.dma_semaphore, #tpu.memory_space<semaphore_mem>>) attributes {dimension_semantics = [#tpu.dimension_semantics<core_parallel>, #tpu.dimension_semantics<subcore_parallel>], iteration_bounds = array<i64: 2, 16>, scalar_prefetch = 0 : i64, scratch_operands = 8 : i64, tpu.core_type = #tpu.core_type<sc_vector_subcore>, window_params = [{transform_indices = #map}, {transform_indices = #map}, {transform_indices = #map}, {transform_indices = #map}, {transform_indices = #map}]} {
    %mul3A = arith.constant 16 : i32
    %mul3A_0 = arith.muli %arg0, %mul3A : i32
    %add3A = arith.addi %mul3A_0, %arg1 : i32
    %mul3A_1 = arith.constant 640 : i32
    %mul3A_2 = arith.muli %arg1, %mul3A_1 : i32
    %mul3A_3 = arith.constant 640 : i32
    %mul3A_4 = arith.muli %arg1, %mul3A_3 : i32
    "tpu.region"() ({
      %run_scoped3A = tpu.sem_alloc : memref<!tpu.dma_semaphore, #tpu.memory_space<semaphore_mem>>
      %dma_start3A_69 = arith.constant 0 : i32
      %dma_start3A_70 = tpu.memref_slice %arg10[%mul3A_4, %dma_start3A_69] : memref<10240x8xf32, #tpu.memory_space<vmem_shared>> -> memref<640x8xf32, #tpu.memory_space<vmem_shared>>
      %dma_start3A_71 = arith.constant 0 : i32
      %dma_start3A_72 = tpu.memref_slice %arg5[%mul3A_2, %dma_start3A_71] : memref<10240x8xf32, #tpu.memory_space<hbm>> -> memref<640x8xf32, #tpu.memory_space<hbm>>
      tpu.enqueue_dma source(%dma_start3A_72 : memref<640x8xf32, #tpu.memory_space<hbm>>) target(%dma_start3A_70 : memref<640x8xf32, #tpu.memory_space<vmem_shared>>) target_semaphore(%run_scoped3A : memref<!tpu.dma_semaphore, #tpu.memory_space<semaphore_mem>>)
      %dma_wait3A = arith.constant 0 : i32
      %dma_wait3A_73 = tpu.memref_slice %arg10[%mul3A_4, %dma_wait3A] : memref<10240x8xf32, #tpu.memory_space<vmem_shared>> -> memref<640x8xf32, #tpu.memory_space<vmem_shared>>
      %dma_wait3A_74 = arith.constant 0 : i32
      %dma_wait3A_75 = tpu.memref_slice %arg5[%mul3A_2, %dma_wait3A_74] : memref<10240x8xf32, #tpu.memory_space<hbm>> -> memref<640x8xf32, #tpu.memory_space<hbm>>
      tpu.wait_dma2 semaphore(%run_scoped3A : memref<!tpu.dma_semaphore, #tpu.memory_space<semaphore_mem>>) src(%dma_wait3A_75 : memref<640x8xf32, #tpu.memory_space<hbm>>) dst(%dma_wait3A_73 : memref<640x8xf32, #tpu.memory_space<vmem_shared>>)
      tpu.yield
    }) : () -> ()
    %mul3A_5 = arith.constant 40 : i32
    %mul3A_6 = arith.muli %add3A, %mul3A_5 : i32
    "tpu.region"() ({
      %run_scoped3A = tpu.sem_alloc : memref<!tpu.dma_semaphore, #tpu.memory_space<semaphore_mem>>
      %dma_start3A_69 = arith.constant 0 : i32
      %dma_start3A_70 = tpu.memref_slice %arg3[%mul3A_6, %dma_start3A_69] : memref<1280x250xi32, #tpu.memory_space<hbm>> -> memref<40x250xi32, #tpu.memory_space<hbm>>
      %dma_start3A_71 = arith.constant 0 : i32
      %dma_start3A_72 = tpu.memref_slice %arg3[%mul3A_6, %dma_start3A_71] : memref<1280x250xi32, #tpu.memory_space<hbm>> -> memref<40x250xi32, #tpu.memory_space<hbm>>
      tpu.enqueue_dma source(%dma_start3A_72 : memref<40x250xi32, #tpu.memory_space<hbm>>) target(%arg7 : memref<40x250xi32, #tpu.memory_space<vmem>>) target_semaphore(%run_scoped3A : memref<!tpu.dma_semaphore, #tpu.memory_space<semaphore_mem>>)
      %dma_wait3A = arith.constant 0 : i32
      %dma_wait3A_73 = tpu.memref_slice %arg3[%mul3A_6, %dma_wait3A] : memref<1280x250xi32, #tpu.memory_space<hbm>> -> memref<40x250xi32, #tpu.memory_space<hbm>>
      %dma_wait3A_74 = arith.constant 0 : i32
      %dma_wait3A_75 = tpu.memref_slice %arg3[%mul3A_6, %dma_wait3A_74] : memref<1280x250xi32, #tpu.memory_space<hbm>> -> memref<40x250xi32, #tpu.memory_space<hbm>>
      tpu.wait_dma2 semaphore(%run_scoped3A : memref<!tpu.dma_semaphore, #tpu.memory_space<semaphore_mem>>) src(%dma_wait3A_75 : memref<40x250xi32, #tpu.memory_space<hbm>>) dst(%arg7 : memref<40x250xi32, #tpu.memory_space<vmem>>)
      tpu.yield
    }) : () -> ()
    %mul3A_7 = arith.constant 40 : i32
    %mul3A_8 = arith.muli %add3A, %mul3A_7 : i32
    "tpu.region"() ({
      %run_scoped3A = tpu.sem_alloc : memref<!tpu.dma_semaphore, #tpu.memory_space<semaphore_mem>>
      %dma_start3A_69 = arith.constant 0 : i32
      %dma_start3A_70 = tpu.memref_slice %arg4[%mul3A_8, %dma_start3A_69] : memref<1280x250xi32, #tpu.memory_space<hbm>> -> memref<40x250xi32, #tpu.memory_space<hbm>>
      %dma_start3A_71 = arith.constant 0 : i32
      %dma_start3A_72 = tpu.memref_slice %arg4[%mul3A_8, %dma_start3A_71] : memref<1280x250xi32, #tpu.memory_space<hbm>> -> memref<40x250xi32, #tpu.memory_space<hbm>>
      tpu.enqueue_dma source(%dma_start3A_72 : memref<40x250xi32, #tpu.memory_space<hbm>>) target(%arg8 : memref<40x250xi32, #tpu.memory_space<vmem>>) target_semaphore(%run_scoped3A : memref<!tpu.dma_semaphore, #tpu.memory_space<semaphore_mem>>)
      %dma_wait3A = arith.constant 0 : i32
      %dma_wait3A_73 = tpu.memref_slice %arg4[%mul3A_8, %dma_wait3A] : memref<1280x250xi32, #tpu.memory_space<hbm>> -> memref<40x250xi32, #tpu.memory_space<hbm>>
      %dma_wait3A_74 = arith.constant 0 : i32
      %dma_wait3A_75 = tpu.memref_slice %arg4[%mul3A_8, %dma_wait3A_74] : memref<1280x250xi32, #tpu.memory_space<hbm>> -> memref<40x250xi32, #tpu.memory_space<hbm>>
      tpu.wait_dma2 semaphore(%run_scoped3A : memref<!tpu.dma_semaphore, #tpu.memory_space<semaphore_mem>>) src(%dma_wait3A_75 : memref<40x250xi32, #tpu.memory_space<hbm>>) dst(%arg8 : memref<40x250xi32, #tpu.memory_space<vmem>>)
      tpu.yield
    }) : () -> ()
    %barrier3A = arith.constant 0 : index
    tpu.barrier barrier_id(%barrier3A)
    %dma_start3A = arith.constant 0 : i32
    %dma_start3A_9 = arith.constant 0 : i32
    %dma_start3A_10 = arith.constant 0 : i32
    %dma_start3A_11 = arith.constant 0 : i32
    %dma_start3A_12 = tpu.memref_slice %arg9[%dma_start3A_9, %dma_start3A_10, %dma_start3A_11] : memref<4x250x8xf32, #tpu.memory_space<vmem>> -> memref<1x250x8xf32, #tpu.memory_space<vmem>>
    %dma_start3A_13 = tpu.memref_squeeze %dma_start3A_12 : memref<1x250x8xf32, #tpu.memory_space<vmem>> -> memref<250x8xf32, #tpu.memory_space<vmem>>
    %dma_start3A_14 = arith.constant 0 : i32
    %dma_start3A_15 = tpu.memref_slice %arg7[%dma_start3A, %dma_start3A_14] : memref<40x250xi32, #tpu.memory_space<vmem>> -> memref<1x250xi32, #tpu.memory_space<vmem>>
    %dma_start3A_16 = tpu.memref_squeeze %dma_start3A_15 : memref<1x250xi32, #tpu.memory_space<vmem>> -> memref<250xi32, #tpu.memory_space<vmem>>
    %dma_start3A_17 = arith.constant 0 : i32
    %dma_start3A_18 = arith.constant 0 : i32
    %dma_start3A_19 = tpu.memref_slice %arg2[%dma_start3A_17, %dma_start3A_18] : memref<10240x8xf32, #tpu.memory_space<hbm>> -> memref<10240x8xf32, #tpu.memory_space<hbm>>
    tpu.enqueue_indirect_dma source(%dma_start3A_19 : memref<10240x8xf32, #tpu.memory_space<hbm>>) target(%dma_start3A_13 : memref<250x8xf32, #tpu.memory_space<vmem>>) offsets(%dma_start3A_16 : memref<250xi32, #tpu.memory_space<vmem>>) semaphore(%arg11 : memref<!tpu.dma_semaphore, #tpu.memory_space<semaphore_mem>>)
    %dma_start3A_20 = arith.constant 1 : i32
    %dma_start3A_21 = arith.constant 1 : i32
    %dma_start3A_22 = arith.constant 0 : i32
    %dma_start3A_23 = arith.constant 0 : i32
    %dma_start3A_24 = tpu.memref_slice %arg9[%dma_start3A_21, %dma_start3A_22, %dma_start3A_23] : memref<4x250x8xf32, #tpu.memory_space<vmem>> -> memref<1x250x8xf32, #tpu.memory_space<vmem>>
    %dma_start3A_25 = tpu.memref_squeeze %dma_start3A_24 : memref<1x250x8xf32, #tpu.memory_space<vmem>> -> memref<250x8xf32, #tpu.memory_space<vmem>>
    %dma_start3A_26 = arith.constant 0 : i32
    %dma_start3A_27 = tpu.memref_slice %arg7[%dma_start3A_20, %dma_start3A_26] : memref<40x250xi32, #tpu.memory_space<vmem>> -> memref<1x250xi32, #tpu.memory_space<vmem>>
    %dma_start3A_28 = tpu.memref_squeeze %dma_start3A_27 : memref<1x250xi32, #tpu.memory_space<vmem>> -> memref<250xi32, #tpu.memory_space<vmem>>
    %dma_start3A_29 = arith.constant 0 : i32
    %dma_start3A_30 = arith.constant 0 : i32
    %dma_start3A_31 = tpu.memref_slice %arg2[%dma_start3A_29, %dma_start3A_30] : memref<10240x8xf32, #tpu.memory_space<hbm>> -> memref<10240x8xf32, #tpu.memory_space<hbm>>
    tpu.enqueue_indirect_dma source(%dma_start3A_31 : memref<10240x8xf32, #tpu.memory_space<hbm>>) target(%dma_start3A_25 : memref<250x8xf32, #tpu.memory_space<vmem>>) offsets(%dma_start3A_28 : memref<250xi32, #tpu.memory_space<vmem>>) semaphore(%arg12 : memref<!tpu.dma_semaphore, #tpu.memory_space<semaphore_mem>>)
    %dma_start3A_32 = arith.constant 2 : i32
    %dma_start3A_33 = arith.constant 2 : i32
    %dma_start3A_34 = arith.constant 0 : i32
    %dma_start3A_35 = arith.constant 0 : i32
    %dma_start3A_36 = tpu.memref_slice %arg9[%dma_start3A_33, %dma_start3A_34, %dma_start3A_35] : memref<4x250x8xf32, #tpu.memory_space<vmem>> -> memref<1x250x8xf32, #tpu.memory_space<vmem>>
    %dma_start3A_37 = tpu.memref_squeeze %dma_start3A_36 : memref<1x250x8xf32, #tpu.memory_space<vmem>> -> memref<250x8xf32, #tpu.memory_space<vmem>>
    %dma_start3A_38 = arith.constant 0 : i32
    %dma_start3A_39 = tpu.memref_slice %arg7[%dma_start3A_32, %dma_start3A_38] : memref<40x250xi32, #tpu.memory_space<vmem>> -> memref<1x250xi32, #tpu.memory_space<vmem>>
    %dma_start3A_40 = tpu.memref_squeeze %dma_start3A_39 : memref<1x250xi32, #tpu.memory_space<vmem>> -> memref<250xi32, #tpu.memory_space<vmem>>
    %dma_start3A_41 = arith.constant 0 : i32
    %dma_start3A_42 = arith.constant 0 : i32
    %dma_start3A_43 = tpu.memref_slice %arg2[%dma_start3A_41, %dma_start3A_42] : memref<10240x8xf32, #tpu.memory_space<hbm>> -> memref<10240x8xf32, #tpu.memory_space<hbm>>
    tpu.enqueue_indirect_dma source(%dma_start3A_43 : memref<10240x8xf32, #tpu.memory_space<hbm>>) target(%dma_start3A_37 : memref<250x8xf32, #tpu.memory_space<vmem>>) offsets(%dma_start3A_40 : memref<250xi32, #tpu.memory_space<vmem>>) semaphore(%arg13 : memref<!tpu.dma_semaphore, #tpu.memory_space<semaphore_mem>>)
    %dma_start3A_44 = arith.constant 3 : i32
    %dma_start3A_45 = arith.constant 3 : i32
    %dma_start3A_46 = arith.constant 0 : i32
    %dma_start3A_47 = arith.constant 0 : i32
    %dma_start3A_48 = tpu.memref_slice %arg9[%dma_start3A_45, %dma_start3A_46, %dma_start3A_47] : memref<4x250x8xf32, #tpu.memory_space<vmem>> -> memref<1x250x8xf32, #tpu.memory_space<vmem>>
    %dma_start3A_49 = tpu.memref_squeeze %dma_start3A_48 : memref<1x250x8xf32, #tpu.memory_space<vmem>> -> memref<250x8xf32, #tpu.memory_space<vmem>>
    %dma_start3A_50 = arith.constant 0 : i32
    %dma_start3A_51 = tpu.memref_slice %arg7[%dma_start3A_44, %dma_start3A_50] : memref<40x250xi32, #tpu.memory_space<vmem>> -> memref<1x250xi32, #tpu.memory_space<vmem>>
    %dma_start3A_52 = tpu.memref_squeeze %dma_start3A_51 : memref<1x250xi32, #tpu.memory_space<vmem>> -> memref<250xi32, #tpu.memory_space<vmem>>
    %dma_start3A_53 = arith.constant 0 : i32
    %dma_start3A_54 = arith.constant 0 : i32
    %dma_start3A_55 = tpu.memref_slice %arg2[%dma_start3A_53, %dma_start3A_54] : memref<10240x8xf32, #tpu.memory_space<hbm>> -> memref<10240x8xf32, #tpu.memory_space<hbm>>
    tpu.enqueue_indirect_dma source(%dma_start3A_55 : memref<10240x8xf32, #tpu.memory_space<hbm>>) target(%dma_start3A_49 : memref<250x8xf32, #tpu.memory_space<vmem>>) offsets(%dma_start3A_52 : memref<250xi32, #tpu.memory_space<vmem>>) semaphore(%arg14 : memref<!tpu.dma_semaphore, #tpu.memory_space<semaphore_mem>>)
    %scan3A = arith.constant 0 : i32
    %scan3A_56 = arith.constant 0 : i32
    %scan3A_57 = arith.constant 10 : i32
    %scan3A_58 = arith.addi %scan3A_56, %scan3A_57 : i32
    %scan3A_59 = arith.constant 1 : i32
    scf.for %scan3A_69 = %scan3A_56 to %scan3A_58 step %scan3A_59  : i32 {
      %mul3A_70 = arith.constant 4 : i32
      %mul3A_71 = arith.muli %scan3A_69, %mul3A_70 : i32
      %add3A_72 = arith.constant 0 : i32
      %add3A_73 = arith.addi %mul3A_71, %add3A_72 : i32
      %dma_wait3A = arith.constant 0 : i32
      %dma_wait3A_74 = arith.constant 0 : i32
      %dma_wait3A_75 = arith.constant 0 : i32
      %dma_wait3A_76 = tpu.memref_slice %arg9[%dma_wait3A, %dma_wait3A_74, %dma_wait3A_75] : memref<4x250x8xf32, #tpu.memory_space<vmem>> -> memref<1x250x8xf32, #tpu.memory_space<vmem>>
      %dma_wait3A_77 = tpu.memref_squeeze %dma_wait3A_76 : memref<1x250x8xf32, #tpu.memory_space<vmem>> -> memref<250x8xf32, #tpu.memory_space<vmem>>
      %dma_wait3A_78 = arith.constant 0 : i32
      %dma_wait3A_79 = tpu.memref_slice %arg7[%add3A_73, %dma_wait3A_78] : memref<40x250xi32, #tpu.memory_space<vmem>> -> memref<1x250xi32, #tpu.memory_space<vmem>>
      %dma_wait3A_80 = tpu.memref_squeeze %dma_wait3A_79 : memref<1x250xi32, #tpu.memory_space<vmem>> -> memref<250xi32, #tpu.memory_space<vmem>>
      %dma_wait3A_81 = arith.constant 0 : i32
      %dma_wait3A_82 = arith.constant 0 : i32
      %dma_wait3A_83 = tpu.memref_slice %arg2[%dma_wait3A_81, %dma_wait3A_82] : memref<10240x8xf32, #tpu.memory_space<hbm>> -> memref<10240x8xf32, #tpu.memory_space<hbm>>
      tpu.wait_indirect_dma semaphore(%arg11 : memref<!tpu.dma_semaphore, #tpu.memory_space<semaphore_mem>>) src(%dma_wait3A_83 : memref<10240x8xf32, #tpu.memory_space<hbm>>) dst(%dma_wait3A_77 : memref<250x8xf32, #tpu.memory_space<vmem>>)
      %run_scoped3A = arith.constant 0 : i32
      "tpu.region"() ({
        %run_scoped3A_151 = tpu.sem_alloc : memref<!tpu.dma_semaphore, #tpu.memory_space<semaphore_mem>>
        %dma_start3A_152 = arith.constant 0 : i32
        %dma_start3A_153 = arith.constant 0 : i32
        %dma_start3A_154 = tpu.memref_slice %arg9[%run_scoped3A, %dma_start3A_152, %dma_start3A_153] : memref<4x250x8xf32, #tpu.memory_space<vmem>> -> memref<1x250x8xf32, #tpu.memory_space<vmem>>
        %dma_start3A_155 = tpu.memref_squeeze %dma_start3A_154 : memref<1x250x8xf32, #tpu.memory_space<vmem>> -> memref<250x8xf32, #tpu.memory_space<vmem>>
        %dma_start3A_156 = arith.constant 0 : i32
        %dma_start3A_157 = tpu.memref_slice %arg8[%add3A_73, %dma_start3A_156] : memref<40x250xi32, #tpu.memory_space<vmem>> -> memref<1x250xi32, #tpu.memory_space<vmem>>
        %dma_start3A_158 = tpu.memref_squeeze %dma_start3A_157 : memref<1x250xi32, #tpu.memory_space<vmem>> -> memref<250xi32, #tpu.memory_space<vmem>>
        %dma_start3A_159 = arith.constant 0 : i32
        %dma_start3A_160 = arith.constant 0 : i32
        %dma_start3A_161 = tpu.memref_slice %arg10[%dma_start3A_159, %dma_start3A_160] : memref<10240x8xf32, #tpu.memory_space<vmem_shared>> -> memref<10240x8xf32, #tpu.memory_space<vmem_shared>>
        tpu.enqueue_indirect_dma source(%dma_start3A_155 : memref<250x8xf32, #tpu.memory_space<vmem>>) target(%dma_start3A_161 : memref<10240x8xf32, #tpu.memory_space<vmem_shared>>) offsets(%dma_start3A_158 : memref<250xi32, #tpu.memory_space<vmem>>) semaphore(%run_scoped3A_151 : memref<!tpu.dma_semaphore, #tpu.memory_space<semaphore_mem>>) {add = true}
        %dma_wait3A_162 = arith.constant 0 : i32
        %dma_wait3A_163 = arith.constant 0 : i32
        %dma_wait3A_164 = tpu.memref_slice %arg9[%run_scoped3A, %dma_wait3A_162, %dma_wait3A_163] : memref<4x250x8xf32, #tpu.memory_space<vmem>> -> memref<1x250x8xf32, #tpu.memory_space<vmem>>
        %dma_wait3A_165 = tpu.memref_squeeze %dma_wait3A_164 : memref<1x250x8xf32, #tpu.memory_space<vmem>> -> memref<250x8xf32, #tpu.memory_space<vmem>>
        %dma_wait3A_166 = arith.constant 0 : i32
        %dma_wait3A_167 = tpu.memref_slice %arg8[%add3A_73, %dma_wait3A_166] : memref<40x250xi32, #tpu.memory_space<vmem>> -> memref<1x250xi32, #tpu.memory_space<vmem>>
        %dma_wait3A_168 = tpu.memref_squeeze %dma_wait3A_167 : memref<1x250xi32, #tpu.memory_space<vmem>> -> memref<250xi32, #tpu.memory_space<vmem>>
        %dma_wait3A_169 = arith.constant 0 : i32
        %dma_wait3A_170 = arith.constant 0 : i32
        %dma_wait3A_171 = tpu.memref_slice %arg10[%dma_wait3A_169, %dma_wait3A_170] : memref<10240x8xf32, #tpu.memory_space<vmem_shared>> -> memref<10240x8xf32, #tpu.memory_space<vmem_shared>>
        tpu.wait_indirect_dma semaphore(%run_scoped3A_151 : memref<!tpu.dma_semaphore, #tpu.memory_space<semaphore_mem>>) src(%dma_wait3A_165 : memref<250x8xf32, #tpu.memory_space<vmem>>) dst(%dma_wait3A_171 : memref<10240x8xf32, #tpu.memory_space<vmem_shared>>)
        tpu.yield
      }) : () -> ()
      %add3A_84 = arith.constant 4 : i32
      %add3A_85 = arith.addi %add3A_73, %add3A_84 : i32
      %lt3A = arith.constant 40 : i32
      %lt3A_86 = arith.cmpi slt, %add3A_85, %lt3A : i32
      %convert_element_type3A = arith.extui %lt3A_86 : i1 to i32
      %cond3A = arith.constant 0 : i32
      %cond3A_87 = arith.cmpi ne, %convert_element_type3A, %cond3A : i32
      scf.if %cond3A_87 {
        %add3A_151 = arith.constant 4 : i32
        %add3A_152 = arith.addi %add3A_73, %add3A_151 : i32
        %dma_start3A_153 = arith.constant 0 : i32
        %dma_start3A_154 = arith.constant 0 : i32
        %dma_start3A_155 = arith.constant 0 : i32
        %dma_start3A_156 = tpu.memref_slice %arg9[%dma_start3A_153, %dma_start3A_154, %dma_start3A_155] : memref<4x250x8xf32, #tpu.memory_space<vmem>> -> memref<1x250x8xf32, #tpu.memory_space<vmem>>
        %dma_start3A_157 = tpu.memref_squeeze %dma_start3A_156 : memref<1x250x8xf32, #tpu.memory_space<vmem>> -> memref<250x8xf32, #tpu.memory_space<vmem>>
        %dma_start3A_158 = arith.constant 0 : i32
        %dma_start3A_159 = tpu.memref_slice %arg7[%add3A_152, %dma_start3A_158] : memref<40x250xi32, #tpu.memory_space<vmem>> -> memref<1x250xi32, #tpu.memory_space<vmem>>
        %dma_start3A_160 = tpu.memref_squeeze %dma_start3A_159 : memref<1x250xi32, #tpu.memory_space<vmem>> -> memref<250xi32, #tpu.memory_space<vmem>>
        %dma_start3A_161 = arith.constant 0 : i32
        %dma_start3A_162 = arith.constant 0 : i32
        %dma_start3A_163 = tpu.memref_slice %arg2[%dma_start3A_161, %dma_start3A_162] : memref<10240x8xf32, #tpu.memory_space<hbm>> -> memref<10240x8xf32, #tpu.memory_space<hbm>>
        tpu.enqueue_indirect_dma source(%dma_start3A_163 : memref<10240x8xf32, #tpu.memory_space<hbm>>) target(%dma_start3A_157 : memref<250x8xf32, #tpu.memory_space<vmem>>) offsets(%dma_start3A_160 : memref<250xi32, #tpu.memory_space<vmem>>) semaphore(%arg11 : memref<!tpu.dma_semaphore, #tpu.memory_space<semaphore_mem>>)
      } else {
      }
      %add3A_88 = arith.constant 1 : i32
      %add3A_89 = arith.addi %mul3A_71, %add3A_88 : i32
      %dma_wait3A_90 = arith.constant 1 : i32
      %dma_wait3A_91 = arith.constant 0 : i32
      %dma_wait3A_92 = arith.constant 0 : i32
      %dma_wait3A_93 = tpu.memref_slice %arg9[%dma_wait3A_90, %dma_wait3A_91, %dma_wait3A_92] : memref<4x250x8xf32, #tpu.memory_space<vmem>> -> memref<1x250x8xf32, #tpu.memory_space<vmem>>
      %dma_wait3A_94 = tpu.memref_squeeze %dma_wait3A_93 : memref<1x250x8xf32, #tpu.memory_space<vmem>> -> memref<250x8xf32, #tpu.memory_space<vmem>>
      %dma_wait3A_95 = arith.constant 0 : i32
      %dma_wait3A_96 = tpu.memref_slice %arg7[%add3A_89, %dma_wait3A_95] : memref<40x250xi32, #tpu.memory_space<vmem>> -> memref<1x250xi32, #tpu.memory_space<vmem>>
      %dma_wait3A_97 = tpu.memref_squeeze %dma_wait3A_96 : memref<1x250xi32, #tpu.memory_space<vmem>> -> memref<250xi32, #tpu.memory_space<vmem>>
      %dma_wait3A_98 = arith.constant 0 : i32
      %dma_wait3A_99 = arith.constant 0 : i32
      %dma_wait3A_100 = tpu.memref_slice %arg2[%dma_wait3A_98, %dma_wait3A_99] : memref<10240x8xf32, #tpu.memory_space<hbm>> -> memref<10240x8xf32, #tpu.memory_space<hbm>>
      tpu.wait_indirect_dma semaphore(%arg12 : memref<!tpu.dma_semaphore, #tpu.memory_space<semaphore_mem>>) src(%dma_wait3A_100 : memref<10240x8xf32, #tpu.memory_space<hbm>>) dst(%dma_wait3A_94 : memref<250x8xf32, #tpu.memory_space<vmem>>)
      %run_scoped3A_101 = arith.constant 1 : i32
      "tpu.region"() ({
        %run_scoped3A_151 = tpu.sem_alloc : memref<!tpu.dma_semaphore, #tpu.memory_space<semaphore_mem>>
        %dma_start3A_152 = arith.constant 0 : i32
        %dma_start3A_153 = arith.constant 0 : i32
        %dma_start3A_154 = tpu.memref_slice %arg9[%run_scoped3A_101, %dma_start3A_152, %dma_start3A_153] : memref<4x250x8xf32, #tpu.memory_space<vmem>> -> memref<1x250x8xf32, #tpu.memory_space<vmem>>
        %dma_start3A_155 = tpu.memref_squeeze %dma_start3A_154 : memref<1x250x8xf32, #tpu.memory_space<vmem>> -> memref<250x8xf32, #tpu.memory_space<vmem>>
        %dma_start3A_156 = arith.constant 0 : i32
        %dma_start3A_157 = tpu.memref_slice %arg8[%add3A_89, %dma_start3A_156] : memref<40x250xi32, #tpu.memory_space<vmem>> -> memref<1x250xi32, #tpu.memory_space<vmem>>
        %dma_start3A_158 = tpu.memref_squeeze %dma_start3A_157 : memref<1x250xi32, #tpu.memory_space<vmem>> -> memref<250xi32, #tpu.memory_space<vmem>>
        %dma_start3A_159 = arith.constant 0 : i32
        %dma_start3A_160 = arith.constant 0 : i32
        %dma_start3A_161 = tpu.memref_slice %arg10[%dma_start3A_159, %dma_start3A_160] : memref<10240x8xf32, #tpu.memory_space<vmem_shared>> -> memref<10240x8xf32, #tpu.memory_space<vmem_shared>>
        tpu.enqueue_indirect_dma source(%dma_start3A_155 : memref<250x8xf32, #tpu.memory_space<vmem>>) target(%dma_start3A_161 : memref<10240x8xf32, #tpu.memory_space<vmem_shared>>) offsets(%dma_start3A_158 : memref<250xi32, #tpu.memory_space<vmem>>) semaphore(%run_scoped3A_151 : memref<!tpu.dma_semaphore, #tpu.memory_space<semaphore_mem>>) {add = true}
        %dma_wait3A_162 = arith.constant 0 : i32
        %dma_wait3A_163 = arith.constant 0 : i32
        %dma_wait3A_164 = tpu.memref_slice %arg9[%run_scoped3A_101, %dma_wait3A_162, %dma_wait3A_163] : memref<4x250x8xf32, #tpu.memory_space<vmem>> -> memref<1x250x8xf32, #tpu.memory_space<vmem>>
        %dma_wait3A_165 = tpu.memref_squeeze %dma_wait3A_164 : memref<1x250x8xf32, #tpu.memory_space<vmem>> -> memref<250x8xf32, #tpu.memory_space<vmem>>
        %dma_wait3A_166 = arith.constant 0 : i32
        %dma_wait3A_167 = tpu.memref_slice %arg8[%add3A_89, %dma_wait3A_166] : memref<40x250xi32, #tpu.memory_space<vmem>> -> memref<1x250xi32, #tpu.memory_space<vmem>>
        %dma_wait3A_168 = tpu.memref_squeeze %dma_wait3A_167 : memref<1x250xi32, #tpu.memory_space<vmem>> -> memref<250xi32, #tpu.memory_space<vmem>>
        %dma_wait3A_169 = arith.constant 0 : i32
        %dma_wait3A_170 = arith.constant 0 : i32
        %dma_wait3A_171 = tpu.memref_slice %arg10[%dma_wait3A_169, %dma_wait3A_170] : memref<10240x8xf32, #tpu.memory_space<vmem_shared>> -> memref<10240x8xf32, #tpu.memory_space<vmem_shared>>
        tpu.wait_indirect_dma semaphore(%run_scoped3A_151 : memref<!tpu.dma_semaphore, #tpu.memory_space<semaphore_mem>>) src(%dma_wait3A_165 : memref<250x8xf32, #tpu.memory_space<vmem>>) dst(%dma_wait3A_171 : memref<10240x8xf32, #tpu.memory_space<vmem_shared>>)
        tpu.yield
      }) : () -> ()
      %add3A_102 = arith.constant 4 : i32
      %add3A_103 = arith.addi %add3A_89, %add3A_102 : i32
      %lt3A_104 = arith.constant 40 : i32
      %lt3A_105 = arith.cmpi slt, %add3A_103, %lt3A_104 : i32
      %convert_element_type3A_106 = arith.extui %lt3A_105 : i1 to i32
      %cond3A_107 = arith.constant 0 : i32
      %cond3A_108 = arith.cmpi ne, %convert_element_type3A_106, %cond3A_107 : i32
      scf.if %cond3A_108 {
        %add3A_151 = arith.constant 4 : i32
        %add3A_152 = arith.addi %add3A_89, %add3A_151 : i32
        %dma_start3A_153 = arith.constant 1 : i32
        %dma_start3A_154 = arith.constant 0 : i32
        %dma_start3A_155 = arith.constant 0 : i32
        %dma_start3A_156 = tpu.memref_slice %arg9[%dma_start3A_153, %dma_start3A_154, %dma_start3A_155] : memref<4x250x8xf32, #tpu.memory_space<vmem>> -> memref<1x250x8xf32, #tpu.memory_space<vmem>>
        %dma_start3A_157 = tpu.memref_squeeze %dma_start3A_156 : memref<1x250x8xf32, #tpu.memory_space<vmem>> -> memref<250x8xf32, #tpu.memory_space<vmem>>
        %dma_start3A_158 = arith.constant 0 : i32
        %dma_start3A_159 = tpu.memref_slice %arg7[%add3A_152, %dma_start3A_158] : memref<40x250xi32, #tpu.memory_space<vmem>> -> memref<1x250xi32, #tpu.memory_space<vmem>>
        %dma_start3A_160 = tpu.memref_squeeze %dma_start3A_159 : memref<1x250xi32, #tpu.memory_space<vmem>> -> memref<250xi32, #tpu.memory_space<vmem>>
        %dma_start3A_161 = arith.constant 0 : i32
        %dma_start3A_162 = arith.constant 0 : i32
        %dma_start3A_163 = tpu.memref_slice %arg2[%dma_start3A_161, %dma_start3A_162] : memref<10240x8xf32, #tpu.memory_space<hbm>> -> memref<10240x8xf32, #tpu.memory_space<hbm>>
        tpu.enqueue_indirect_dma source(%dma_start3A_163 : memref<10240x8xf32, #tpu.memory_space<hbm>>) target(%dma_start3A_157 : memref<250x8xf32, #tpu.memory_space<vmem>>) offsets(%dma_start3A_160 : memref<250xi32, #tpu.memory_space<vmem>>) semaphore(%arg12 : memref<!tpu.dma_semaphore, #tpu.memory_space<semaphore_mem>>)
      } else {
      }
      %add3A_109 = arith.constant 2 : i32
      %add3A_110 = arith.addi %mul3A_71, %add3A_109 : i32
      %dma_wait3A_111 = arith.constant 2 : i32
      %dma_wait3A_112 = arith.constant 0 : i32
      %dma_wait3A_113 = arith.constant 0 : i32
      %dma_wait3A_114 = tpu.memref_slice %arg9[%dma_wait3A_111, %dma_wait3A_112, %dma_wait3A_113] : memref<4x250x8xf32, #tpu.memory_space<vmem>> -> memref<1x250x8xf32, #tpu.memory_space<vmem>>
      %dma_wait3A_115 = tpu.memref_squeeze %dma_wait3A_114 : memref<1x250x8xf32, #tpu.memory_space<vmem>> -> memref<250x8xf32, #tpu.memory_space<vmem>>
      %dma_wait3A_116 = arith.constant 0 : i32
      %dma_wait3A_117 = tpu.memref_slice %arg7[%add3A_110, %dma_wait3A_116] : memref<40x250xi32, #tpu.memory_space<vmem>> -> memref<1x250xi32, #tpu.memory_space<vmem>>
      %dma_wait3A_118 = tpu.memref_squeeze %dma_wait3A_117 : memref<1x250xi32, #tpu.memory_space<vmem>> -> memref<250xi32, #tpu.memory_space<vmem>>
      %dma_wait3A_119 = arith.constant 0 : i32
      %dma_wait3A_120 = arith.constant 0 : i32
      %dma_wait3A_121 = tpu.memref_slice %arg2[%dma_wait3A_119, %dma_wait3A_120] : memref<10240x8xf32, #tpu.memory_space<hbm>> -> memref<10240x8xf32, #tpu.memory_space<hbm>>
      tpu.wait_indirect_dma semaphore(%arg13 : memref<!tpu.dma_semaphore, #tpu.memory_space<semaphore_mem>>) src(%dma_wait3A_121 : memref<10240x8xf32, #tpu.memory_space<hbm>>) dst(%dma_wait3A_115 : memref<250x8xf32, #tpu.memory_space<vmem>>)
      %run_scoped3A_122 = arith.constant 2 : i32
      "tpu.region"() ({
        %run_scoped3A_151 = tpu.sem_alloc : memref<!tpu.dma_semaphore, #tpu.memory_space<semaphore_mem>>
        %dma_start3A_152 = arith.constant 0 : i32
        %dma_start3A_153 = arith.constant 0 : i32
        %dma_start3A_154 = tpu.memref_slice %arg9[%run_scoped3A_122, %dma_start3A_152, %dma_start3A_153] : memref<4x250x8xf32, #tpu.memory_space<vmem>> -> memref<1x250x8xf32, #tpu.memory_space<vmem>>
        %dma_start3A_155 = tpu.memref_squeeze %dma_start3A_154 : memref<1x250x8xf32, #tpu.memory_space<vmem>> -> memref<250x8xf32, #tpu.memory_space<vmem>>
        %dma_start3A_156 = arith.constant 0 : i32
        %dma_start3A_157 = tpu.memref_slice %arg8[%add3A_110, %dma_start3A_156] : memref<40x250xi32, #tpu.memory_space<vmem>> -> memref<1x250xi32, #tpu.memory_space<vmem>>
        %dma_start3A_158 = tpu.memref_squeeze %dma_start3A_157 : memref<1x250xi32, #tpu.memory_space<vmem>> -> memref<250xi32, #tpu.memory_space<vmem>>
        %dma_start3A_159 = arith.constant 0 : i32
        %dma_start3A_160 = arith.constant 0 : i32
        %dma_start3A_161 = tpu.memref_slice %arg10[%dma_start3A_159, %dma_start3A_160] : memref<10240x8xf32, #tpu.memory_space<vmem_shared>> -> memref<10240x8xf32, #tpu.memory_space<vmem_shared>>
        tpu.enqueue_indirect_dma source(%dma_start3A_155 : memref<250x8xf32, #tpu.memory_space<vmem>>) target(%dma_start3A_161 : memref<10240x8xf32, #tpu.memory_space<vmem_shared>>) offsets(%dma_start3A_158 : memref<250xi32, #tpu.memory_space<vmem>>) semaphore(%run_scoped3A_151 : memref<!tpu.dma_semaphore, #tpu.memory_space<semaphore_mem>>) {add = true}
        %dma_wait3A_162 = arith.constant 0 : i32
        %dma_wait3A_163 = arith.constant 0 : i32
        %dma_wait3A_164 = tpu.memref_slice %arg9[%run_scoped3A_122, %dma_wait3A_162, %dma_wait3A_163] : memref<4x250x8xf32, #tpu.memory_space<vmem>> -> memref<1x250x8xf32, #tpu.memory_space<vmem>>
        %dma_wait3A_165 = tpu.memref_squeeze %dma_wait3A_164 : memref<1x250x8xf32, #tpu.memory_space<vmem>> -> memref<250x8xf32, #tpu.memory_space<vmem>>
        %dma_wait3A_166 = arith.constant 0 : i32
        %dma_wait3A_167 = tpu.memref_slice %arg8[%add3A_110, %dma_wait3A_166] : memref<40x250xi32, #tpu.memory_space<vmem>> -> memref<1x250xi32, #tpu.memory_space<vmem>>
        %dma_wait3A_168 = tpu.memref_squeeze %dma_wait3A_167 : memref<1x250xi32, #tpu.memory_space<vmem>> -> memref<250xi32, #tpu.memory_space<vmem>>
        %dma_wait3A_169 = arith.constant 0 : i32
        %dma_wait3A_170 = arith.constant 0 : i32
        %dma_wait3A_171 = tpu.memref_slice %arg10[%dma_wait3A_169, %dma_wait3A_170] : memref<10240x8xf32, #tpu.memory_space<vmem_shared>> -> memref<10240x8xf32, #tpu.memory_space<vmem_shared>>
        tpu.wait_indirect_dma semaphore(%run_scoped3A_151 : memref<!tpu.dma_semaphore, #tpu.memory_space<semaphore_mem>>) src(%dma_wait3A_165 : memref<250x8xf32, #tpu.memory_space<vmem>>) dst(%dma_wait3A_171 : memref<10240x8xf32, #tpu.memory_space<vmem_shared>>)
        tpu.yield
      }) : () -> ()
      %add3A_123 = arith.constant 4 : i32
      %add3A_124 = arith.addi %add3A_110, %add3A_123 : i32
      %lt3A_125 = arith.constant 40 : i32
      %lt3A_126 = arith.cmpi slt, %add3A_124, %lt3A_125 : i32
      %convert_element_type3A_127 = arith.extui %lt3A_126 : i1 to i32
      %cond3A_128 = arith.constant 0 : i32
      %cond3A_129 = arith.cmpi ne, %convert_element_type3A_127, %cond3A_128 : i32
      scf.if %cond3A_129 {
        %add3A_151 = arith.constant 4 : i32
        %add3A_152 = arith.addi %add3A_110, %add3A_151 : i32
        %dma_start3A_153 = arith.constant 2 : i32
        %dma_start3A_154 = arith.constant 0 : i32
        %dma_start3A_155 = arith.constant 0 : i32
        %dma_start3A_156 = tpu.memref_slice %arg9[%dma_start3A_153, %dma_start3A_154, %dma_start3A_155] : memref<4x250x8xf32, #tpu.memory_space<vmem>> -> memref<1x250x8xf32, #tpu.memory_space<vmem>>
        %dma_start3A_157 = tpu.memref_squeeze %dma_start3A_156 : memref<1x250x8xf32, #tpu.memory_space<vmem>> -> memref<250x8xf32, #tpu.memory_space<vmem>>
        %dma_start3A_158 = arith.constant 0 : i32
        %dma_start3A_159 = tpu.memref_slice %arg7[%add3A_152, %dma_start3A_158] : memref<40x250xi32, #tpu.memory_space<vmem>> -> memref<1x250xi32, #tpu.memory_space<vmem>>
        %dma_start3A_160 = tpu.memref_squeeze %dma_start3A_159 : memref<1x250xi32, #tpu.memory_space<vmem>> -> memref<250xi32, #tpu.memory_space<vmem>>
        %dma_start3A_161 = arith.constant 0 : i32
        %dma_start3A_162 = arith.constant 0 : i32
        %dma_start3A_163 = tpu.memref_slice %arg2[%dma_start3A_161, %dma_start3A_162] : memref<10240x8xf32, #tpu.memory_space<hbm>> -> memref<10240x8xf32, #tpu.memory_space<hbm>>
        tpu.enqueue_indirect_dma source(%dma_start3A_163 : memref<10240x8xf32, #tpu.memory_space<hbm>>) target(%dma_start3A_157 : memref<250x8xf32, #tpu.memory_space<vmem>>) offsets(%dma_start3A_160 : memref<250xi32, #tpu.memory_space<vmem>>) semaphore(%arg13 : memref<!tpu.dma_semaphore, #tpu.memory_space<semaphore_mem>>)
      } else {
      }
      %add3A_130 = arith.constant 3 : i32
      %add3A_131 = arith.addi %mul3A_71, %add3A_130 : i32
      %dma_wait3A_132 = arith.constant 3 : i32
      %dma_wait3A_133 = arith.constant 0 : i32
      %dma_wait3A_134 = arith.constant 0 : i32
      %dma_wait3A_135 = tpu.memref_slice %arg9[%dma_wait3A_132, %dma_wait3A_133, %dma_wait3A_134] : memref<4x250x8xf32, #tpu.memory_space<vmem>> -> memref<1x250x8xf32, #tpu.memory_space<vmem>>
      %dma_wait3A_136 = tpu.memref_squeeze %dma_wait3A_135 : memref<1x250x8xf32, #tpu.memory_space<vmem>> -> memref<250x8xf32, #tpu.memory_space<vmem>>
      %dma_wait3A_137 = arith.constant 0 : i32
      %dma_wait3A_138 = tpu.memref_slice %arg7[%add3A_131, %dma_wait3A_137] : memref<40x250xi32, #tpu.memory_space<vmem>> -> memref<1x250xi32, #tpu.memory_space<vmem>>
      %dma_wait3A_139 = tpu.memref_squeeze %dma_wait3A_138 : memref<1x250xi32, #tpu.memory_space<vmem>> -> memref<250xi32, #tpu.memory_space<vmem>>
      %dma_wait3A_140 = arith.constant 0 : i32
      %dma_wait3A_141 = arith.constant 0 : i32
      %dma_wait3A_142 = tpu.memref_slice %arg2[%dma_wait3A_140, %dma_wait3A_141] : memref<10240x8xf32, #tpu.memory_space<hbm>> -> memref<10240x8xf32, #tpu.memory_space<hbm>>
      tpu.wait_indirect_dma semaphore(%arg14 : memref<!tpu.dma_semaphore, #tpu.memory_space<semaphore_mem>>) src(%dma_wait3A_142 : memref<10240x8xf32, #tpu.memory_space<hbm>>) dst(%dma_wait3A_136 : memref<250x8xf32, #tpu.memory_space<vmem>>)
      %run_scoped3A_143 = arith.constant 3 : i32
      "tpu.region"() ({
        %run_scoped3A_151 = tpu.sem_alloc : memref<!tpu.dma_semaphore, #tpu.memory_space<semaphore_mem>>
        %dma_start3A_152 = arith.constant 0 : i32
        %dma_start3A_153 = arith.constant 0 : i32
        %dma_start3A_154 = tpu.memref_slice %arg9[%run_scoped3A_143, %dma_start3A_152, %dma_start3A_153] : memref<4x250x8xf32, #tpu.memory_space<vmem>> -> memref<1x250x8xf32, #tpu.memory_space<vmem>>
        %dma_start3A_155 = tpu.memref_squeeze %dma_start3A_154 : memref<1x250x8xf32, #tpu.memory_space<vmem>> -> memref<250x8xf32, #tpu.memory_space<vmem>>
        %dma_start3A_156 = arith.constant 0 : i32
        %dma_start3A_157 = tpu.memref_slice %arg8[%add3A_131, %dma_start3A_156] : memref<40x250xi32, #tpu.memory_space<vmem>> -> memref<1x250xi32, #tpu.memory_space<vmem>>
        %dma_start3A_158 = tpu.memref_squeeze %dma_start3A_157 : memref<1x250xi32, #tpu.memory_space<vmem>> -> memref<250xi32, #tpu.memory_space<vmem>>
        %dma_start3A_159 = arith.constant 0 : i32
        %dma_start3A_160 = arith.constant 0 : i32
        %dma_start3A_161 = tpu.memref_slice %arg10[%dma_start3A_159, %dma_start3A_160] : memref<10240x8xf32, #tpu.memory_space<vmem_shared>> -> memref<10240x8xf32, #tpu.memory_space<vmem_shared>>
        tpu.enqueue_indirect_dma source(%dma_start3A_155 : memref<250x8xf32, #tpu.memory_space<vmem>>) target(%dma_start3A_161 : memref<10240x8xf32, #tpu.memory_space<vmem_shared>>) offsets(%dma_start3A_158 : memref<250xi32, #tpu.memory_space<vmem>>) semaphore(%run_scoped3A_151 : memref<!tpu.dma_semaphore, #tpu.memory_space<semaphore_mem>>) {add = true}
        %dma_wait3A_162 = arith.constant 0 : i32
        %dma_wait3A_163 = arith.constant 0 : i32
        %dma_wait3A_164 = tpu.memref_slice %arg9[%run_scoped3A_143, %dma_wait3A_162, %dma_wait3A_163] : memref<4x250x8xf32, #tpu.memory_space<vmem>> -> memref<1x250x8xf32, #tpu.memory_space<vmem>>
        %dma_wait3A_165 = tpu.memref_squeeze %dma_wait3A_164 : memref<1x250x8xf32, #tpu.memory_space<vmem>> -> memref<250x8xf32, #tpu.memory_space<vmem>>
        %dma_wait3A_166 = arith.constant 0 : i32
        %dma_wait3A_167 = tpu.memref_slice %arg8[%add3A_131, %dma_wait3A_166] : memref<40x250xi32, #tpu.memory_space<vmem>> -> memref<1x250xi32, #tpu.memory_space<vmem>>
        %dma_wait3A_168 = tpu.memref_squeeze %dma_wait3A_167 : memref<1x250xi32, #tpu.memory_space<vmem>> -> memref<250xi32, #tpu.memory_space<vmem>>
        %dma_wait3A_169 = arith.constant 0 : i32
        %dma_wait3A_170 = arith.constant 0 : i32
        %dma_wait3A_171 = tpu.memref_slice %arg10[%dma_wait3A_169, %dma_wait3A_170] : memref<10240x8xf32, #tpu.memory_space<vmem_shared>> -> memref<10240x8xf32, #tpu.memory_space<vmem_shared>>
        tpu.wait_indirect_dma semaphore(%run_scoped3A_151 : memref<!tpu.dma_semaphore, #tpu.memory_space<semaphore_mem>>) src(%dma_wait3A_165 : memref<250x8xf32, #tpu.memory_space<vmem>>) dst(%dma_wait3A_171 : memref<10240x8xf32, #tpu.memory_space<vmem_shared>>)
        tpu.yield
      }) : () -> ()
      %add3A_144 = arith.constant 4 : i32
      %add3A_145 = arith.addi %add3A_131, %add3A_144 : i32
      %lt3A_146 = arith.constant 40 : i32
      %lt3A_147 = arith.cmpi slt, %add3A_145, %lt3A_146 : i32
      %convert_element_type3A_148 = arith.extui %lt3A_147 : i1 to i32
      %cond3A_149 = arith.constant 0 : i32
      %cond3A_150 = arith.cmpi ne, %convert_element_type3A_148, %cond3A_149 : i32
      scf.if %cond3A_150 {
        %add3A_151 = arith.constant 4 : i32
        %add3A_152 = arith.addi %add3A_131, %add3A_151 : i32
        %dma_start3A_153 = arith.constant 3 : i32
        %dma_start3A_154 = arith.constant 0 : i32
        %dma_start3A_155 = arith.constant 0 : i32
        %dma_start3A_156 = tpu.memref_slice %arg9[%dma_start3A_153, %dma_start3A_154, %dma_start3A_155] : memref<4x250x8xf32, #tpu.memory_space<vmem>> -> memref<1x250x8xf32, #tpu.memory_space<vmem>>
        %dma_start3A_157 = tpu.memref_squeeze %dma_start3A_156 : memref<1x250x8xf32, #tpu.memory_space<vmem>> -> memref<250x8xf32, #tpu.memory_space<vmem>>
        %dma_start3A_158 = arith.constant 0 : i32
        %dma_start3A_159 = tpu.memref_slice %arg7[%add3A_152, %dma_start3A_158] : memref<40x250xi32, #tpu.memory_space<vmem>> -> memref<1x250xi32, #tpu.memory_space<vmem>>
        %dma_start3A_160 = tpu.memref_squeeze %dma_start3A_159 : memref<1x250xi32, #tpu.memory_space<vmem>> -> memref<250xi32, #tpu.memory_space<vmem>>
        %dma_start3A_161 = arith.constant 0 : i32
        %dma_start3A_162 = arith.constant 0 : i32
        %dma_start3A_163 = tpu.memref_slice %arg2[%dma_start3A_161, %dma_start3A_162] : memref<10240x8xf32, #tpu.memory_space<hbm>> -> memref<10240x8xf32, #tpu.memory_space<hbm>>
        tpu.enqueue_indirect_dma source(%dma_start3A_163 : memref<10240x8xf32, #tpu.memory_space<hbm>>) target(%dma_start3A_157 : memref<250x8xf32, #tpu.memory_space<vmem>>) offsets(%dma_start3A_160 : memref<250xi32, #tpu.memory_space<vmem>>) semaphore(%arg14 : memref<!tpu.dma_semaphore, #tpu.memory_space<semaphore_mem>>)
      } else {
      }
    }
    %scan3A_60 = arith.constant 10 : i32
    %barrier3A_61 = arith.constant 0 : index
    tpu.barrier barrier_id(%barrier3A_61)
    %mul3A_62 = arith.constant 640 : i32
    %mul3A_63 = arith.muli %arg1, %mul3A_62 : i32
    %mul3A_64 = arith.constant 10240 : i32
    %mul3A_65 = arith.muli %arg0, %mul3A_64 : i32
    %mul3A_66 = arith.constant 640 : i32
    %mul3A_67 = arith.muli %arg1, %mul3A_66 : i32
    %add3A_68 = arith.addi %mul3A_65, %mul3A_67 : i32
    "tpu.region"() ({
      %run_scoped3A = tpu.sem_alloc : memref<!tpu.dma_semaphore, #tpu.memory_space<semaphore_mem>>
      %dma_start3A_69 = arith.constant 0 : i32
      %dma_start3A_70 = tpu.memref_slice %arg6[%add3A_68, %dma_start3A_69] : memref<20480x8xf32, #tpu.memory_space<hbm>> -> memref<640x8xf32, #tpu.memory_space<hbm>>
      %dma_start3A_71 = arith.constant 0 : i32
      %dma_start3A_72 = tpu.memref_slice %arg10[%mul3A_63, %dma_start3A_71] : memref<10240x8xf32, #tpu.memory_space<vmem_shared>> -> memref<640x8xf32, #tpu.memory_space<vmem_shared>>
      tpu.enqueue_dma source(%dma_start3A_72 : memref<640x8xf32, #tpu.memory_space<vmem_shared>>) target(%dma_start3A_70 : memref<640x8xf32, #tpu.memory_space<hbm>>) target_semaphore(%run_scoped3A : memref<!tpu.dma_semaphore, #tpu.memory_space<semaphore_mem>>)
      %dma_wait3A = arith.constant 0 : i32
      %dma_wait3A_73 = tpu.memref_slice %arg6[%add3A_68, %dma_wait3A] : memref<20480x8xf32, #tpu.memory_space<hbm>> -> memref<640x8xf32, #tpu.memory_space<hbm>>
      %dma_wait3A_74 = arith.constant 0 : i32
      %dma_wait3A_75 = tpu.memref_slice %arg10[%mul3A_63, %dma_wait3A_74] : memref<10240x8xf32, #tpu.memory_space<vmem_shared>> -> memref<640x8xf32, #tpu.memory_space<vmem_shared>>
      tpu.wait_dma2 semaphore(%run_scoped3A : memref<!tpu.dma_semaphore, #tpu.memory_space<semaphore_mem>>) src(%dma_wait3A_75 : memref<640x8xf32, #tpu.memory_space<vmem_shared>>) dst(%dma_wait3A_73 : memref<640x8xf32, #tpu.memory_space<hbm>>)
      tpu.yield
    }) : () -> ()
    return
  }
}

#map = affine_map<(d0, d1) -> (0)>
module attributes {stable_mosaic.version = 14 : i64} {
  func.func @dec(%arg0: i32, %arg1: i32, %arg2: memref<40960xf32, #tpu.memory_space<hbm>>, %arg3: memref<640000xi32, #tpu.memory_space<hbm>>, %arg4: memref<640000xi32, #tpu.memory_space<hbm>>, %arg5: memref<2560000xf32, #tpu.memory_space<hbm>>, %arg6: memref<40960xf32, #tpu.memory_space<vmem>>, %arg7: memref<2000xi32, #tpu.memory_space<vmem>>, %arg8: memref<2000xi32, #tpu.memory_space<vmem>>, %arg9: memref<8000xf32, #tpu.memory_space<vmem>>) attributes {dimension_semantics = [#tpu.dimension_semantics<core_parallel>, #tpu.dimension_semantics<subcore_parallel>], iteration_bounds = array<i64: 2, 16>, scalar_prefetch = 0 : i64, scratch_operands = 4 : i64, tpu.core_type = #tpu.core_type<sc_vector_subcore>, window_params = [{transform_indices = #map}, {transform_indices = #map}, {transform_indices = #map}, {transform_indices = #map}]} {
    %mul3A = arith.constant 16 : i32
    %mul3A_0 = arith.muli %arg0, %mul3A : i32
    %add3A = arith.addi %mul3A_0, %arg1 : i32
    %rem3A = arith.constant 16 : i32
    %rem3A_1 = arith.remsi %add3A, %rem3A : i32
    "tpu.region"() ({
      %run_scoped3A = tpu.sem_alloc : memref<!tpu.dma_semaphore, #tpu.memory_space<semaphore_mem>>
      tpu.enqueue_dma source(%arg2 : memref<40960xf32, #tpu.memory_space<hbm>>) target(%arg6 : memref<40960xf32, #tpu.memory_space<vmem>>) target_semaphore(%run_scoped3A : memref<!tpu.dma_semaphore, #tpu.memory_space<semaphore_mem>>)
      tpu.wait_dma2 semaphore(%run_scoped3A : memref<!tpu.dma_semaphore, #tpu.memory_space<semaphore_mem>>) src(%arg2 : memref<40960xf32, #tpu.memory_space<hbm>>) dst(%arg6 : memref<40960xf32, #tpu.memory_space<vmem>>)
      tpu.yield
    }) : () -> ()
    %lt3A = arith.constant 16 : i32
    %lt3A_2 = arith.cmpi slt, %add3A, %lt3A : i32
    %convert_element_type3A = arith.extui %lt3A_2 : i1 to i32
    %cond3A = arith.constant 0 : i32
    %cond3A_3 = arith.cmpi ne, %convert_element_type3A, %cond3A : i32
    scf.if %cond3A_3 {
      %scan3A = arith.constant 0 : i32
      %scan3A_8 = arith.constant 0 : i32
      %scan3A_9 = arith.constant 10 : i32
      %scan3A_10 = arith.addi %scan3A_8, %scan3A_9 : i32
      %scan3A_11 = arith.constant 1 : i32
      scf.for %scan3A_13 = %scan3A_8 to %scan3A_10 step %scan3A_11  : i32 {
        %mul3A_14 = arith.constant 20000 : i32
        %mul3A_15 = arith.muli %rem3A_1, %mul3A_14 : i32
        %mul3A_16 = arith.constant 2000 : i32
        %mul3A_17 = arith.muli %scan3A_13, %mul3A_16 : i32
        %add3A_18 = arith.addi %mul3A_15, %mul3A_17 : i32
        "tpu.region"() ({
          %run_scoped3A = tpu.sem_alloc : memref<!tpu.dma_semaphore, #tpu.memory_space<semaphore_mem>>
          %dma_start3A = tpu.memref_slice %arg3[%add3A_18] : memref<640000xi32, #tpu.memory_space<hbm>> -> memref<2000xi32, #tpu.memory_space<hbm>>
          %dma_start3A_36 = tpu.memref_slice %arg3[%add3A_18] : memref<640000xi32, #tpu.memory_space<hbm>> -> memref<2000xi32, #tpu.memory_space<hbm>>
          tpu.enqueue_dma source(%dma_start3A_36 : memref<2000xi32, #tpu.memory_space<hbm>>) target(%arg7 : memref<2000xi32, #tpu.memory_space<vmem>>) target_semaphore(%run_scoped3A : memref<!tpu.dma_semaphore, #tpu.memory_space<semaphore_mem>>)
          %dma_wait3A = tpu.memref_slice %arg3[%add3A_18] : memref<640000xi32, #tpu.memory_space<hbm>> -> memref<2000xi32, #tpu.memory_space<hbm>>
          %dma_wait3A_37 = tpu.memref_slice %arg3[%add3A_18] : memref<640000xi32, #tpu.memory_space<hbm>> -> memref<2000xi32, #tpu.memory_space<hbm>>
          tpu.wait_dma2 semaphore(%run_scoped3A : memref<!tpu.dma_semaphore, #tpu.memory_space<semaphore_mem>>) src(%dma_wait3A_37 : memref<2000xi32, #tpu.memory_space<hbm>>) dst(%arg7 : memref<2000xi32, #tpu.memory_space<vmem>>)
          tpu.yield
        }) : () -> ()
        %add3A_19 = arith.constant 320000 : i32
        %add3A_20 = arith.addi %add3A_19, %add3A_18 : i32
        "tpu.region"() ({
          %run_scoped3A = tpu.sem_alloc : memref<!tpu.dma_semaphore, #tpu.memory_space<semaphore_mem>>
          %dma_start3A = tpu.memref_slice %arg3[%add3A_20] : memref<640000xi32, #tpu.memory_space<hbm>> -> memref<2000xi32, #tpu.memory_space<hbm>>
          %dma_start3A_36 = tpu.memref_slice %arg3[%add3A_20] : memref<640000xi32, #tpu.memory_space<hbm>> -> memref<2000xi32, #tpu.memory_space<hbm>>
          tpu.enqueue_dma source(%dma_start3A_36 : memref<2000xi32, #tpu.memory_space<hbm>>) target(%arg8 : memref<2000xi32, #tpu.memory_space<vmem>>) target_semaphore(%run_scoped3A : memref<!tpu.dma_semaphore, #tpu.memory_space<semaphore_mem>>)
          %dma_wait3A = tpu.memref_slice %arg3[%add3A_20] : memref<640000xi32, #tpu.memory_space<hbm>> -> memref<2000xi32, #tpu.memory_space<hbm>>
          %dma_wait3A_37 = tpu.memref_slice %arg3[%add3A_20] : memref<640000xi32, #tpu.memory_space<hbm>> -> memref<2000xi32, #tpu.memory_space<hbm>>
          tpu.wait_dma2 semaphore(%run_scoped3A : memref<!tpu.dma_semaphore, #tpu.memory_space<semaphore_mem>>) src(%dma_wait3A_37 : memref<2000xi32, #tpu.memory_space<hbm>>) dst(%arg8 : memref<2000xi32, #tpu.memory_space<vmem>>)
          tpu.yield
        }) : () -> ()
        %parallel_loop3A = arith.constant 0 : i32
        %parallel_loop3A_21 = arith.constant 125 : i32
        %parallel_loop3A_22 = arith.constant 1 : i32
        scf.for %parallel_loop3A_36 = %parallel_loop3A to %parallel_loop3A_21 step %parallel_loop3A_22  : i32 {
          %parallel_loop3A_37 = arith.constant 16 : i32
          %parallel_loop3A_38 = arith.muli %parallel_loop3A_36, %parallel_loop3A_37 : i32
          %parallel_loop3A_39 = arith.index_cast %parallel_loop3A_38 : i32 to index
          %parallel_loop3A_40 = tpu.vector_load %arg7[%parallel_loop3A_39] {strides = array<i32>} : memref<2000xi32, #tpu.memory_space<vmem>>, vector<16xi32>,
          %parallel_loop3A_41 = arith.constant 4 : i32
          %parallel_loop3A_42 = vector.broadcast %parallel_loop3A_41 : i32 to vector<16xi32>
          %parallel_loop3A_43 = arith.muli %parallel_loop3A_40, %parallel_loop3A_42 : vector<16xi32>
          %parallel_loop3A_44 = arith.constant 16 : i32
          %parallel_loop3A_45 = arith.muli %parallel_loop3A_36, %parallel_loop3A_44 : i32
          %parallel_loop3A_46 = arith.index_cast %parallel_loop3A_45 : i32 to index
          %parallel_loop3A_47 = tpu.vector_load %arg8[%parallel_loop3A_46] {strides = array<i32>} : memref<2000xi32, #tpu.memory_space<vmem>>, vector<16xi32>,
          %parallel_loop3A_48 = arith.constant 4 : i32
          %parallel_loop3A_49 = vector.broadcast %parallel_loop3A_48 : i32 to vector<16xi32>
          %parallel_loop3A_50 = arith.muli %parallel_loop3A_47, %parallel_loop3A_49 : vector<16xi32>
          %parallel_loop3A_51 = arith.constant 0 : i32
          %parallel_loop3A_52 = vector.broadcast %parallel_loop3A_51 : i32 to vector<16xi32>
          %parallel_loop3A_53 = arith.addi %parallel_loop3A_43, %parallel_loop3A_52 : vector<16xi32>
          %parallel_loop3A_54 = tpu.vector_load_idx %arg6[%parallel_loop3A_53] : memref<40960xf32, #tpu.memory_space<vmem>>[vector<16xi32>], vector<16xf32>,
          %parallel_loop3A_55 = arith.constant 0 : i32
          %parallel_loop3A_56 = vector.broadcast %parallel_loop3A_55 : i32 to vector<16xi32>
          %parallel_loop3A_57 = arith.addi %parallel_loop3A_50, %parallel_loop3A_56 : vector<16xi32>
          %parallel_loop3A_58 = tpu.vector_load_idx %arg6[%parallel_loop3A_57] : memref<40960xf32, #tpu.memory_space<vmem>>[vector<16xi32>], vector<16xf32>,
          %parallel_loop3A_59 = arith.mulf %parallel_loop3A_54, %parallel_loop3A_58 : vector<16xf32>
          %parallel_loop3A_60 = arith.constant 1 : i32
          %parallel_loop3A_61 = vector.broadcast %parallel_loop3A_60 : i32 to vector<16xi32>
          %parallel_loop3A_62 = arith.addi %parallel_loop3A_43, %parallel_loop3A_61 : vector<16xi32>
          %parallel_loop3A_63 = tpu.vector_load_idx %arg6[%parallel_loop3A_62] : memref<40960xf32, #tpu.memory_space<vmem>>[vector<16xi32>], vector<16xf32>,
          %parallel_loop3A_64 = arith.constant 1 : i32
          %parallel_loop3A_65 = vector.broadcast %parallel_loop3A_64 : i32 to vector<16xi32>
          %parallel_loop3A_66 = arith.addi %parallel_loop3A_50, %parallel_loop3A_65 : vector<16xi32>
          %parallel_loop3A_67 = tpu.vector_load_idx %arg6[%parallel_loop3A_66] : memref<40960xf32, #tpu.memory_space<vmem>>[vector<16xi32>], vector<16xf32>,
          %parallel_loop3A_68 = arith.mulf %parallel_loop3A_63, %parallel_loop3A_67 : vector<16xf32>
          %parallel_loop3A_69 = arith.constant 2 : i32
          %parallel_loop3A_70 = vector.broadcast %parallel_loop3A_69 : i32 to vector<16xi32>
          %parallel_loop3A_71 = arith.addi %parallel_loop3A_43, %parallel_loop3A_70 : vector<16xi32>
          %parallel_loop3A_72 = tpu.vector_load_idx %arg6[%parallel_loop3A_71] : memref<40960xf32, #tpu.memory_space<vmem>>[vector<16xi32>], vector<16xf32>,
          %parallel_loop3A_73 = arith.constant 2 : i32
          %parallel_loop3A_74 = vector.broadcast %parallel_loop3A_73 : i32 to vector<16xi32>
          %parallel_loop3A_75 = arith.addi %parallel_loop3A_50, %parallel_loop3A_74 : vector<16xi32>
          %parallel_loop3A_76 = tpu.vector_load_idx %arg6[%parallel_loop3A_75] : memref<40960xf32, #tpu.memory_space<vmem>>[vector<16xi32>], vector<16xf32>,
          %parallel_loop3A_77 = arith.mulf %parallel_loop3A_72, %parallel_loop3A_76 : vector<16xf32>
          %parallel_loop3A_78 = arith.constant 3 : i32
          %parallel_loop3A_79 = vector.broadcast %parallel_loop3A_78 : i32 to vector<16xi32>
          %parallel_loop3A_80 = arith.addi %parallel_loop3A_43, %parallel_loop3A_79 : vector<16xi32>
          %parallel_loop3A_81 = tpu.vector_load_idx %arg6[%parallel_loop3A_80] : memref<40960xf32, #tpu.memory_space<vmem>>[vector<16xi32>], vector<16xf32>,
          %parallel_loop3A_82 = arith.constant 3 : i32
          %parallel_loop3A_83 = vector.broadcast %parallel_loop3A_82 : i32 to vector<16xi32>
          %parallel_loop3A_84 = arith.addi %parallel_loop3A_50, %parallel_loop3A_83 : vector<16xi32>
          %parallel_loop3A_85 = tpu.vector_load_idx %arg6[%parallel_loop3A_84] : memref<40960xf32, #tpu.memory_space<vmem>>[vector<16xi32>], vector<16xf32>,
          %parallel_loop3A_86 = arith.mulf %parallel_loop3A_81, %parallel_loop3A_85 : vector<16xf32>
          %parallel_loop3A_87 = arith.maximumf %parallel_loop3A_59, %parallel_loop3A_68 : vector<16xf32>
          %parallel_loop3A_88 = arith.maximumf %parallel_loop3A_77, %parallel_loop3A_86 : vector<16xf32>
          %parallel_loop3A_89 = arith.maximumf %parallel_loop3A_87, %parallel_loop3A_88 : vector<16xf32>
          %parallel_loop3A_90 = arith.subf %parallel_loop3A_59, %parallel_loop3A_89 : vector<16xf32>
          %parallel_loop3A_91 = math.exp %parallel_loop3A_90 : vector<16xf32>
          %parallel_loop3A_92 = arith.subf %parallel_loop3A_68, %parallel_loop3A_89 : vector<16xf32>
          %parallel_loop3A_93 = math.exp %parallel_loop3A_92 : vector<16xf32>
          %parallel_loop3A_94 = arith.subf %parallel_loop3A_77, %parallel_loop3A_89 : vector<16xf32>
          %parallel_loop3A_95 = math.exp %parallel_loop3A_94 : vector<16xf32>
          %parallel_loop3A_96 = arith.subf %parallel_loop3A_86, %parallel_loop3A_89 : vector<16xf32>
          %parallel_loop3A_97 = math.exp %parallel_loop3A_96 : vector<16xf32>
          %parallel_loop3A_98 = arith.addf %parallel_loop3A_91, %parallel_loop3A_93 : vector<16xf32>
          %parallel_loop3A_99 = arith.addf %parallel_loop3A_95, %parallel_loop3A_97 : vector<16xf32>
          %parallel_loop3A_100 = arith.addf %parallel_loop3A_98, %parallel_loop3A_99 : vector<16xf32>
          %parallel_loop3A_101 = arith.constant 1.000000e+00 : f32
          %parallel_loop3A_102 = vector.broadcast %parallel_loop3A_101 : f32 to vector<16xf32>
          %parallel_loop3A_103 = arith.divf %parallel_loop3A_102, %parallel_loop3A_100 : vector<16xf32>
          %parallel_loop3A_104 = arith.constant 16 : i32
          %parallel_loop3A_105 = arith.muli %parallel_loop3A_36, %parallel_loop3A_104 : i32
          %parallel_loop3A_106 = tpu.iota {dimensions = array<i32: 0>} : vector<16xi32>
          %parallel_loop3A_107 = vector.broadcast %parallel_loop3A_105 : i32 to vector<16xi32>
          %parallel_loop3A_108 = arith.addi %parallel_loop3A_107, %parallel_loop3A_106 : vector<16xi32>
          %parallel_loop3A_109 = arith.constant 0 : i32
          %parallel_loop3A_110 = vector.broadcast %parallel_loop3A_109 : i32 to vector<16xi32>
          %parallel_loop3A_111 = arith.addi %parallel_loop3A_110, %parallel_loop3A_108 : vector<16xi32>
          %parallel_loop3A_112 = arith.mulf %parallel_loop3A_91, %parallel_loop3A_103 : vector<16xf32>
          tpu.vector_store_idx %arg9[%parallel_loop3A_111], %parallel_loop3A_112 : memref<8000xf32, #tpu.memory_space<vmem>>[vector<16xi32>], vector<16xf32>,
          %parallel_loop3A_113 = arith.constant 2000 : i32
          %parallel_loop3A_114 = vector.broadcast %parallel_loop3A_113 : i32 to vector<16xi32>
          %parallel_loop3A_115 = arith.addi %parallel_loop3A_114, %parallel_loop3A_108 : vector<16xi32>
          %parallel_loop3A_116 = arith.mulf %parallel_loop3A_93, %parallel_loop3A_103 : vector<16xf32>
          tpu.vector_store_idx %arg9[%parallel_loop3A_115], %parallel_loop3A_116 : memref<8000xf32, #tpu.memory_space<vmem>>[vector<16xi32>], vector<16xf32>,
          %parallel_loop3A_117 = arith.constant 4000 : i32
          %parallel_loop3A_118 = vector.broadcast %parallel_loop3A_117 : i32 to vector<16xi32>
          %parallel_loop3A_119 = arith.addi %parallel_loop3A_118, %parallel_loop3A_108 : vector<16xi32>
          %parallel_loop3A_120 = arith.mulf %parallel_loop3A_95, %parallel_loop3A_103 : vector<16xf32>
          tpu.vector_store_idx %arg9[%parallel_loop3A_119], %parallel_loop3A_120 : memref<8000xf32, #tpu.memory_space<vmem>>[vector<16xi32>], vector<16xf32>,
          %parallel_loop3A_121 = arith.constant 6000 : i32
          %parallel_loop3A_122 = vector.broadcast %parallel_loop3A_121 : i32 to vector<16xi32>
          %parallel_loop3A_123 = arith.addi %parallel_loop3A_122, %parallel_loop3A_108 : vector<16xi32>
          %parallel_loop3A_124 = arith.mulf %parallel_loop3A_97, %parallel_loop3A_103 : vector<16xf32>
          tpu.vector_store_idx %arg9[%parallel_loop3A_123], %parallel_loop3A_124 : memref<8000xf32, #tpu.memory_space<vmem>>[vector<16xi32>], vector<16xf32>,
        } {sc.loop_unroll_factor = 4 : i64, sc.parallel_access}
        %mul3A_23 = arith.constant 20000 : i32
        %mul3A_24 = arith.muli %add3A, %mul3A_23 : i32
        %mul3A_25 = arith.constant 2000 : i32
        %mul3A_26 = arith.muli %scan3A_13, %mul3A_25 : i32
        %add3A_27 = arith.addi %mul3A_24, %mul3A_26 : i32
        %add3A_28 = arith.constant 0 : i32
        %add3A_29 = arith.addi %add3A_28, %add3A_27 : i32
        "tpu.region"() ({
          %run_scoped3A = tpu.sem_alloc : memref<!tpu.dma_semaphore, #tpu.memory_space<semaphore_mem>>
          %dma_start3A = arith.constant 0 : i32
          %dma_start3A_36 = tpu.memref_slice %arg9[%dma_start3A] : memref<8000xf32, #tpu.memory_space<vmem>> -> memref<2000xf32, #tpu.memory_space<vmem>>
          %dma_start3A_37 = tpu.memref_slice %arg5[%add3A_29] : memref<2560000xf32, #tpu.memory_space<hbm>> -> memref<2000xf32, #tpu.memory_space<hbm>>
          %dma_start3A_38 = tpu.memref_slice %arg5[%add3A_29] : memref<2560000xf32, #tpu.memory_space<hbm>> -> memref<2000xf32, #tpu.memory_space<hbm>>
          %dma_start3A_39 = arith.constant 0 : i32
          %dma_start3A_40 = tpu.memref_slice %arg9[%dma_start3A_39] : memref<8000xf32, #tpu.memory_space<vmem>> -> memref<2000xf32, #tpu.memory_space<vmem>>
          tpu.enqueue_dma source(%dma_start3A_40 : memref<2000xf32, #tpu.memory_space<vmem>>) target(%dma_start3A_38 : memref<2000xf32, #tpu.memory_space<hbm>>) target_semaphore(%run_scoped3A : memref<!tpu.dma_semaphore, #tpu.memory_space<semaphore_mem>>)
          %dma_wait3A = arith.constant 0 : i32
          %dma_wait3A_41 = tpu.memref_slice %arg9[%dma_wait3A] : memref<8000xf32, #tpu.memory_space<vmem>> -> memref<2000xf32, #tpu.memory_space<vmem>>
          %dma_wait3A_42 = tpu.memref_slice %arg5[%add3A_29] : memref<2560000xf32, #tpu.memory_space<hbm>> -> memref<2000xf32, #tpu.memory_space<hbm>>
          %dma_wait3A_43 = tpu.memref_slice %arg5[%add3A_29] : memref<2560000xf32, #tpu.memory_space<hbm>> -> memref<2000xf32, #tpu.memory_space<hbm>>
          %dma_wait3A_44 = arith.constant 0 : i32
          %dma_wait3A_45 = tpu.memref_slice %arg9[%dma_wait3A_44] : memref<8000xf32, #tpu.memory_space<vmem>> -> memref<2000xf32, #tpu.memory_space<vmem>>
          tpu.wait_dma2 semaphore(%run_scoped3A : memref<!tpu.dma_semaphore, #tpu.memory_space<semaphore_mem>>) src(%dma_wait3A_45 : memref<2000xf32, #tpu.memory_space<vmem>>) dst(%dma_wait3A_43 : memref<2000xf32, #tpu.memory_space<hbm>>)
          tpu.yield
        }) : () -> ()
        %add3A_30 = arith.constant 640000 : i32
        %add3A_31 = arith.addi %add3A_30, %add3A_27 : i32
        "tpu.region"() ({
          %run_scoped3A = tpu.sem_alloc : memref<!tpu.dma_semaphore, #tpu.memory_space<semaphore_mem>>
          %dma_start3A = arith.constant 2000 : i32
          %dma_start3A_36 = tpu.memref_slice %arg9[%dma_start3A] : memref<8000xf32, #tpu.memory_space<vmem>> -> memref<2000xf32, #tpu.memory_space<vmem>>
          %dma_start3A_37 = tpu.memref_slice %arg5[%add3A_31] : memref<2560000xf32, #tpu.memory_space<hbm>> -> memref<2000xf32, #tpu.memory_space<hbm>>
          %dma_start3A_38 = tpu.memref_slice %arg5[%add3A_31] : memref<2560000xf32, #tpu.memory_space<hbm>> -> memref<2000xf32, #tpu.memory_space<hbm>>
          %dma_start3A_39 = arith.constant 2000 : i32
          %dma_start3A_40 = tpu.memref_slice %arg9[%dma_start3A_39] : memref<8000xf32, #tpu.memory_space<vmem>> -> memref<2000xf32, #tpu.memory_space<vmem>>
          tpu.enqueue_dma source(%dma_start3A_40 : memref<2000xf32, #tpu.memory_space<vmem>>) target(%dma_start3A_38 : memref<2000xf32, #tpu.memory_space<hbm>>) target_semaphore(%run_scoped3A : memref<!tpu.dma_semaphore, #tpu.memory_space<semaphore_mem>>)
          %dma_wait3A = arith.constant 2000 : i32
          %dma_wait3A_41 = tpu.memref_slice %arg9[%dma_wait3A] : memref<8000xf32, #tpu.memory_space<vmem>> -> memref<2000xf32, #tpu.memory_space<vmem>>
          %dma_wait3A_42 = tpu.memref_slice %arg5[%add3A_31] : memref<2560000xf32, #tpu.memory_space<hbm>> -> memref<2000xf32, #tpu.memory_space<hbm>>
          %dma_wait3A_43 = tpu.memref_slice %arg5[%add3A_31] : memref<2560000xf32, #tpu.memory_space<hbm>> -> memref<2000xf32, #tpu.memory_space<hbm>>
          %dma_wait3A_44 = arith.constant 2000 : i32
          %dma_wait3A_45 = tpu.memref_slice %arg9[%dma_wait3A_44] : memref<8000xf32, #tpu.memory_space<vmem>> -> memref<2000xf32, #tpu.memory_space<vmem>>
          tpu.wait_dma2 semaphore(%run_scoped3A : memref<!tpu.dma_semaphore, #tpu.memory_space<semaphore_mem>>) src(%dma_wait3A_45 : memref<2000xf32, #tpu.memory_space<vmem>>) dst(%dma_wait3A_43 : memref<2000xf32, #tpu.memory_space<hbm>>)
          tpu.yield
        }) : () -> ()
        %add3A_32 = arith.constant 1280000 : i32
        %add3A_33 = arith.addi %add3A_32, %add3A_27 : i32
        "tpu.region"() ({
          %run_scoped3A = tpu.sem_alloc : memref<!tpu.dma_semaphore, #tpu.memory_space<semaphore_mem>>
          %dma_start3A = arith.constant 4000 : i32
          %dma_start3A_36 = tpu.memref_slice %arg9[%dma_start3A] : memref<8000xf32, #tpu.memory_space<vmem>> -> memref<2000xf32, #tpu.memory_space<vmem>>
          %dma_start3A_37 = tpu.memref_slice %arg5[%add3A_33] : memref<2560000xf32, #tpu.memory_space<hbm>> -> memref<2000xf32, #tpu.memory_space<hbm>>
          %dma_start3A_38 = tpu.memref_slice %arg5[%add3A_33] : memref<2560000xf32, #tpu.memory_space<hbm>> -> memref<2000xf32, #tpu.memory_space<hbm>>
          %dma_start3A_39 = arith.constant 4000 : i32
          %dma_start3A_40 = tpu.memref_slice %arg9[%dma_start3A_39] : memref<8000xf32, #tpu.memory_space<vmem>> -> memref<2000xf32, #tpu.memory_space<vmem>>
          tpu.enqueue_dma source(%dma_start3A_40 : memref<2000xf32, #tpu.memory_space<vmem>>) target(%dma_start3A_38 : memref<2000xf32, #tpu.memory_space<hbm>>) target_semaphore(%run_scoped3A : memref<!tpu.dma_semaphore, #tpu.memory_space<semaphore_mem>>)
          %dma_wait3A = arith.constant 4000 : i32
          %dma_wait3A_41 = tpu.memref_slice %arg9[%dma_wait3A] : memref<8000xf32, #tpu.memory_space<vmem>> -> memref<2000xf32, #tpu.memory_space<vmem>>
          %dma_wait3A_42 = tpu.memref_slice %arg5[%add3A_33] : memref<2560000xf32, #tpu.memory_space<hbm>> -> memref<2000xf32, #tpu.memory_space<hbm>>
          %dma_wait3A_43 = tpu.memref_slice %arg5[%add3A_33] : memref<2560000xf32, #tpu.memory_space<hbm>> -> memref<2000xf32, #tpu.memory_space<hbm>>
          %dma_wait3A_44 = arith.constant 4000 : i32
          %dma_wait3A_45 = tpu.memref_slice %arg9[%dma_wait3A_44] : memref<8000xf32, #tpu.memory_space<vmem>> -> memref<2000xf32, #tpu.memory_space<vmem>>
          tpu.wait_dma2 semaphore(%run_scoped3A : memref<!tpu.dma_semaphore, #tpu.memory_space<semaphore_mem>>) src(%dma_wait3A_45 : memref<2000xf32, #tpu.memory_space<vmem>>) dst(%dma_wait3A_43 : memref<2000xf32, #tpu.memory_space<hbm>>)
          tpu.yield
        }) : () -> ()
        %add3A_34 = arith.constant 1920000 : i32
        %add3A_35 = arith.addi %add3A_34, %add3A_27 : i32
        "tpu.region"() ({
          %run_scoped3A = tpu.sem_alloc : memref<!tpu.dma_semaphore, #tpu.memory_space<semaphore_mem>>
          %dma_start3A = arith.constant 6000 : i32
          %dma_start3A_36 = tpu.memref_slice %arg9[%dma_start3A] : memref<8000xf32, #tpu.memory_space<vmem>> -> memref<2000xf32, #tpu.memory_space<vmem>>
          %dma_start3A_37 = tpu.memref_slice %arg5[%add3A_35] : memref<2560000xf32, #tpu.memory_space<hbm>> -> memref<2000xf32, #tpu.memory_space<hbm>>
          %dma_start3A_38 = tpu.memref_slice %arg5[%add3A_35] : memref<2560000xf32, #tpu.memory_space<hbm>> -> memref<2000xf32, #tpu.memory_space<hbm>>
          %dma_start3A_39 = arith.constant 6000 : i32
          %dma_start3A_40 = tpu.memref_slice %arg9[%dma_start3A_39] : memref<8000xf32, #tpu.memory_space<vmem>> -> memref<2000xf32, #tpu.memory_space<vmem>>
          tpu.enqueue_dma source(%dma_start3A_40 : memref<2000xf32, #tpu.memory_space<vmem>>) target(%dma_start3A_38 : memref<2000xf32, #tpu.memory_space<hbm>>) target_semaphore(%run_scoped3A : memref<!tpu.dma_semaphore, #tpu.memory_space<semaphore_mem>>)
          %dma_wait3A = arith.constant 6000 : i32
          %dma_wait3A_41 = tpu.memref_slice %arg9[%dma_wait3A] : memref<8000xf32, #tpu.memory_space<vmem>> -> memref<2000xf32, #tpu.memory_space<vmem>>
          %dma_wait3A_42 = tpu.memref_slice %arg5[%add3A_35] : memref<2560000xf32, #tpu.memory_space<hbm>> -> memref<2000xf32, #tpu.memory_space<hbm>>
          %dma_wait3A_43 = tpu.memref_slice %arg5[%add3A_35] : memref<2560000xf32, #tpu.memory_space<hbm>> -> memref<2000xf32, #tpu.memory_space<hbm>>
          %dma_wait3A_44 = arith.constant 6000 : i32
          %dma_wait3A_45 = tpu.memref_slice %arg9[%dma_wait3A_44] : memref<8000xf32, #tpu.memory_space<vmem>> -> memref<2000xf32, #tpu.memory_space<vmem>>
          tpu.wait_dma2 semaphore(%run_scoped3A : memref<!tpu.dma_semaphore, #tpu.memory_space<semaphore_mem>>) src(%dma_wait3A_45 : memref<2000xf32, #tpu.memory_space<vmem>>) dst(%dma_wait3A_43 : memref<2000xf32, #tpu.memory_space<hbm>>)
          tpu.yield
        }) : () -> ()
      }
      %scan3A_12 = arith.constant 10 : i32
    } else {
    }
    %ge3A = arith.constant 16 : i32
    %ge3A_4 = arith.cmpi sge, %add3A, %ge3A : i32
    %convert_element_type3A_5 = arith.extui %ge3A_4 : i1 to i32
    %cond3A_6 = arith.constant 0 : i32
    %cond3A_7 = arith.cmpi ne, %convert_element_type3A_5, %cond3A_6 : i32
    scf.if %cond3A_7 {
      %scan3A = arith.constant 0 : i32
      %scan3A_8 = arith.constant 0 : i32
      %scan3A_9 = arith.constant 10 : i32
      %scan3A_10 = arith.addi %scan3A_8, %scan3A_9 : i32
      %scan3A_11 = arith.constant 1 : i32
      scf.for %scan3A_13 = %scan3A_8 to %scan3A_10 step %scan3A_11  : i32 {
        %mul3A_14 = arith.constant 20000 : i32
        %mul3A_15 = arith.muli %rem3A_1, %mul3A_14 : i32
        %mul3A_16 = arith.constant 2000 : i32
        %mul3A_17 = arith.muli %scan3A_13, %mul3A_16 : i32
        %add3A_18 = arith.addi %mul3A_15, %mul3A_17 : i32
        "tpu.region"() ({
          %run_scoped3A = tpu.sem_alloc : memref<!tpu.dma_semaphore, #tpu.memory_space<semaphore_mem>>
          %dma_start3A = tpu.memref_slice %arg4[%add3A_18] : memref<640000xi32, #tpu.memory_space<hbm>> -> memref<2000xi32, #tpu.memory_space<hbm>>
          %dma_start3A_36 = tpu.memref_slice %arg4[%add3A_18] : memref<640000xi32, #tpu.memory_space<hbm>> -> memref<2000xi32, #tpu.memory_space<hbm>>
          tpu.enqueue_dma source(%dma_start3A_36 : memref<2000xi32, #tpu.memory_space<hbm>>) target(%arg7 : memref<2000xi32, #tpu.memory_space<vmem>>) target_semaphore(%run_scoped3A : memref<!tpu.dma_semaphore, #tpu.memory_space<semaphore_mem>>)
          %dma_wait3A = tpu.memref_slice %arg4[%add3A_18] : memref<640000xi32, #tpu.memory_space<hbm>> -> memref<2000xi32, #tpu.memory_space<hbm>>
          %dma_wait3A_37 = tpu.memref_slice %arg4[%add3A_18] : memref<640000xi32, #tpu.memory_space<hbm>> -> memref<2000xi32, #tpu.memory_space<hbm>>
          tpu.wait_dma2 semaphore(%run_scoped3A : memref<!tpu.dma_semaphore, #tpu.memory_space<semaphore_mem>>) src(%dma_wait3A_37 : memref<2000xi32, #tpu.memory_space<hbm>>) dst(%arg7 : memref<2000xi32, #tpu.memory_space<vmem>>)
          tpu.yield
        }) : () -> ()
        %add3A_19 = arith.constant 320000 : i32
        %add3A_20 = arith.addi %add3A_19, %add3A_18 : i32
        "tpu.region"() ({
          %run_scoped3A = tpu.sem_alloc : memref<!tpu.dma_semaphore, #tpu.memory_space<semaphore_mem>>
          %dma_start3A = tpu.memref_slice %arg4[%add3A_20] : memref<640000xi32, #tpu.memory_space<hbm>> -> memref<2000xi32, #tpu.memory_space<hbm>>
          %dma_start3A_36 = tpu.memref_slice %arg4[%add3A_20] : memref<640000xi32, #tpu.memory_space<hbm>> -> memref<2000xi32, #tpu.memory_space<hbm>>
          tpu.enqueue_dma source(%dma_start3A_36 : memref<2000xi32, #tpu.memory_space<hbm>>) target(%arg8 : memref<2000xi32, #tpu.memory_space<vmem>>) target_semaphore(%run_scoped3A : memref<!tpu.dma_semaphore, #tpu.memory_space<semaphore_mem>>)
          %dma_wait3A = tpu.memref_slice %arg4[%add3A_20] : memref<640000xi32, #tpu.memory_space<hbm>> -> memref<2000xi32, #tpu.memory_space<hbm>>
          %dma_wait3A_37 = tpu.memref_slice %arg4[%add3A_20] : memref<640000xi32, #tpu.memory_space<hbm>> -> memref<2000xi32, #tpu.memory_space<hbm>>
          tpu.wait_dma2 semaphore(%run_scoped3A : memref<!tpu.dma_semaphore, #tpu.memory_space<semaphore_mem>>) src(%dma_wait3A_37 : memref<2000xi32, #tpu.memory_space<hbm>>) dst(%arg8 : memref<2000xi32, #tpu.memory_space<vmem>>)
          tpu.yield
        }) : () -> ()
        %parallel_loop3A = arith.constant 0 : i32
        %parallel_loop3A_21 = arith.constant 125 : i32
        %parallel_loop3A_22 = arith.constant 1 : i32
        scf.for %parallel_loop3A_36 = %parallel_loop3A to %parallel_loop3A_21 step %parallel_loop3A_22  : i32 {
          %parallel_loop3A_37 = arith.constant 16 : i32
          %parallel_loop3A_38 = arith.muli %parallel_loop3A_36, %parallel_loop3A_37 : i32
          %parallel_loop3A_39 = arith.index_cast %parallel_loop3A_38 : i32 to index
          %parallel_loop3A_40 = tpu.vector_load %arg7[%parallel_loop3A_39] {strides = array<i32>} : memref<2000xi32, #tpu.memory_space<vmem>>, vector<16xi32>,
          %parallel_loop3A_41 = arith.constant 4 : i32
          %parallel_loop3A_42 = vector.broadcast %parallel_loop3A_41 : i32 to vector<16xi32>
          %parallel_loop3A_43 = arith.muli %parallel_loop3A_40, %parallel_loop3A_42 : vector<16xi32>
          %parallel_loop3A_44 = arith.constant 16 : i32
          %parallel_loop3A_45 = arith.muli %parallel_loop3A_36, %parallel_loop3A_44 : i32
          %parallel_loop3A_46 = arith.index_cast %parallel_loop3A_45 : i32 to index
          %parallel_loop3A_47 = tpu.vector_load %arg8[%parallel_loop3A_46] {strides = array<i32>} : memref<2000xi32, #tpu.memory_space<vmem>>, vector<16xi32>,
          %parallel_loop3A_48 = arith.constant 4 : i32
          %parallel_loop3A_49 = vector.broadcast %parallel_loop3A_48 : i32 to vector<16xi32>
          %parallel_loop3A_50 = arith.muli %parallel_loop3A_47, %parallel_loop3A_49 : vector<16xi32>
          %parallel_loop3A_51 = arith.constant 0 : i32
          %parallel_loop3A_52 = vector.broadcast %parallel_loop3A_51 : i32 to vector<16xi32>
          %parallel_loop3A_53 = arith.addi %parallel_loop3A_43, %parallel_loop3A_52 : vector<16xi32>
          %parallel_loop3A_54 = tpu.vector_load_idx %arg6[%parallel_loop3A_53] : memref<40960xf32, #tpu.memory_space<vmem>>[vector<16xi32>], vector<16xf32>,
          %parallel_loop3A_55 = arith.constant 0 : i32
          %parallel_loop3A_56 = vector.broadcast %parallel_loop3A_55 : i32 to vector<16xi32>
          %parallel_loop3A_57 = arith.addi %parallel_loop3A_50, %parallel_loop3A_56 : vector<16xi32>
          %parallel_loop3A_58 = tpu.vector_load_idx %arg6[%parallel_loop3A_57] : memref<40960xf32, #tpu.memory_space<vmem>>[vector<16xi32>], vector<16xf32>,
          %parallel_loop3A_59 = arith.mulf %parallel_loop3A_54, %parallel_loop3A_58 : vector<16xf32>
          %parallel_loop3A_60 = arith.constant 1 : i32
          %parallel_loop3A_61 = vector.broadcast %parallel_loop3A_60 : i32 to vector<16xi32>
          %parallel_loop3A_62 = arith.addi %parallel_loop3A_43, %parallel_loop3A_61 : vector<16xi32>
          %parallel_loop3A_63 = tpu.vector_load_idx %arg6[%parallel_loop3A_62] : memref<40960xf32, #tpu.memory_space<vmem>>[vector<16xi32>], vector<16xf32>,
          %parallel_loop3A_64 = arith.constant 1 : i32
          %parallel_loop3A_65 = vector.broadcast %parallel_loop3A_64 : i32 to vector<16xi32>
          %parallel_loop3A_66 = arith.addi %parallel_loop3A_50, %parallel_loop3A_65 : vector<16xi32>
          %parallel_loop3A_67 = tpu.vector_load_idx %arg6[%parallel_loop3A_66] : memref<40960xf32, #tpu.memory_space<vmem>>[vector<16xi32>], vector<16xf32>,
          %parallel_loop3A_68 = arith.mulf %parallel_loop3A_63, %parallel_loop3A_67 : vector<16xf32>
          %parallel_loop3A_69 = arith.constant 2 : i32
          %parallel_loop3A_70 = vector.broadcast %parallel_loop3A_69 : i32 to vector<16xi32>
          %parallel_loop3A_71 = arith.addi %parallel_loop3A_43, %parallel_loop3A_70 : vector<16xi32>
          %parallel_loop3A_72 = tpu.vector_load_idx %arg6[%parallel_loop3A_71] : memref<40960xf32, #tpu.memory_space<vmem>>[vector<16xi32>], vector<16xf32>,
          %parallel_loop3A_73 = arith.constant 2 : i32
          %parallel_loop3A_74 = vector.broadcast %parallel_loop3A_73 : i32 to vector<16xi32>
          %parallel_loop3A_75 = arith.addi %parallel_loop3A_50, %parallel_loop3A_74 : vector<16xi32>
          %parallel_loop3A_76 = tpu.vector_load_idx %arg6[%parallel_loop3A_75] : memref<40960xf32, #tpu.memory_space<vmem>>[vector<16xi32>], vector<16xf32>,
          %parallel_loop3A_77 = arith.mulf %parallel_loop3A_72, %parallel_loop3A_76 : vector<16xf32>
          %parallel_loop3A_78 = arith.constant 3 : i32
          %parallel_loop3A_79 = vector.broadcast %parallel_loop3A_78 : i32 to vector<16xi32>
          %parallel_loop3A_80 = arith.addi %parallel_loop3A_43, %parallel_loop3A_79 : vector<16xi32>
          %parallel_loop3A_81 = tpu.vector_load_idx %arg6[%parallel_loop3A_80] : memref<40960xf32, #tpu.memory_space<vmem>>[vector<16xi32>], vector<16xf32>,
          %parallel_loop3A_82 = arith.constant 3 : i32
          %parallel_loop3A_83 = vector.broadcast %parallel_loop3A_82 : i32 to vector<16xi32>
          %parallel_loop3A_84 = arith.addi %parallel_loop3A_50, %parallel_loop3A_83 : vector<16xi32>
          %parallel_loop3A_85 = tpu.vector_load_idx %arg6[%parallel_loop3A_84] : memref<40960xf32, #tpu.memory_space<vmem>>[vector<16xi32>], vector<16xf32>,
          %parallel_loop3A_86 = arith.mulf %parallel_loop3A_81, %parallel_loop3A_85 : vector<16xf32>
          %parallel_loop3A_87 = arith.maximumf %parallel_loop3A_59, %parallel_loop3A_68 : vector<16xf32>
          %parallel_loop3A_88 = arith.maximumf %parallel_loop3A_77, %parallel_loop3A_86 : vector<16xf32>
          %parallel_loop3A_89 = arith.maximumf %parallel_loop3A_87, %parallel_loop3A_88 : vector<16xf32>
          %parallel_loop3A_90 = arith.subf %parallel_loop3A_59, %parallel_loop3A_89 : vector<16xf32>
          %parallel_loop3A_91 = math.exp %parallel_loop3A_90 : vector<16xf32>
          %parallel_loop3A_92 = arith.subf %parallel_loop3A_68, %parallel_loop3A_89 : vector<16xf32>
          %parallel_loop3A_93 = math.exp %parallel_loop3A_92 : vector<16xf32>
          %parallel_loop3A_94 = arith.subf %parallel_loop3A_77, %parallel_loop3A_89 : vector<16xf32>
          %parallel_loop3A_95 = math.exp %parallel_loop3A_94 : vector<16xf32>
          %parallel_loop3A_96 = arith.subf %parallel_loop3A_86, %parallel_loop3A_89 : vector<16xf32>
          %parallel_loop3A_97 = math.exp %parallel_loop3A_96 : vector<16xf32>
          %parallel_loop3A_98 = arith.addf %parallel_loop3A_91, %parallel_loop3A_93 : vector<16xf32>
          %parallel_loop3A_99 = arith.addf %parallel_loop3A_95, %parallel_loop3A_97 : vector<16xf32>
          %parallel_loop3A_100 = arith.addf %parallel_loop3A_98, %parallel_loop3A_99 : vector<16xf32>
          %parallel_loop3A_101 = arith.constant 1.000000e+00 : f32
          %parallel_loop3A_102 = vector.broadcast %parallel_loop3A_101 : f32 to vector<16xf32>
          %parallel_loop3A_103 = arith.divf %parallel_loop3A_102, %parallel_loop3A_100 : vector<16xf32>
          %parallel_loop3A_104 = arith.constant 16 : i32
          %parallel_loop3A_105 = arith.muli %parallel_loop3A_36, %parallel_loop3A_104 : i32
          %parallel_loop3A_106 = tpu.iota {dimensions = array<i32: 0>} : vector<16xi32>
          %parallel_loop3A_107 = vector.broadcast %parallel_loop3A_105 : i32 to vector<16xi32>
          %parallel_loop3A_108 = arith.addi %parallel_loop3A_107, %parallel_loop3A_106 : vector<16xi32>
          %parallel_loop3A_109 = arith.constant 0 : i32
          %parallel_loop3A_110 = vector.broadcast %parallel_loop3A_109 : i32 to vector<16xi32>
          %parallel_loop3A_111 = arith.addi %parallel_loop3A_110, %parallel_loop3A_108 : vector<16xi32>
          %parallel_loop3A_112 = arith.mulf %parallel_loop3A_91, %parallel_loop3A_103 : vector<16xf32>
          tpu.vector_store_idx %arg9[%parallel_loop3A_111], %parallel_loop3A_112 : memref<8000xf32, #tpu.memory_space<vmem>>[vector<16xi32>], vector<16xf32>,
          %parallel_loop3A_113 = arith.constant 2000 : i32
          %parallel_loop3A_114 = vector.broadcast %parallel_loop3A_113 : i32 to vector<16xi32>
          %parallel_loop3A_115 = arith.addi %parallel_loop3A_114, %parallel_loop3A_108 : vector<16xi32>
          %parallel_loop3A_116 = arith.mulf %parallel_loop3A_93, %parallel_loop3A_103 : vector<16xf32>
          tpu.vector_store_idx %arg9[%parallel_loop3A_115], %parallel_loop3A_116 : memref<8000xf32, #tpu.memory_space<vmem>>[vector<16xi32>], vector<16xf32>,
          %parallel_loop3A_117 = arith.constant 4000 : i32
          %parallel_loop3A_118 = vector.broadcast %parallel_loop3A_117 : i32 to vector<16xi32>
          %parallel_loop3A_119 = arith.addi %parallel_loop3A_118, %parallel_loop3A_108 : vector<16xi32>
          %parallel_loop3A_120 = arith.mulf %parallel_loop3A_95, %parallel_loop3A_103 : vector<16xf32>
          tpu.vector_store_idx %arg9[%parallel_loop3A_119], %parallel_loop3A_120 : memref<8000xf32, #tpu.memory_space<vmem>>[vector<16xi32>], vector<16xf32>,
          %parallel_loop3A_121 = arith.constant 6000 : i32
          %parallel_loop3A_122 = vector.broadcast %parallel_loop3A_121 : i32 to vector<16xi32>
          %parallel_loop3A_123 = arith.addi %parallel_loop3A_122, %parallel_loop3A_108 : vector<16xi32>
          %parallel_loop3A_124 = arith.mulf %parallel_loop3A_97, %parallel_loop3A_103 : vector<16xf32>
          tpu.vector_store_idx %arg9[%parallel_loop3A_123], %parallel_loop3A_124 : memref<8000xf32, #tpu.memory_space<vmem>>[vector<16xi32>], vector<16xf32>,
        } {sc.loop_unroll_factor = 4 : i64, sc.parallel_access}
        %mul3A_23 = arith.constant 20000 : i32
        %mul3A_24 = arith.muli %add3A, %mul3A_23 : i32
        %mul3A_25 = arith.constant 2000 : i32
        %mul3A_26 = arith.muli %scan3A_13, %mul3A_25 : i32
        %add3A_27 = arith.addi %mul3A_24, %mul3A_26 : i32
        %add3A_28 = arith.constant 0 : i32
        %add3A_29 = arith.addi %add3A_28, %add3A_27 : i32
        "tpu.region"() ({
          %run_scoped3A = tpu.sem_alloc : memref<!tpu.dma_semaphore, #tpu.memory_space<semaphore_mem>>
          %dma_start3A = arith.constant 0 : i32
          %dma_start3A_36 = tpu.memref_slice %arg9[%dma_start3A] : memref<8000xf32, #tpu.memory_space<vmem>> -> memref<2000xf32, #tpu.memory_space<vmem>>
          %dma_start3A_37 = tpu.memref_slice %arg5[%add3A_29] : memref<2560000xf32, #tpu.memory_space<hbm>> -> memref<2000xf32, #tpu.memory_space<hbm>>
          %dma_start3A_38 = tpu.memref_slice %arg5[%add3A_29] : memref<2560000xf32, #tpu.memory_space<hbm>> -> memref<2000xf32, #tpu.memory_space<hbm>>
          %dma_start3A_39 = arith.constant 0 : i32
          %dma_start3A_40 = tpu.memref_slice %arg9[%dma_start3A_39] : memref<8000xf32, #tpu.memory_space<vmem>> -> memref<2000xf32, #tpu.memory_space<vmem>>
          tpu.enqueue_dma source(%dma_start3A_40 : memref<2000xf32, #tpu.memory_space<vmem>>) target(%dma_start3A_38 : memref<2000xf32, #tpu.memory_space<hbm>>) target_semaphore(%run_scoped3A : memref<!tpu.dma_semaphore, #tpu.memory_space<semaphore_mem>>)
          %dma_wait3A = arith.constant 0 : i32
          %dma_wait3A_41 = tpu.memref_slice %arg9[%dma_wait3A] : memref<8000xf32, #tpu.memory_space<vmem>> -> memref<2000xf32, #tpu.memory_space<vmem>>
          %dma_wait3A_42 = tpu.memref_slice %arg5[%add3A_29] : memref<2560000xf32, #tpu.memory_space<hbm>> -> memref<2000xf32, #tpu.memory_space<hbm>>
          %dma_wait3A_43 = tpu.memref_slice %arg5[%add3A_29] : memref<2560000xf32, #tpu.memory_space<hbm>> -> memref<2000xf32, #tpu.memory_space<hbm>>
          %dma_wait3A_44 = arith.constant 0 : i32
          %dma_wait3A_45 = tpu.memref_slice %arg9[%dma_wait3A_44] : memref<8000xf32, #tpu.memory_space<vmem>> -> memref<2000xf32, #tpu.memory_space<vmem>>
          tpu.wait_dma2 semaphore(%run_scoped3A : memref<!tpu.dma_semaphore, #tpu.memory_space<semaphore_mem>>) src(%dma_wait3A_45 : memref<2000xf32, #tpu.memory_space<vmem>>) dst(%dma_wait3A_43 : memref<2000xf32, #tpu.memory_space<hbm>>)
          tpu.yield
        }) : () -> ()
        %add3A_30 = arith.constant 640000 : i32
        %add3A_31 = arith.addi %add3A_30, %add3A_27 : i32
        "tpu.region"() ({
          %run_scoped3A = tpu.sem_alloc : memref<!tpu.dma_semaphore, #tpu.memory_space<semaphore_mem>>
          %dma_start3A = arith.constant 2000 : i32
          %dma_start3A_36 = tpu.memref_slice %arg9[%dma_start3A] : memref<8000xf32, #tpu.memory_space<vmem>> -> memref<2000xf32, #tpu.memory_space<vmem>>
          %dma_start3A_37 = tpu.memref_slice %arg5[%add3A_31] : memref<2560000xf32, #tpu.memory_space<hbm>> -> memref<2000xf32, #tpu.memory_space<hbm>>
          %dma_start3A_38 = tpu.memref_slice %arg5[%add3A_31] : memref<2560000xf32, #tpu.memory_space<hbm>> -> memref<2000xf32, #tpu.memory_space<hbm>>
          %dma_start3A_39 = arith.constant 2000 : i32
          %dma_start3A_40 = tpu.memref_slice %arg9[%dma_start3A_39] : memref<8000xf32, #tpu.memory_space<vmem>> -> memref<2000xf32, #tpu.memory_space<vmem>>
          tpu.enqueue_dma source(%dma_start3A_40 : memref<2000xf32, #tpu.memory_space<vmem>>) target(%dma_start3A_38 : memref<2000xf32, #tpu.memory_space<hbm>>) target_semaphore(%run_scoped3A : memref<!tpu.dma_semaphore, #tpu.memory_space<semaphore_mem>>)
          %dma_wait3A = arith.constant 2000 : i32
          %dma_wait3A_41 = tpu.memref_slice %arg9[%dma_wait3A] : memref<8000xf32, #tpu.memory_space<vmem>> -> memref<2000xf32, #tpu.memory_space<vmem>>
          %dma_wait3A_42 = tpu.memref_slice %arg5[%add3A_31] : memref<2560000xf32, #tpu.memory_space<hbm>> -> memref<2000xf32, #tpu.memory_space<hbm>>
          %dma_wait3A_43 = tpu.memref_slice %arg5[%add3A_31] : memref<2560000xf32, #tpu.memory_space<hbm>> -> memref<2000xf32, #tpu.memory_space<hbm>>
          %dma_wait3A_44 = arith.constant 2000 : i32
          %dma_wait3A_45 = tpu.memref_slice %arg9[%dma_wait3A_44] : memref<8000xf32, #tpu.memory_space<vmem>> -> memref<2000xf32, #tpu.memory_space<vmem>>
          tpu.wait_dma2 semaphore(%run_scoped3A : memref<!tpu.dma_semaphore, #tpu.memory_space<semaphore_mem>>) src(%dma_wait3A_45 : memref<2000xf32, #tpu.memory_space<vmem>>) dst(%dma_wait3A_43 : memref<2000xf32, #tpu.memory_space<hbm>>)
          tpu.yield
        }) : () -> ()
        %add3A_32 = arith.constant 1280000 : i32
        %add3A_33 = arith.addi %add3A_32, %add3A_27 : i32
        "tpu.region"() ({
          %run_scoped3A = tpu.sem_alloc : memref<!tpu.dma_semaphore, #tpu.memory_space<semaphore_mem>>
          %dma_start3A = arith.constant 4000 : i32
          %dma_start3A_36 = tpu.memref_slice %arg9[%dma_start3A] : memref<8000xf32, #tpu.memory_space<vmem>> -> memref<2000xf32, #tpu.memory_space<vmem>>
          %dma_start3A_37 = tpu.memref_slice %arg5[%add3A_33] : memref<2560000xf32, #tpu.memory_space<hbm>> -> memref<2000xf32, #tpu.memory_space<hbm>>
          %dma_start3A_38 = tpu.memref_slice %arg5[%add3A_33] : memref<2560000xf32, #tpu.memory_space<hbm>> -> memref<2000xf32, #tpu.memory_space<hbm>>
          %dma_start3A_39 = arith.constant 4000 : i32
          %dma_start3A_40 = tpu.memref_slice %arg9[%dma_start3A_39] : memref<8000xf32, #tpu.memory_space<vmem>> -> memref<2000xf32, #tpu.memory_space<vmem>>
          tpu.enqueue_dma source(%dma_start3A_40 : memref<2000xf32, #tpu.memory_space<vmem>>) target(%dma_start3A_38 : memref<2000xf32, #tpu.memory_space<hbm>>) target_semaphore(%run_scoped3A : memref<!tpu.dma_semaphore, #tpu.memory_space<semaphore_mem>>)
          %dma_wait3A = arith.constant 4000 : i32
          %dma_wait3A_41 = tpu.memref_slice %arg9[%dma_wait3A] : memref<8000xf32, #tpu.memory_space<vmem>> -> memref<2000xf32, #tpu.memory_space<vmem>>
          %dma_wait3A_42 = tpu.memref_slice %arg5[%add3A_33] : memref<2560000xf32, #tpu.memory_space<hbm>> -> memref<2000xf32, #tpu.memory_space<hbm>>
          %dma_wait3A_43 = tpu.memref_slice %arg5[%add3A_33] : memref<2560000xf32, #tpu.memory_space<hbm>> -> memref<2000xf32, #tpu.memory_space<hbm>>
          %dma_wait3A_44 = arith.constant 4000 : i32
          %dma_wait3A_45 = tpu.memref_slice %arg9[%dma_wait3A_44] : memref<8000xf32, #tpu.memory_space<vmem>> -> memref<2000xf32, #tpu.memory_space<vmem>>
          tpu.wait_dma2 semaphore(%run_scoped3A : memref<!tpu.dma_semaphore, #tpu.memory_space<semaphore_mem>>) src(%dma_wait3A_45 : memref<2000xf32, #tpu.memory_space<vmem>>) dst(%dma_wait3A_43 : memref<2000xf32, #tpu.memory_space<hbm>>)
          tpu.yield
        }) : () -> ()
        %add3A_34 = arith.constant 1920000 : i32
        %add3A_35 = arith.addi %add3A_34, %add3A_27 : i32
        "tpu.region"() ({
          %run_scoped3A = tpu.sem_alloc : memref<!tpu.dma_semaphore, #tpu.memory_space<semaphore_mem>>
          %dma_start3A = arith.constant 6000 : i32
          %dma_start3A_36 = tpu.memref_slice %arg9[%dma_start3A] : memref<8000xf32, #tpu.memory_space<vmem>> -> memref<2000xf32, #tpu.memory_space<vmem>>
          %dma_start3A_37 = tpu.memref_slice %arg5[%add3A_35] : memref<2560000xf32, #tpu.memory_space<hbm>> -> memref<2000xf32, #tpu.memory_space<hbm>>
          %dma_start3A_38 = tpu.memref_slice %arg5[%add3A_35] : memref<2560000xf32, #tpu.memory_space<hbm>> -> memref<2000xf32, #tpu.memory_space<hbm>>
          %dma_start3A_39 = arith.constant 6000 : i32
          %dma_start3A_40 = tpu.memref_slice %arg9[%dma_start3A_39] : memref<8000xf32, #tpu.memory_space<vmem>> -> memref<2000xf32, #tpu.memory_space<vmem>>
          tpu.enqueue_dma source(%dma_start3A_40 : memref<2000xf32, #tpu.memory_space<vmem>>) target(%dma_start3A_38 : memref<2000xf32, #tpu.memory_space<hbm>>) target_semaphore(%run_scoped3A : memref<!tpu.dma_semaphore, #tpu.memory_space<semaphore_mem>>)
          %dma_wait3A = arith.constant 6000 : i32
          %dma_wait3A_41 = tpu.memref_slice %arg9[%dma_wait3A] : memref<8000xf32, #tpu.memory_space<vmem>> -> memref<2000xf32, #tpu.memory_space<vmem>>
          %dma_wait3A_42 = tpu.memref_slice %arg5[%add3A_35] : memref<2560000xf32, #tpu.memory_space<hbm>> -> memref<2000xf32, #tpu.memory_space<hbm>>
          %dma_wait3A_43 = tpu.memref_slice %arg5[%add3A_35] : memref<2560000xf32, #tpu.memory_space<hbm>> -> memref<2000xf32, #tpu.memory_space<hbm>>
          %dma_wait3A_44 = arith.constant 6000 : i32
          %dma_wait3A_45 = tpu.memref_slice %arg9[%dma_wait3A_44] : memref<8000xf32, #tpu.memory_space<vmem>> -> memref<2000xf32, #tpu.memory_space<vmem>>
          tpu.wait_dma2 semaphore(%run_scoped3A : memref<!tpu.dma_semaphore, #tpu.memory_space<semaphore_mem>>) src(%dma_wait3A_45 : memref<2000xf32, #tpu.memory_space<vmem>>) dst(%dma_wait3A_43 : memref<2000xf32, #tpu.memory_space<hbm>>)
          tpu.yield
        }) : () -> ()
      }
      %scan3A_12 = arith.constant 10 : i32
    } else {
    }
    return
  }
}

#map = affine_map<(d0, d1) -> (0, 0)>
module attributes {stable_mosaic.version = 14 : i64} {
  func.func @seg(%arg0: i32, %arg1: i32, %arg2: memref<10240x64xf32, #tpu.memory_space<hbm>>, %arg3: memref<1280x250xi32, #tpu.memory_space<hbm>>, %arg4: memref<1280x250xi32, #tpu.memory_space<hbm>>, %arg5: memref<10240x64xf32, #tpu.memory_space<hbm>>, %arg6: memref<20480x64xf32, #tpu.memory_space<hbm>>, %arg7: memref<40x250xi32, #tpu.memory_space<vmem>>, %arg8: memref<40x250xi32, #tpu.memory_space<vmem>>, %arg9: memref<4x250x64xf32, #tpu.memory_space<vmem>>, %arg10: memref<10240x64xf32, #tpu.memory_space<vmem_shared>>, %arg11: memref<!tpu.dma_semaphore, #tpu.memory_space<semaphore_mem>>, %arg12: memref<!tpu.dma_semaphore, #tpu.memory_space<semaphore_mem>>, %arg13: memref<!tpu.dma_semaphore, #tpu.memory_space<semaphore_mem>>, %arg14: memref<!tpu.dma_semaphore, #tpu.memory_space<semaphore_mem>>) attributes {dimension_semantics = [#tpu.dimension_semantics<core_parallel>, #tpu.dimension_semantics<subcore_parallel>], iteration_bounds = array<i64: 2, 16>, scalar_prefetch = 0 : i64, scratch_operands = 8 : i64, tpu.core_type = #tpu.core_type<sc_vector_subcore>, window_params = [{transform_indices = #map}, {transform_indices = #map}, {transform_indices = #map}, {transform_indices = #map}, {transform_indices = #map}]} {
    %mul3A = arith.constant 16 : i32
    %mul3A_0 = arith.muli %arg0, %mul3A : i32
    %add3A = arith.addi %mul3A_0, %arg1 : i32
    %mul3A_1 = arith.constant 640 : i32
    %mul3A_2 = arith.muli %arg1, %mul3A_1 : i32
    %mul3A_3 = arith.constant 640 : i32
    %mul3A_4 = arith.muli %arg1, %mul3A_3 : i32
    "tpu.region"() ({
      %run_scoped3A = tpu.sem_alloc : memref<!tpu.dma_semaphore, #tpu.memory_space<semaphore_mem>>
      %dma_start3A_69 = arith.constant 0 : i32
      %dma_start3A_70 = tpu.memref_slice %arg10[%mul3A_4, %dma_start3A_69] : memref<10240x64xf32, #tpu.memory_space<vmem_shared>> -> memref<640x64xf32, #tpu.memory_space<vmem_shared>>
      %dma_start3A_71 = arith.constant 0 : i32
      %dma_start3A_72 = tpu.memref_slice %arg5[%mul3A_2, %dma_start3A_71] : memref<10240x64xf32, #tpu.memory_space<hbm>> -> memref<640x64xf32, #tpu.memory_space<hbm>>
      tpu.enqueue_dma source(%dma_start3A_72 : memref<640x64xf32, #tpu.memory_space<hbm>>) target(%dma_start3A_70 : memref<640x64xf32, #tpu.memory_space<vmem_shared>>) target_semaphore(%run_scoped3A : memref<!tpu.dma_semaphore, #tpu.memory_space<semaphore_mem>>)
      %dma_wait3A = arith.constant 0 : i32
      %dma_wait3A_73 = tpu.memref_slice %arg10[%mul3A_4, %dma_wait3A] : memref<10240x64xf32, #tpu.memory_space<vmem_shared>> -> memref<640x64xf32, #tpu.memory_space<vmem_shared>>
      %dma_wait3A_74 = arith.constant 0 : i32
      %dma_wait3A_75 = tpu.memref_slice %arg5[%mul3A_2, %dma_wait3A_74] : memref<10240x64xf32, #tpu.memory_space<hbm>> -> memref<640x64xf32, #tpu.memory_space<hbm>>
      tpu.wait_dma2 semaphore(%run_scoped3A : memref<!tpu.dma_semaphore, #tpu.memory_space<semaphore_mem>>) src(%dma_wait3A_75 : memref<640x64xf32, #tpu.memory_space<hbm>>) dst(%dma_wait3A_73 : memref<640x64xf32, #tpu.memory_space<vmem_shared>>)
      tpu.yield
    }) : () -> ()
    %mul3A_5 = arith.constant 40 : i32
    %mul3A_6 = arith.muli %add3A, %mul3A_5 : i32
    "tpu.region"() ({
      %run_scoped3A = tpu.sem_alloc : memref<!tpu.dma_semaphore, #tpu.memory_space<semaphore_mem>>
      %dma_start3A_69 = arith.constant 0 : i32
      %dma_start3A_70 = tpu.memref_slice %arg3[%mul3A_6, %dma_start3A_69] : memref<1280x250xi32, #tpu.memory_space<hbm>> -> memref<40x250xi32, #tpu.memory_space<hbm>>
      %dma_start3A_71 = arith.constant 0 : i32
      %dma_start3A_72 = tpu.memref_slice %arg3[%mul3A_6, %dma_start3A_71] : memref<1280x250xi32, #tpu.memory_space<hbm>> -> memref<40x250xi32, #tpu.memory_space<hbm>>
      tpu.enqueue_dma source(%dma_start3A_72 : memref<40x250xi32, #tpu.memory_space<hbm>>) target(%arg7 : memref<40x250xi32, #tpu.memory_space<vmem>>) target_semaphore(%run_scoped3A : memref<!tpu.dma_semaphore, #tpu.memory_space<semaphore_mem>>)
      %dma_wait3A = arith.constant 0 : i32
      %dma_wait3A_73 = tpu.memref_slice %arg3[%mul3A_6, %dma_wait3A] : memref<1280x250xi32, #tpu.memory_space<hbm>> -> memref<40x250xi32, #tpu.memory_space<hbm>>
      %dma_wait3A_74 = arith.constant 0 : i32
      %dma_wait3A_75 = tpu.memref_slice %arg3[%mul3A_6, %dma_wait3A_74] : memref<1280x250xi32, #tpu.memory_space<hbm>> -> memref<40x250xi32, #tpu.memory_space<hbm>>
      tpu.wait_dma2 semaphore(%run_scoped3A : memref<!tpu.dma_semaphore, #tpu.memory_space<semaphore_mem>>) src(%dma_wait3A_75 : memref<40x250xi32, #tpu.memory_space<hbm>>) dst(%arg7 : memref<40x250xi32, #tpu.memory_space<vmem>>)
      tpu.yield
    }) : () -> ()
    %mul3A_7 = arith.constant 40 : i32
    %mul3A_8 = arith.muli %add3A, %mul3A_7 : i32
    "tpu.region"() ({
      %run_scoped3A = tpu.sem_alloc : memref<!tpu.dma_semaphore, #tpu.memory_space<semaphore_mem>>
      %dma_start3A_69 = arith.constant 0 : i32
      %dma_start3A_70 = tpu.memref_slice %arg4[%mul3A_8, %dma_start3A_69] : memref<1280x250xi32, #tpu.memory_space<hbm>> -> memref<40x250xi32, #tpu.memory_space<hbm>>
      %dma_start3A_71 = arith.constant 0 : i32
      %dma_start3A_72 = tpu.memref_slice %arg4[%mul3A_8, %dma_start3A_71] : memref<1280x250xi32, #tpu.memory_space<hbm>> -> memref<40x250xi32, #tpu.memory_space<hbm>>
      tpu.enqueue_dma source(%dma_start3A_72 : memref<40x250xi32, #tpu.memory_space<hbm>>) target(%arg8 : memref<40x250xi32, #tpu.memory_space<vmem>>) target_semaphore(%run_scoped3A : memref<!tpu.dma_semaphore, #tpu.memory_space<semaphore_mem>>)
      %dma_wait3A = arith.constant 0 : i32
      %dma_wait3A_73 = tpu.memref_slice %arg4[%mul3A_8, %dma_wait3A] : memref<1280x250xi32, #tpu.memory_space<hbm>> -> memref<40x250xi32, #tpu.memory_space<hbm>>
      %dma_wait3A_74 = arith.constant 0 : i32
      %dma_wait3A_75 = tpu.memref_slice %arg4[%mul3A_8, %dma_wait3A_74] : memref<1280x250xi32, #tpu.memory_space<hbm>> -> memref<40x250xi32, #tpu.memory_space<hbm>>
      tpu.wait_dma2 semaphore(%run_scoped3A : memref<!tpu.dma_semaphore, #tpu.memory_space<semaphore_mem>>) src(%dma_wait3A_75 : memref<40x250xi32, #tpu.memory_space<hbm>>) dst(%arg8 : memref<40x250xi32, #tpu.memory_space<vmem>>)
      tpu.yield
    }) : () -> ()
    %barrier3A = arith.constant 0 : index
    tpu.barrier barrier_id(%barrier3A)
    %dma_start3A = arith.constant 0 : i32
    %dma_start3A_9 = arith.constant 0 : i32
    %dma_start3A_10 = arith.constant 0 : i32
    %dma_start3A_11 = arith.constant 0 : i32
    %dma_start3A_12 = tpu.memref_slice %arg9[%dma_start3A_9, %dma_start3A_10, %dma_start3A_11] : memref<4x250x64xf32, #tpu.memory_space<vmem>> -> memref<1x250x64xf32, #tpu.memory_space<vmem>>
    %dma_start3A_13 = tpu.memref_squeeze %dma_start3A_12 : memref<1x250x64xf32, #tpu.memory_space<vmem>> -> memref<250x64xf32, #tpu.memory_space<vmem>>
    %dma_start3A_14 = arith.constant 0 : i32
    %dma_start3A_15 = tpu.memref_slice %arg7[%dma_start3A, %dma_start3A_14] : memref<40x250xi32, #tpu.memory_space<vmem>> -> memref<1x250xi32, #tpu.memory_space<vmem>>
    %dma_start3A_16 = tpu.memref_squeeze %dma_start3A_15 : memref<1x250xi32, #tpu.memory_space<vmem>> -> memref<250xi32, #tpu.memory_space<vmem>>
    %dma_start3A_17 = arith.constant 0 : i32
    %dma_start3A_18 = arith.constant 0 : i32
    %dma_start3A_19 = tpu.memref_slice %arg2[%dma_start3A_17, %dma_start3A_18] : memref<10240x64xf32, #tpu.memory_space<hbm>> -> memref<10240x64xf32, #tpu.memory_space<hbm>>
    tpu.enqueue_indirect_dma source(%dma_start3A_19 : memref<10240x64xf32, #tpu.memory_space<hbm>>) target(%dma_start3A_13 : memref<250x64xf32, #tpu.memory_space<vmem>>) offsets(%dma_start3A_16 : memref<250xi32, #tpu.memory_space<vmem>>) semaphore(%arg11 : memref<!tpu.dma_semaphore, #tpu.memory_space<semaphore_mem>>)
    %dma_start3A_20 = arith.constant 1 : i32
    %dma_start3A_21 = arith.constant 1 : i32
    %dma_start3A_22 = arith.constant 0 : i32
    %dma_start3A_23 = arith.constant 0 : i32
    %dma_start3A_24 = tpu.memref_slice %arg9[%dma_start3A_21, %dma_start3A_22, %dma_start3A_23] : memref<4x250x64xf32, #tpu.memory_space<vmem>> -> memref<1x250x64xf32, #tpu.memory_space<vmem>>
    %dma_start3A_25 = tpu.memref_squeeze %dma_start3A_24 : memref<1x250x64xf32, #tpu.memory_space<vmem>> -> memref<250x64xf32, #tpu.memory_space<vmem>>
    %dma_start3A_26 = arith.constant 0 : i32
    %dma_start3A_27 = tpu.memref_slice %arg7[%dma_start3A_20, %dma_start3A_26] : memref<40x250xi32, #tpu.memory_space<vmem>> -> memref<1x250xi32, #tpu.memory_space<vmem>>
    %dma_start3A_28 = tpu.memref_squeeze %dma_start3A_27 : memref<1x250xi32, #tpu.memory_space<vmem>> -> memref<250xi32, #tpu.memory_space<vmem>>
    %dma_start3A_29 = arith.constant 0 : i32
    %dma_start3A_30 = arith.constant 0 : i32
    %dma_start3A_31 = tpu.memref_slice %arg2[%dma_start3A_29, %dma_start3A_30] : memref<10240x64xf32, #tpu.memory_space<hbm>> -> memref<10240x64xf32, #tpu.memory_space<hbm>>
    tpu.enqueue_indirect_dma source(%dma_start3A_31 : memref<10240x64xf32, #tpu.memory_space<hbm>>) target(%dma_start3A_25 : memref<250x64xf32, #tpu.memory_space<vmem>>) offsets(%dma_start3A_28 : memref<250xi32, #tpu.memory_space<vmem>>) semaphore(%arg12 : memref<!tpu.dma_semaphore, #tpu.memory_space<semaphore_mem>>)
    %dma_start3A_32 = arith.constant 2 : i32
    %dma_start3A_33 = arith.constant 2 : i32
    %dma_start3A_34 = arith.constant 0 : i32
    %dma_start3A_35 = arith.constant 0 : i32
    %dma_start3A_36 = tpu.memref_slice %arg9[%dma_start3A_33, %dma_start3A_34, %dma_start3A_35] : memref<4x250x64xf32, #tpu.memory_space<vmem>> -> memref<1x250x64xf32, #tpu.memory_space<vmem>>
    %dma_start3A_37 = tpu.memref_squeeze %dma_start3A_36 : memref<1x250x64xf32, #tpu.memory_space<vmem>> -> memref<250x64xf32, #tpu.memory_space<vmem>>
    %dma_start3A_38 = arith.constant 0 : i32
    %dma_start3A_39 = tpu.memref_slice %arg7[%dma_start3A_32, %dma_start3A_38] : memref<40x250xi32, #tpu.memory_space<vmem>> -> memref<1x250xi32, #tpu.memory_space<vmem>>
    %dma_start3A_40 = tpu.memref_squeeze %dma_start3A_39 : memref<1x250xi32, #tpu.memory_space<vmem>> -> memref<250xi32, #tpu.memory_space<vmem>>
    %dma_start3A_41 = arith.constant 0 : i32
    %dma_start3A_42 = arith.constant 0 : i32
    %dma_start3A_43 = tpu.memref_slice %arg2[%dma_start3A_41, %dma_start3A_42] : memref<10240x64xf32, #tpu.memory_space<hbm>> -> memref<10240x64xf32, #tpu.memory_space<hbm>>
    tpu.enqueue_indirect_dma source(%dma_start3A_43 : memref<10240x64xf32, #tpu.memory_space<hbm>>) target(%dma_start3A_37 : memref<250x64xf32, #tpu.memory_space<vmem>>) offsets(%dma_start3A_40 : memref<250xi32, #tpu.memory_space<vmem>>) semaphore(%arg13 : memref<!tpu.dma_semaphore, #tpu.memory_space<semaphore_mem>>)
    %dma_start3A_44 = arith.constant 3 : i32
    %dma_start3A_45 = arith.constant 3 : i32
    %dma_start3A_46 = arith.constant 0 : i32
    %dma_start3A_47 = arith.constant 0 : i32
    %dma_start3A_48 = tpu.memref_slice %arg9[%dma_start3A_45, %dma_start3A_46, %dma_start3A_47] : memref<4x250x64xf32, #tpu.memory_space<vmem>> -> memref<1x250x64xf32, #tpu.memory_space<vmem>>
    %dma_start3A_49 = tpu.memref_squeeze %dma_start3A_48 : memref<1x250x64xf32, #tpu.memory_space<vmem>> -> memref<250x64xf32, #tpu.memory_space<vmem>>
    %dma_start3A_50 = arith.constant 0 : i32
    %dma_start3A_51 = tpu.memref_slice %arg7[%dma_start3A_44, %dma_start3A_50] : memref<40x250xi32, #tpu.memory_space<vmem>> -> memref<1x250xi32, #tpu.memory_space<vmem>>
    %dma_start3A_52 = tpu.memref_squeeze %dma_start3A_51 : memref<1x250xi32, #tpu.memory_space<vmem>> -> memref<250xi32, #tpu.memory_space<vmem>>
    %dma_start3A_53 = arith.constant 0 : i32
    %dma_start3A_54 = arith.constant 0 : i32
    %dma_start3A_55 = tpu.memref_slice %arg2[%dma_start3A_53, %dma_start3A_54] : memref<10240x64xf32, #tpu.memory_space<hbm>> -> memref<10240x64xf32, #tpu.memory_space<hbm>>
    tpu.enqueue_indirect_dma source(%dma_start3A_55 : memref<10240x64xf32, #tpu.memory_space<hbm>>) target(%dma_start3A_49 : memref<250x64xf32, #tpu.memory_space<vmem>>) offsets(%dma_start3A_52 : memref<250xi32, #tpu.memory_space<vmem>>) semaphore(%arg14 : memref<!tpu.dma_semaphore, #tpu.memory_space<semaphore_mem>>)
    %scan3A = arith.constant 0 : i32
    %scan3A_56 = arith.constant 0 : i32
    %scan3A_57 = arith.constant 10 : i32
    %scan3A_58 = arith.addi %scan3A_56, %scan3A_57 : i32
    %scan3A_59 = arith.constant 1 : i32
    scf.for %scan3A_69 = %scan3A_56 to %scan3A_58 step %scan3A_59  : i32 {
      %mul3A_70 = arith.constant 4 : i32
      %mul3A_71 = arith.muli %scan3A_69, %mul3A_70 : i32
      %add3A_72 = arith.constant 0 : i32
      %add3A_73 = arith.addi %mul3A_71, %add3A_72 : i32
      %dma_wait3A = arith.constant 0 : i32
      %dma_wait3A_74 = arith.constant 0 : i32
      %dma_wait3A_75 = arith.constant 0 : i32
      %dma_wait3A_76 = tpu.memref_slice %arg9[%dma_wait3A, %dma_wait3A_74, %dma_wait3A_75] : memref<4x250x64xf32, #tpu.memory_space<vmem>> -> memref<1x250x64xf32, #tpu.memory_space<vmem>>
      %dma_wait3A_77 = tpu.memref_squeeze %dma_wait3A_76 : memref<1x250x64xf32, #tpu.memory_space<vmem>> -> memref<250x64xf32, #tpu.memory_space<vmem>>
      %dma_wait3A_78 = arith.constant 0 : i32
      %dma_wait3A_79 = tpu.memref_slice %arg7[%add3A_73, %dma_wait3A_78] : memref<40x250xi32, #tpu.memory_space<vmem>> -> memref<1x250xi32, #tpu.memory_space<vmem>>
      %dma_wait3A_80 = tpu.memref_squeeze %dma_wait3A_79 : memref<1x250xi32, #tpu.memory_space<vmem>> -> memref<250xi32, #tpu.memory_space<vmem>>
      %dma_wait3A_81 = arith.constant 0 : i32
      %dma_wait3A_82 = arith.constant 0 : i32
      %dma_wait3A_83 = tpu.memref_slice %arg2[%dma_wait3A_81, %dma_wait3A_82] : memref<10240x64xf32, #tpu.memory_space<hbm>> -> memref<10240x64xf32, #tpu.memory_space<hbm>>
      tpu.wait_indirect_dma semaphore(%arg11 : memref<!tpu.dma_semaphore, #tpu.memory_space<semaphore_mem>>) src(%dma_wait3A_83 : memref<10240x64xf32, #tpu.memory_space<hbm>>) dst(%dma_wait3A_77 : memref<250x64xf32, #tpu.memory_space<vmem>>)
      %run_scoped3A = arith.constant 0 : i32
      "tpu.region"() ({
        %run_scoped3A_151 = tpu.sem_alloc : memref<!tpu.dma_semaphore, #tpu.memory_space<semaphore_mem>>
        %dma_start3A_152 = arith.constant 0 : i32
        %dma_start3A_153 = arith.constant 0 : i32
        %dma_start3A_154 = tpu.memref_slice %arg9[%run_scoped3A, %dma_start3A_152, %dma_start3A_153] : memref<4x250x64xf32, #tpu.memory_space<vmem>> -> memref<1x250x64xf32, #tpu.memory_space<vmem>>
        %dma_start3A_155 = tpu.memref_squeeze %dma_start3A_154 : memref<1x250x64xf32, #tpu.memory_space<vmem>> -> memref<250x64xf32, #tpu.memory_space<vmem>>
        %dma_start3A_156 = arith.constant 0 : i32
        %dma_start3A_157 = tpu.memref_slice %arg8[%add3A_73, %dma_start3A_156] : memref<40x250xi32, #tpu.memory_space<vmem>> -> memref<1x250xi32, #tpu.memory_space<vmem>>
        %dma_start3A_158 = tpu.memref_squeeze %dma_start3A_157 : memref<1x250xi32, #tpu.memory_space<vmem>> -> memref<250xi32, #tpu.memory_space<vmem>>
        %dma_start3A_159 = arith.constant 0 : i32
        %dma_start3A_160 = arith.constant 0 : i32
        %dma_start3A_161 = tpu.memref_slice %arg10[%dma_start3A_159, %dma_start3A_160] : memref<10240x64xf32, #tpu.memory_space<vmem_shared>> -> memref<10240x64xf32, #tpu.memory_space<vmem_shared>>
        tpu.enqueue_indirect_dma source(%dma_start3A_155 : memref<250x64xf32, #tpu.memory_space<vmem>>) target(%dma_start3A_161 : memref<10240x64xf32, #tpu.memory_space<vmem_shared>>) offsets(%dma_start3A_158 : memref<250xi32, #tpu.memory_space<vmem>>) semaphore(%run_scoped3A_151 : memref<!tpu.dma_semaphore, #tpu.memory_space<semaphore_mem>>) {add = true}
        %dma_wait3A_162 = arith.constant 0 : i32
        %dma_wait3A_163 = arith.constant 0 : i32
        %dma_wait3A_164 = tpu.memref_slice %arg9[%run_scoped3A, %dma_wait3A_162, %dma_wait3A_163] : memref<4x250x64xf32, #tpu.memory_space<vmem>> -> memref<1x250x64xf32, #tpu.memory_space<vmem>>
        %dma_wait3A_165 = tpu.memref_squeeze %dma_wait3A_164 : memref<1x250x64xf32, #tpu.memory_space<vmem>> -> memref<250x64xf32, #tpu.memory_space<vmem>>
        %dma_wait3A_166 = arith.constant 0 : i32
        %dma_wait3A_167 = tpu.memref_slice %arg8[%add3A_73, %dma_wait3A_166] : memref<40x250xi32, #tpu.memory_space<vmem>> -> memref<1x250xi32, #tpu.memory_space<vmem>>
        %dma_wait3A_168 = tpu.memref_squeeze %dma_wait3A_167 : memref<1x250xi32, #tpu.memory_space<vmem>> -> memref<250xi32, #tpu.memory_space<vmem>>
        %dma_wait3A_169 = arith.constant 0 : i32
        %dma_wait3A_170 = arith.constant 0 : i32
        %dma_wait3A_171 = tpu.memref_slice %arg10[%dma_wait3A_169, %dma_wait3A_170] : memref<10240x64xf32, #tpu.memory_space<vmem_shared>> -> memref<10240x64xf32, #tpu.memory_space<vmem_shared>>
        tpu.wait_indirect_dma semaphore(%run_scoped3A_151 : memref<!tpu.dma_semaphore, #tpu.memory_space<semaphore_mem>>) src(%dma_wait3A_165 : memref<250x64xf32, #tpu.memory_space<vmem>>) dst(%dma_wait3A_171 : memref<10240x64xf32, #tpu.memory_space<vmem_shared>>)
        tpu.yield
      }) : () -> ()
      %add3A_84 = arith.constant 4 : i32
      %add3A_85 = arith.addi %add3A_73, %add3A_84 : i32
      %lt3A = arith.constant 40 : i32
      %lt3A_86 = arith.cmpi slt, %add3A_85, %lt3A : i32
      %convert_element_type3A = arith.extui %lt3A_86 : i1 to i32
      %cond3A = arith.constant 0 : i32
      %cond3A_87 = arith.cmpi ne, %convert_element_type3A, %cond3A : i32
      scf.if %cond3A_87 {
        %add3A_151 = arith.constant 4 : i32
        %add3A_152 = arith.addi %add3A_73, %add3A_151 : i32
        %dma_start3A_153 = arith.constant 0 : i32
        %dma_start3A_154 = arith.constant 0 : i32
        %dma_start3A_155 = arith.constant 0 : i32
        %dma_start3A_156 = tpu.memref_slice %arg9[%dma_start3A_153, %dma_start3A_154, %dma_start3A_155] : memref<4x250x64xf32, #tpu.memory_space<vmem>> -> memref<1x250x64xf32, #tpu.memory_space<vmem>>
        %dma_start3A_157 = tpu.memref_squeeze %dma_start3A_156 : memref<1x250x64xf32, #tpu.memory_space<vmem>> -> memref<250x64xf32, #tpu.memory_space<vmem>>
        %dma_start3A_158 = arith.constant 0 : i32
        %dma_start3A_159 = tpu.memref_slice %arg7[%add3A_152, %dma_start3A_158] : memref<40x250xi32, #tpu.memory_space<vmem>> -> memref<1x250xi32, #tpu.memory_space<vmem>>
        %dma_start3A_160 = tpu.memref_squeeze %dma_start3A_159 : memref<1x250xi32, #tpu.memory_space<vmem>> -> memref<250xi32, #tpu.memory_space<vmem>>
        %dma_start3A_161 = arith.constant 0 : i32
        %dma_start3A_162 = arith.constant 0 : i32
        %dma_start3A_163 = tpu.memref_slice %arg2[%dma_start3A_161, %dma_start3A_162] : memref<10240x64xf32, #tpu.memory_space<hbm>> -> memref<10240x64xf32, #tpu.memory_space<hbm>>
        tpu.enqueue_indirect_dma source(%dma_start3A_163 : memref<10240x64xf32, #tpu.memory_space<hbm>>) target(%dma_start3A_157 : memref<250x64xf32, #tpu.memory_space<vmem>>) offsets(%dma_start3A_160 : memref<250xi32, #tpu.memory_space<vmem>>) semaphore(%arg11 : memref<!tpu.dma_semaphore, #tpu.memory_space<semaphore_mem>>)
      } else {
      }
      %add3A_88 = arith.constant 1 : i32
      %add3A_89 = arith.addi %mul3A_71, %add3A_88 : i32
      %dma_wait3A_90 = arith.constant 1 : i32
      %dma_wait3A_91 = arith.constant 0 : i32
      %dma_wait3A_92 = arith.constant 0 : i32
      %dma_wait3A_93 = tpu.memref_slice %arg9[%dma_wait3A_90, %dma_wait3A_91, %dma_wait3A_92] : memref<4x250x64xf32, #tpu.memory_space<vmem>> -> memref<1x250x64xf32, #tpu.memory_space<vmem>>
      %dma_wait3A_94 = tpu.memref_squeeze %dma_wait3A_93 : memref<1x250x64xf32, #tpu.memory_space<vmem>> -> memref<250x64xf32, #tpu.memory_space<vmem>>
      %dma_wait3A_95 = arith.constant 0 : i32
      %dma_wait3A_96 = tpu.memref_slice %arg7[%add3A_89, %dma_wait3A_95] : memref<40x250xi32, #tpu.memory_space<vmem>> -> memref<1x250xi32, #tpu.memory_space<vmem>>
      %dma_wait3A_97 = tpu.memref_squeeze %dma_wait3A_96 : memref<1x250xi32, #tpu.memory_space<vmem>> -> memref<250xi32, #tpu.memory_space<vmem>>
      %dma_wait3A_98 = arith.constant 0 : i32
      %dma_wait3A_99 = arith.constant 0 : i32
      %dma_wait3A_100 = tpu.memref_slice %arg2[%dma_wait3A_98, %dma_wait3A_99] : memref<10240x64xf32, #tpu.memory_space<hbm>> -> memref<10240x64xf32, #tpu.memory_space<hbm>>
      tpu.wait_indirect_dma semaphore(%arg12 : memref<!tpu.dma_semaphore, #tpu.memory_space<semaphore_mem>>) src(%dma_wait3A_100 : memref<10240x64xf32, #tpu.memory_space<hbm>>) dst(%dma_wait3A_94 : memref<250x64xf32, #tpu.memory_space<vmem>>)
      %run_scoped3A_101 = arith.constant 1 : i32
      "tpu.region"() ({
        %run_scoped3A_151 = tpu.sem_alloc : memref<!tpu.dma_semaphore, #tpu.memory_space<semaphore_mem>>
        %dma_start3A_152 = arith.constant 0 : i32
        %dma_start3A_153 = arith.constant 0 : i32
        %dma_start3A_154 = tpu.memref_slice %arg9[%run_scoped3A_101, %dma_start3A_152, %dma_start3A_153] : memref<4x250x64xf32, #tpu.memory_space<vmem>> -> memref<1x250x64xf32, #tpu.memory_space<vmem>>
        %dma_start3A_155 = tpu.memref_squeeze %dma_start3A_154 : memref<1x250x64xf32, #tpu.memory_space<vmem>> -> memref<250x64xf32, #tpu.memory_space<vmem>>
        %dma_start3A_156 = arith.constant 0 : i32
        %dma_start3A_157 = tpu.memref_slice %arg8[%add3A_89, %dma_start3A_156] : memref<40x250xi32, #tpu.memory_space<vmem>> -> memref<1x250xi32, #tpu.memory_space<vmem>>
        %dma_start3A_158 = tpu.memref_squeeze %dma_start3A_157 : memref<1x250xi32, #tpu.memory_space<vmem>> -> memref<250xi32, #tpu.memory_space<vmem>>
        %dma_start3A_159 = arith.constant 0 : i32
        %dma_start3A_160 = arith.constant 0 : i32
        %dma_start3A_161 = tpu.memref_slice %arg10[%dma_start3A_159, %dma_start3A_160] : memref<10240x64xf32, #tpu.memory_space<vmem_shared>> -> memref<10240x64xf32, #tpu.memory_space<vmem_shared>>
        tpu.enqueue_indirect_dma source(%dma_start3A_155 : memref<250x64xf32, #tpu.memory_space<vmem>>) target(%dma_start3A_161 : memref<10240x64xf32, #tpu.memory_space<vmem_shared>>) offsets(%dma_start3A_158 : memref<250xi32, #tpu.memory_space<vmem>>) semaphore(%run_scoped3A_151 : memref<!tpu.dma_semaphore, #tpu.memory_space<semaphore_mem>>) {add = true}
        %dma_wait3A_162 = arith.constant 0 : i32
        %dma_wait3A_163 = arith.constant 0 : i32
        %dma_wait3A_164 = tpu.memref_slice %arg9[%run_scoped3A_101, %dma_wait3A_162, %dma_wait3A_163] : memref<4x250x64xf32, #tpu.memory_space<vmem>> -> memref<1x250x64xf32, #tpu.memory_space<vmem>>
        %dma_wait3A_165 = tpu.memref_squeeze %dma_wait3A_164 : memref<1x250x64xf32, #tpu.memory_space<vmem>> -> memref<250x64xf32, #tpu.memory_space<vmem>>
        %dma_wait3A_166 = arith.constant 0 : i32
        %dma_wait3A_167 = tpu.memref_slice %arg8[%add3A_89, %dma_wait3A_166] : memref<40x250xi32, #tpu.memory_space<vmem>> -> memref<1x250xi32, #tpu.memory_space<vmem>>
        %dma_wait3A_168 = tpu.memref_squeeze %dma_wait3A_167 : memref<1x250xi32, #tpu.memory_space<vmem>> -> memref<250xi32, #tpu.memory_space<vmem>>
        %dma_wait3A_169 = arith.constant 0 : i32
        %dma_wait3A_170 = arith.constant 0 : i32
        %dma_wait3A_171 = tpu.memref_slice %arg10[%dma_wait3A_169, %dma_wait3A_170] : memref<10240x64xf32, #tpu.memory_space<vmem_shared>> -> memref<10240x64xf32, #tpu.memory_space<vmem_shared>>
        tpu.wait_indirect_dma semaphore(%run_scoped3A_151 : memref<!tpu.dma_semaphore, #tpu.memory_space<semaphore_mem>>) src(%dma_wait3A_165 : memref<250x64xf32, #tpu.memory_space<vmem>>) dst(%dma_wait3A_171 : memref<10240x64xf32, #tpu.memory_space<vmem_shared>>)
        tpu.yield
      }) : () -> ()
      %add3A_102 = arith.constant 4 : i32
      %add3A_103 = arith.addi %add3A_89, %add3A_102 : i32
      %lt3A_104 = arith.constant 40 : i32
      %lt3A_105 = arith.cmpi slt, %add3A_103, %lt3A_104 : i32
      %convert_element_type3A_106 = arith.extui %lt3A_105 : i1 to i32
      %cond3A_107 = arith.constant 0 : i32
      %cond3A_108 = arith.cmpi ne, %convert_element_type3A_106, %cond3A_107 : i32
      scf.if %cond3A_108 {
        %add3A_151 = arith.constant 4 : i32
        %add3A_152 = arith.addi %add3A_89, %add3A_151 : i32
        %dma_start3A_153 = arith.constant 1 : i32
        %dma_start3A_154 = arith.constant 0 : i32
        %dma_start3A_155 = arith.constant 0 : i32
        %dma_start3A_156 = tpu.memref_slice %arg9[%dma_start3A_153, %dma_start3A_154, %dma_start3A_155] : memref<4x250x64xf32, #tpu.memory_space<vmem>> -> memref<1x250x64xf32, #tpu.memory_space<vmem>>
        %dma_start3A_157 = tpu.memref_squeeze %dma_start3A_156 : memref<1x250x64xf32, #tpu.memory_space<vmem>> -> memref<250x64xf32, #tpu.memory_space<vmem>>
        %dma_start3A_158 = arith.constant 0 : i32
        %dma_start3A_159 = tpu.memref_slice %arg7[%add3A_152, %dma_start3A_158] : memref<40x250xi32, #tpu.memory_space<vmem>> -> memref<1x250xi32, #tpu.memory_space<vmem>>
        %dma_start3A_160 = tpu.memref_squeeze %dma_start3A_159 : memref<1x250xi32, #tpu.memory_space<vmem>> -> memref<250xi32, #tpu.memory_space<vmem>>
        %dma_start3A_161 = arith.constant 0 : i32
        %dma_start3A_162 = arith.constant 0 : i32
        %dma_start3A_163 = tpu.memref_slice %arg2[%dma_start3A_161, %dma_start3A_162] : memref<10240x64xf32, #tpu.memory_space<hbm>> -> memref<10240x64xf32, #tpu.memory_space<hbm>>
        tpu.enqueue_indirect_dma source(%dma_start3A_163 : memref<10240x64xf32, #tpu.memory_space<hbm>>) target(%dma_start3A_157 : memref<250x64xf32, #tpu.memory_space<vmem>>) offsets(%dma_start3A_160 : memref<250xi32, #tpu.memory_space<vmem>>) semaphore(%arg12 : memref<!tpu.dma_semaphore, #tpu.memory_space<semaphore_mem>>)
      } else {
      }
      %add3A_109 = arith.constant 2 : i32
      %add3A_110 = arith.addi %mul3A_71, %add3A_109 : i32
      %dma_wait3A_111 = arith.constant 2 : i32
      %dma_wait3A_112 = arith.constant 0 : i32
      %dma_wait3A_113 = arith.constant 0 : i32
      %dma_wait3A_114 = tpu.memref_slice %arg9[%dma_wait3A_111, %dma_wait3A_112, %dma_wait3A_113] : memref<4x250x64xf32, #tpu.memory_space<vmem>> -> memref<1x250x64xf32, #tpu.memory_space<vmem>>
      %dma_wait3A_115 = tpu.memref_squeeze %dma_wait3A_114 : memref<1x250x64xf32, #tpu.memory_space<vmem>> -> memref<250x64xf32, #tpu.memory_space<vmem>>
      %dma_wait3A_116 = arith.constant 0 : i32
      %dma_wait3A_117 = tpu.memref_slice %arg7[%add3A_110, %dma_wait3A_116] : memref<40x250xi32, #tpu.memory_space<vmem>> -> memref<1x250xi32, #tpu.memory_space<vmem>>
      %dma_wait3A_118 = tpu.memref_squeeze %dma_wait3A_117 : memref<1x250xi32, #tpu.memory_space<vmem>> -> memref<250xi32, #tpu.memory_space<vmem>>
      %dma_wait3A_119 = arith.constant 0 : i32
      %dma_wait3A_120 = arith.constant 0 : i32
      %dma_wait3A_121 = tpu.memref_slice %arg2[%dma_wait3A_119, %dma_wait3A_120] : memref<10240x64xf32, #tpu.memory_space<hbm>> -> memref<10240x64xf32, #tpu.memory_space<hbm>>
      tpu.wait_indirect_dma semaphore(%arg13 : memref<!tpu.dma_semaphore, #tpu.memory_space<semaphore_mem>>) src(%dma_wait3A_121 : memref<10240x64xf32, #tpu.memory_space<hbm>>) dst(%dma_wait3A_115 : memref<250x64xf32, #tpu.memory_space<vmem>>)
      %run_scoped3A_122 = arith.constant 2 : i32
      "tpu.region"() ({
        %run_scoped3A_151 = tpu.sem_alloc : memref<!tpu.dma_semaphore, #tpu.memory_space<semaphore_mem>>
        %dma_start3A_152 = arith.constant 0 : i32
        %dma_start3A_153 = arith.constant 0 : i32
        %dma_start3A_154 = tpu.memref_slice %arg9[%run_scoped3A_122, %dma_start3A_152, %dma_start3A_153] : memref<4x250x64xf32, #tpu.memory_space<vmem>> -> memref<1x250x64xf32, #tpu.memory_space<vmem>>
        %dma_start3A_155 = tpu.memref_squeeze %dma_start3A_154 : memref<1x250x64xf32, #tpu.memory_space<vmem>> -> memref<250x64xf32, #tpu.memory_space<vmem>>
        %dma_start3A_156 = arith.constant 0 : i32
        %dma_start3A_157 = tpu.memref_slice %arg8[%add3A_110, %dma_start3A_156] : memref<40x250xi32, #tpu.memory_space<vmem>> -> memref<1x250xi32, #tpu.memory_space<vmem>>
        %dma_start3A_158 = tpu.memref_squeeze %dma_start3A_157 : memref<1x250xi32, #tpu.memory_space<vmem>> -> memref<250xi32, #tpu.memory_space<vmem>>
        %dma_start3A_159 = arith.constant 0 : i32
        %dma_start3A_160 = arith.constant 0 : i32
        %dma_start3A_161 = tpu.memref_slice %arg10[%dma_start3A_159, %dma_start3A_160] : memref<10240x64xf32, #tpu.memory_space<vmem_shared>> -> memref<10240x64xf32, #tpu.memory_space<vmem_shared>>
        tpu.enqueue_indirect_dma source(%dma_start3A_155 : memref<250x64xf32, #tpu.memory_space<vmem>>) target(%dma_start3A_161 : memref<10240x64xf32, #tpu.memory_space<vmem_shared>>) offsets(%dma_start3A_158 : memref<250xi32, #tpu.memory_space<vmem>>) semaphore(%run_scoped3A_151 : memref<!tpu.dma_semaphore, #tpu.memory_space<semaphore_mem>>) {add = true}
        %dma_wait3A_162 = arith.constant 0 : i32
        %dma_wait3A_163 = arith.constant 0 : i32
        %dma_wait3A_164 = tpu.memref_slice %arg9[%run_scoped3A_122, %dma_wait3A_162, %dma_wait3A_163] : memref<4x250x64xf32, #tpu.memory_space<vmem>> -> memref<1x250x64xf32, #tpu.memory_space<vmem>>
        %dma_wait3A_165 = tpu.memref_squeeze %dma_wait3A_164 : memref<1x250x64xf32, #tpu.memory_space<vmem>> -> memref<250x64xf32, #tpu.memory_space<vmem>>
        %dma_wait3A_166 = arith.constant 0 : i32
        %dma_wait3A_167 = tpu.memref_slice %arg8[%add3A_110, %dma_wait3A_166] : memref<40x250xi32, #tpu.memory_space<vmem>> -> memref<1x250xi32, #tpu.memory_space<vmem>>
        %dma_wait3A_168 = tpu.memref_squeeze %dma_wait3A_167 : memref<1x250xi32, #tpu.memory_space<vmem>> -> memref<250xi32, #tpu.memory_space<vmem>>
        %dma_wait3A_169 = arith.constant 0 : i32
        %dma_wait3A_170 = arith.constant 0 : i32
        %dma_wait3A_171 = tpu.memref_slice %arg10[%dma_wait3A_169, %dma_wait3A_170] : memref<10240x64xf32, #tpu.memory_space<vmem_shared>> -> memref<10240x64xf32, #tpu.memory_space<vmem_shared>>
        tpu.wait_indirect_dma semaphore(%run_scoped3A_151 : memref<!tpu.dma_semaphore, #tpu.memory_space<semaphore_mem>>) src(%dma_wait3A_165 : memref<250x64xf32, #tpu.memory_space<vmem>>) dst(%dma_wait3A_171 : memref<10240x64xf32, #tpu.memory_space<vmem_shared>>)
        tpu.yield
      }) : () -> ()
      %add3A_123 = arith.constant 4 : i32
      %add3A_124 = arith.addi %add3A_110, %add3A_123 : i32
      %lt3A_125 = arith.constant 40 : i32
      %lt3A_126 = arith.cmpi slt, %add3A_124, %lt3A_125 : i32
      %convert_element_type3A_127 = arith.extui %lt3A_126 : i1 to i32
      %cond3A_128 = arith.constant 0 : i32
      %cond3A_129 = arith.cmpi ne, %convert_element_type3A_127, %cond3A_128 : i32
      scf.if %cond3A_129 {
        %add3A_151 = arith.constant 4 : i32
        %add3A_152 = arith.addi %add3A_110, %add3A_151 : i32
        %dma_start3A_153 = arith.constant 2 : i32
        %dma_start3A_154 = arith.constant 0 : i32
        %dma_start3A_155 = arith.constant 0 : i32
        %dma_start3A_156 = tpu.memref_slice %arg9[%dma_start3A_153, %dma_start3A_154, %dma_start3A_155] : memref<4x250x64xf32, #tpu.memory_space<vmem>> -> memref<1x250x64xf32, #tpu.memory_space<vmem>>
        %dma_start3A_157 = tpu.memref_squeeze %dma_start3A_156 : memref<1x250x64xf32, #tpu.memory_space<vmem>> -> memref<250x64xf32, #tpu.memory_space<vmem>>
        %dma_start3A_158 = arith.constant 0 : i32
        %dma_start3A_159 = tpu.memref_slice %arg7[%add3A_152, %dma_start3A_158] : memref<40x250xi32, #tpu.memory_space<vmem>> -> memref<1x250xi32, #tpu.memory_space<vmem>>
        %dma_start3A_160 = tpu.memref_squeeze %dma_start3A_159 : memref<1x250xi32, #tpu.memory_space<vmem>> -> memref<250xi32, #tpu.memory_space<vmem>>
        %dma_start3A_161 = arith.constant 0 : i32
        %dma_start3A_162 = arith.constant 0 : i32
        %dma_start3A_163 = tpu.memref_slice %arg2[%dma_start3A_161, %dma_start3A_162] : memref<10240x64xf32, #tpu.memory_space<hbm>> -> memref<10240x64xf32, #tpu.memory_space<hbm>>
        tpu.enqueue_indirect_dma source(%dma_start3A_163 : memref<10240x64xf32, #tpu.memory_space<hbm>>) target(%dma_start3A_157 : memref<250x64xf32, #tpu.memory_space<vmem>>) offsets(%dma_start3A_160 : memref<250xi32, #tpu.memory_space<vmem>>) semaphore(%arg13 : memref<!tpu.dma_semaphore, #tpu.memory_space<semaphore_mem>>)
      } else {
      }
      %add3A_130 = arith.constant 3 : i32
      %add3A_131 = arith.addi %mul3A_71, %add3A_130 : i32
      %dma_wait3A_132 = arith.constant 3 : i32
      %dma_wait3A_133 = arith.constant 0 : i32
      %dma_wait3A_134 = arith.constant 0 : i32
      %dma_wait3A_135 = tpu.memref_slice %arg9[%dma_wait3A_132, %dma_wait3A_133, %dma_wait3A_134] : memref<4x250x64xf32, #tpu.memory_space<vmem>> -> memref<1x250x64xf32, #tpu.memory_space<vmem>>
      %dma_wait3A_136 = tpu.memref_squeeze %dma_wait3A_135 : memref<1x250x64xf32, #tpu.memory_space<vmem>> -> memref<250x64xf32, #tpu.memory_space<vmem>>
      %dma_wait3A_137 = arith.constant 0 : i32
      %dma_wait3A_138 = tpu.memref_slice %arg7[%add3A_131, %dma_wait3A_137] : memref<40x250xi32, #tpu.memory_space<vmem>> -> memref<1x250xi32, #tpu.memory_space<vmem>>
      %dma_wait3A_139 = tpu.memref_squeeze %dma_wait3A_138 : memref<1x250xi32, #tpu.memory_space<vmem>> -> memref<250xi32, #tpu.memory_space<vmem>>
      %dma_wait3A_140 = arith.constant 0 : i32
      %dma_wait3A_141 = arith.constant 0 : i32
      %dma_wait3A_142 = tpu.memref_slice %arg2[%dma_wait3A_140, %dma_wait3A_141] : memref<10240x64xf32, #tpu.memory_space<hbm>> -> memref<10240x64xf32, #tpu.memory_space<hbm>>
      tpu.wait_indirect_dma semaphore(%arg14 : memref<!tpu.dma_semaphore, #tpu.memory_space<semaphore_mem>>) src(%dma_wait3A_142 : memref<10240x64xf32, #tpu.memory_space<hbm>>) dst(%dma_wait3A_136 : memref<250x64xf32, #tpu.memory_space<vmem>>)
      %run_scoped3A_143 = arith.constant 3 : i32
      "tpu.region"() ({
        %run_scoped3A_151 = tpu.sem_alloc : memref<!tpu.dma_semaphore, #tpu.memory_space<semaphore_mem>>
        %dma_start3A_152 = arith.constant 0 : i32
        %dma_start3A_153 = arith.constant 0 : i32
        %dma_start3A_154 = tpu.memref_slice %arg9[%run_scoped3A_143, %dma_start3A_152, %dma_start3A_153] : memref<4x250x64xf32, #tpu.memory_space<vmem>> -> memref<1x250x64xf32, #tpu.memory_space<vmem>>
        %dma_start3A_155 = tpu.memref_squeeze %dma_start3A_154 : memref<1x250x64xf32, #tpu.memory_space<vmem>> -> memref<250x64xf32, #tpu.memory_space<vmem>>
        %dma_start3A_156 = arith.constant 0 : i32
        %dma_start3A_157 = tpu.memref_slice %arg8[%add3A_131, %dma_start3A_156] : memref<40x250xi32, #tpu.memory_space<vmem>> -> memref<1x250xi32, #tpu.memory_space<vmem>>
        %dma_start3A_158 = tpu.memref_squeeze %dma_start3A_157 : memref<1x250xi32, #tpu.memory_space<vmem>> -> memref<250xi32, #tpu.memory_space<vmem>>
        %dma_start3A_159 = arith.constant 0 : i32
        %dma_start3A_160 = arith.constant 0 : i32
        %dma_start3A_161 = tpu.memref_slice %arg10[%dma_start3A_159, %dma_start3A_160] : memref<10240x64xf32, #tpu.memory_space<vmem_shared>> -> memref<10240x64xf32, #tpu.memory_space<vmem_shared>>
        tpu.enqueue_indirect_dma source(%dma_start3A_155 : memref<250x64xf32, #tpu.memory_space<vmem>>) target(%dma_start3A_161 : memref<10240x64xf32, #tpu.memory_space<vmem_shared>>) offsets(%dma_start3A_158 : memref<250xi32, #tpu.memory_space<vmem>>) semaphore(%run_scoped3A_151 : memref<!tpu.dma_semaphore, #tpu.memory_space<semaphore_mem>>) {add = true}
        %dma_wait3A_162 = arith.constant 0 : i32
        %dma_wait3A_163 = arith.constant 0 : i32
        %dma_wait3A_164 = tpu.memref_slice %arg9[%run_scoped3A_143, %dma_wait3A_162, %dma_wait3A_163] : memref<4x250x64xf32, #tpu.memory_space<vmem>> -> memref<1x250x64xf32, #tpu.memory_space<vmem>>
        %dma_wait3A_165 = tpu.memref_squeeze %dma_wait3A_164 : memref<1x250x64xf32, #tpu.memory_space<vmem>> -> memref<250x64xf32, #tpu.memory_space<vmem>>
        %dma_wait3A_166 = arith.constant 0 : i32
        %dma_wait3A_167 = tpu.memref_slice %arg8[%add3A_131, %dma_wait3A_166] : memref<40x250xi32, #tpu.memory_space<vmem>> -> memref<1x250xi32, #tpu.memory_space<vmem>>
        %dma_wait3A_168 = tpu.memref_squeeze %dma_wait3A_167 : memref<1x250xi32, #tpu.memory_space<vmem>> -> memref<250xi32, #tpu.memory_space<vmem>>
        %dma_wait3A_169 = arith.constant 0 : i32
        %dma_wait3A_170 = arith.constant 0 : i32
        %dma_wait3A_171 = tpu.memref_slice %arg10[%dma_wait3A_169, %dma_wait3A_170] : memref<10240x64xf32, #tpu.memory_space<vmem_shared>> -> memref<10240x64xf32, #tpu.memory_space<vmem_shared>>
        tpu.wait_indirect_dma semaphore(%run_scoped3A_151 : memref<!tpu.dma_semaphore, #tpu.memory_space<semaphore_mem>>) src(%dma_wait3A_165 : memref<250x64xf32, #tpu.memory_space<vmem>>) dst(%dma_wait3A_171 : memref<10240x64xf32, #tpu.memory_space<vmem_shared>>)
        tpu.yield
      }) : () -> ()
      %add3A_144 = arith.constant 4 : i32
      %add3A_145 = arith.addi %add3A_131, %add3A_144 : i32
      %lt3A_146 = arith.constant 40 : i32
      %lt3A_147 = arith.cmpi slt, %add3A_145, %lt3A_146 : i32
      %convert_element_type3A_148 = arith.extui %lt3A_147 : i1 to i32
      %cond3A_149 = arith.constant 0 : i32
      %cond3A_150 = arith.cmpi ne, %convert_element_type3A_148, %cond3A_149 : i32
      scf.if %cond3A_150 {
        %add3A_151 = arith.constant 4 : i32
        %add3A_152 = arith.addi %add3A_131, %add3A_151 : i32
        %dma_start3A_153 = arith.constant 3 : i32
        %dma_start3A_154 = arith.constant 0 : i32
        %dma_start3A_155 = arith.constant 0 : i32
        %dma_start3A_156 = tpu.memref_slice %arg9[%dma_start3A_153, %dma_start3A_154, %dma_start3A_155] : memref<4x250x64xf32, #tpu.memory_space<vmem>> -> memref<1x250x64xf32, #tpu.memory_space<vmem>>
        %dma_start3A_157 = tpu.memref_squeeze %dma_start3A_156 : memref<1x250x64xf32, #tpu.memory_space<vmem>> -> memref<250x64xf32, #tpu.memory_space<vmem>>
        %dma_start3A_158 = arith.constant 0 : i32
        %dma_start3A_159 = tpu.memref_slice %arg7[%add3A_152, %dma_start3A_158] : memref<40x250xi32, #tpu.memory_space<vmem>> -> memref<1x250xi32, #tpu.memory_space<vmem>>
        %dma_start3A_160 = tpu.memref_squeeze %dma_start3A_159 : memref<1x250xi32, #tpu.memory_space<vmem>> -> memref<250xi32, #tpu.memory_space<vmem>>
        %dma_start3A_161 = arith.constant 0 : i32
        %dma_start3A_162 = arith.constant 0 : i32
        %dma_start3A_163 = tpu.memref_slice %arg2[%dma_start3A_161, %dma_start3A_162] : memref<10240x64xf32, #tpu.memory_space<hbm>> -> memref<10240x64xf32, #tpu.memory_space<hbm>>
        tpu.enqueue_indirect_dma source(%dma_start3A_163 : memref<10240x64xf32, #tpu.memory_space<hbm>>) target(%dma_start3A_157 : memref<250x64xf32, #tpu.memory_space<vmem>>) offsets(%dma_start3A_160 : memref<250xi32, #tpu.memory_space<vmem>>) semaphore(%arg14 : memref<!tpu.dma_semaphore, #tpu.memory_space<semaphore_mem>>)
      } else {
      }
    }
    %scan3A_60 = arith.constant 10 : i32
    %barrier3A_61 = arith.constant 0 : index
    tpu.barrier barrier_id(%barrier3A_61)
    %mul3A_62 = arith.constant 640 : i32
    %mul3A_63 = arith.muli %arg1, %mul3A_62 : i32
    %mul3A_64 = arith.constant 10240 : i32
    %mul3A_65 = arith.muli %arg0, %mul3A_64 : i32
    %mul3A_66 = arith.constant 640 : i32
    %mul3A_67 = arith.muli %arg1, %mul3A_66 : i32
    %add3A_68 = arith.addi %mul3A_65, %mul3A_67 : i32
    "tpu.region"() ({
      %run_scoped3A = tpu.sem_alloc : memref<!tpu.dma_semaphore, #tpu.memory_space<semaphore_mem>>
      %dma_start3A_69 = arith.constant 0 : i32
      %dma_start3A_70 = tpu.memref_slice %arg6[%add3A_68, %dma_start3A_69] : memref<20480x64xf32, #tpu.memory_space<hbm>> -> memref<640x64xf32, #tpu.memory_space<hbm>>
      %dma_start3A_71 = arith.constant 0 : i32
      %dma_start3A_72 = tpu.memref_slice %arg10[%mul3A_63, %dma_start3A_71] : memref<10240x64xf32, #tpu.memory_space<vmem_shared>> -> memref<640x64xf32, #tpu.memory_space<vmem_shared>>
      tpu.enqueue_dma source(%dma_start3A_72 : memref<640x64xf32, #tpu.memory_space<vmem_shared>>) target(%dma_start3A_70 : memref<640x64xf32, #tpu.memory_space<hbm>>) target_semaphore(%run_scoped3A : memref<!tpu.dma_semaphore, #tpu.memory_space<semaphore_mem>>)
      %dma_wait3A = arith.constant 0 : i32
      %dma_wait3A_73 = tpu.memref_slice %arg6[%add3A_68, %dma_wait3A] : memref<20480x64xf32, #tpu.memory_space<hbm>> -> memref<640x64xf32, #tpu.memory_space<hbm>>
      %dma_wait3A_74 = arith.constant 0 : i32
      %dma_wait3A_75 = tpu.memref_slice %arg10[%mul3A_63, %dma_wait3A_74] : memref<10240x64xf32, #tpu.memory_space<vmem_shared>> -> memref<640x64xf32, #tpu.memory_space<vmem_shared>>
      tpu.wait_dma2 semaphore(%run_scoped3A : memref<!tpu.dma_semaphore, #tpu.memory_space<semaphore_mem>>) src(%dma_wait3A_75 : memref<640x64xf32, #tpu.memory_space<vmem_shared>>) dst(%dma_wait3A_73 : memref<640x64xf32, #tpu.memory_space<hbm>>)
      tpu.yield
    }) : () -> ()
    return
  }
}

module attributes {stable_mosaic.version = 14 : i64} {
  func.func @_dense_a(%arg0: memref<2x10240x8xf32, #tpu.memory_space<vmem>>, %arg1: memref<10240x1xf32, #tpu.memory_space<vmem>>, %arg2: memref<1x128xf32, #tpu.memory_space<vmem>>, %arg3: memref<1x128xf32, #tpu.memory_space<vmem>>, %arg4: memref<1x128xf32, #tpu.memory_space<vmem>>, %arg5: memref<128x64xf32, #tpu.memory_space<vmem>>, %arg6: memref<128x64xf32, #tpu.memory_space<vmem>>, %arg7: memref<1x64xf32, #tpu.memory_space<vmem>>, %arg8: memref<10240x64xf32, #tpu.memory_space<vmem>>, %arg9: memref<10240x64xf32, #tpu.memory_space<vmem>>) attributes {dimension_semantics = [], scalar_prefetch = 0 : i64, scratch_operands = 0 : i64, tpu.core_type = #tpu.core_type<tc>} {
    %get3A = arith.constant 0 : index
    %get3A_0 = arith.constant 0 : index
    %get3A_1 = arith.constant 0 : index
    %get3A_2 = vector.load %arg0[%get3A, %get3A_0, %get3A_1] : memref<2x10240x8xf32, #tpu.memory_space<vmem>>, vector<1x10240x8xf32>
    %get3A_3 = vector.shape_cast %get3A_2 : vector<1x10240x8xf32> to vector<10240x8xf32>
    %get3A_4 = arith.constant 1 : index
    %get3A_5 = arith.constant 0 : index
    %get3A_6 = arith.constant 0 : index
    %get3A_7 = vector.load %arg0[%get3A_4, %get3A_5, %get3A_6] : memref<2x10240x8xf32, #tpu.memory_space<vmem>>, vector<1x10240x8xf32>
    %get3A_8 = vector.shape_cast %get3A_7 : vector<1x10240x8xf32> to vector<10240x8xf32>
    %add3A = arith.addf %get3A_3, %get3A_8 : vector<10240x8xf32>
    %slice3A = vector.extract_strided_slice %add3A {offsets = [0, 1], sizes = [10240, 1], strides = [1, 1]} : vector<10240x8xf32> to vector<10240x1xf32>
    %max3A = arith.constant 1.000000e+00 : f32
    %max3A_9 = vector.broadcast %max3A : f32 to vector<10240x1xf32>
    %max3A_10 = arith.maximumf %slice3A, %max3A_9 : vector<10240x1xf32>
    %slice3A_11 = vector.extract_strided_slice %add3A {offsets = [0, 0], sizes = [10240, 1], strides = [1, 1]} : vector<10240x8xf32> to vector<10240x1xf32>
    %div3A = arith.divf %slice3A_11, %max3A_10 : vector<10240x1xf32>
    %get3A_12 = arith.constant 0 : index
    %get3A_13 = arith.constant 0 : index
    %get3A_14 = vector.load %arg2[%get3A_12, %get3A_13] : memref<1x128xf32, #tpu.memory_space<vmem>>, vector<1x128xf32>
    %mul3A = vector.broadcast %div3A : vector<10240x1xf32> to vector<10240x128xf32>
    %mul3A_15 = vector.broadcast %get3A_14 : vector<1x128xf32> to vector<10240x128xf32>
    %mul3A_16 = arith.mulf %mul3A, %mul3A_15 : vector<10240x128xf32>
    %get3A_17 = arith.constant 0 : index
    %get3A_18 = arith.constant 0 : index
    %get3A_19 = vector.load %arg1[%get3A_17, %get3A_18] : memref<10240x1xf32, #tpu.memory_space<vmem>>, vector<10240x1xf32>
    %get3A_20 = arith.constant 0 : index
    %get3A_21 = arith.constant 0 : index
    %get3A_22 = vector.load %arg3[%get3A_20, %get3A_21] : memref<1x128xf32, #tpu.memory_space<vmem>>, vector<1x128xf32>
    %mul3A_23 = vector.broadcast %get3A_19 : vector<10240x1xf32> to vector<10240x128xf32>
    %mul3A_24 = vector.broadcast %get3A_22 : vector<1x128xf32> to vector<10240x128xf32>
    %mul3A_25 = arith.mulf %mul3A_23, %mul3A_24 : vector<10240x128xf32>
    %add3A_26 = arith.addf %mul3A_16, %mul3A_25 : vector<10240x128xf32>
    %get3A_27 = arith.constant 0 : index
    %get3A_28 = arith.constant 0 : index
    %get3A_29 = vector.load %arg4[%get3A_27, %get3A_28] : memref<1x128xf32, #tpu.memory_space<vmem>>, vector<1x128xf32>
    %add3A_30 = vector.broadcast %get3A_29 : vector<1x128xf32> to vector<10240x128xf32>
    %add3A_31 = arith.addf %add3A_26, %add3A_30 : vector<10240x128xf32>
    %max3A_32 = arith.constant 0.000000e+00 : f32
    %max3A_33 = vector.broadcast %max3A_32 : f32 to vector<10240x128xf32>
    %max3A_34 = arith.maximumf %add3A_31, %max3A_33 : vector<10240x128xf32>
    %get3A_35 = arith.constant 0 : index
    %get3A_36 = arith.constant 0 : index
    %get3A_37 = vector.load %arg5[%get3A_35, %get3A_36] : memref<128x64xf32, #tpu.memory_space<vmem>>, vector<128x64xf32>
    %dot_general3A = arith.constant dense<0.000000e+00> : vector<10240x64xf32>
    %dot_general3A_38 = tpu.matmul %max3A_34, %get3A_37, %dot_general3A {dimension_numbers = #tpu.dot_dimension_numbers<[1], [0], [0], [1], [0, 0, 1, 1], [], []>, transpose_lhs_hint = false} : vector<10240x128xf32>, vector<128x64xf32>, vector<10240x64xf32> -> vector<10240x64xf32>
    %swap3A = arith.constant 0 : index
    %swap3A_39 = arith.constant 0 : index
    %swap3A_40 = vector.load %arg8[%swap3A, %swap3A_39] : memref<10240x64xf32, #tpu.memory_space<vmem>>, vector<10240x64xf32>
    tpu.vector_store %arg8[%swap3A, %swap3A_39], %dot_general3A_38 {strides = array<i32>} : memref<10240x64xf32, #tpu.memory_space<vmem>>, vector<10240x64xf32>,
    %get3A_41 = arith.constant 0 : index
    %get3A_42 = arith.constant 0 : index
    %get3A_43 = vector.load %arg6[%get3A_41, %get3A_42] : memref<128x64xf32, #tpu.memory_space<vmem>>, vector<128x64xf32>
    %dot_general3A_44 = arith.constant dense<0.000000e+00> : vector<10240x64xf32>
    %dot_general3A_45 = tpu.matmul %max3A_34, %get3A_43, %dot_general3A_44 {dimension_numbers = #tpu.dot_dimension_numbers<[1], [0], [0], [1], [0, 0, 1, 1], [], []>, transpose_lhs_hint = false} : vector<10240x128xf32>, vector<128x64xf32>, vector<10240x64xf32> -> vector<10240x64xf32>
    %get3A_46 = arith.constant 0 : index
    %get3A_47 = arith.constant 0 : index
    %get3A_48 = vector.load %arg7[%get3A_46, %get3A_47] : memref<1x64xf32, #tpu.memory_space<vmem>>, vector<1x64xf32>
    %add3A_49 = vector.broadcast %get3A_48 : vector<1x64xf32> to vector<10240x64xf32>
    %add3A_50 = arith.addf %dot_general3A_45, %add3A_49 : vector<10240x64xf32>
    %swap3A_51 = arith.constant 0 : index
    %swap3A_52 = arith.constant 0 : index
    %swap3A_53 = vector.load %arg9[%swap3A_51, %swap3A_52] : memref<10240x64xf32, #tpu.memory_space<vmem>>, vector<10240x64xf32>
    tpu.vector_store %arg9[%swap3A_51, %swap3A_52], %add3A_50 {strides = array<i32>} : memref<10240x64xf32, #tpu.memory_space<vmem>>, vector<10240x64xf32>,
    return
  }
}

module attributes {stable_mosaic.version = 14 : i64} {
  func.func @_dense_b(%arg0: memref<2x10240x64xf32, #tpu.memory_space<vmem>>, %arg1: memref<2x10240x8xf32, #tpu.memory_space<vmem>>, %arg2: memref<10240x64xf32, #tpu.memory_space<vmem>>, %arg3: memref<64x4xf32, #tpu.memory_space<vmem>>, %arg4: memref<1x4xf32, #tpu.memory_space<vmem>>, %arg5: memref<10240x4xf32, #tpu.memory_space<vmem>>) attributes {dimension_semantics = [], scalar_prefetch = 0 : i64, scratch_operands = 0 : i64, tpu.core_type = #tpu.core_type<tc>} {
    %get3A = arith.constant 0 : index
    %get3A_0 = arith.constant 0 : index
    %get3A_1 = arith.constant 0 : index
    %get3A_2 = vector.load %arg1[%get3A, %get3A_0, %get3A_1] : memref<2x10240x8xf32, #tpu.memory_space<vmem>>, vector<1x10240x8xf32>
    %get3A_3 = vector.shape_cast %get3A_2 : vector<1x10240x8xf32> to vector<10240x8xf32>
    %get3A_4 = arith.constant 1 : index
    %get3A_5 = arith.constant 0 : index
    %get3A_6 = arith.constant 0 : index
    %get3A_7 = vector.load %arg1[%get3A_4, %get3A_5, %get3A_6] : memref<2x10240x8xf32, #tpu.memory_space<vmem>>, vector<1x10240x8xf32>
    %get3A_8 = vector.shape_cast %get3A_7 : vector<1x10240x8xf32> to vector<10240x8xf32>
    %add3A = arith.addf %get3A_3, %get3A_8 : vector<10240x8xf32>
    %slice3A = vector.extract_strided_slice %add3A {offsets = [0, 1], sizes = [10240, 1], strides = [1, 1]} : vector<10240x8xf32> to vector<10240x1xf32>
    %max3A = arith.constant 1.000000e+00 : f32
    %max3A_9 = vector.broadcast %max3A : f32 to vector<10240x1xf32>
    %max3A_10 = arith.maximumf %slice3A, %max3A_9 : vector<10240x1xf32>
    %div3A = arith.constant 1.000000e+00 : f32
    %div3A_11 = vector.broadcast %div3A : f32 to vector<10240x1xf32>
    %div3A_12 = arith.divf %div3A_11, %max3A_10 : vector<10240x1xf32>
    %get3A_13 = arith.constant 0 : index
    %get3A_14 = arith.constant 0 : index
    %get3A_15 = arith.constant 0 : index
    %get3A_16 = vector.load %arg0[%get3A_13, %get3A_14, %get3A_15] : memref<2x10240x64xf32, #tpu.memory_space<vmem>>, vector<1x10240x64xf32>
    %get3A_17 = vector.shape_cast %get3A_16 : vector<1x10240x64xf32> to vector<10240x64xf32>
    %get3A_18 = arith.constant 1 : index
    %get3A_19 = arith.constant 0 : index
    %get3A_20 = arith.constant 0 : index
    %get3A_21 = vector.load %arg0[%get3A_18, %get3A_19, %get3A_20] : memref<2x10240x64xf32, #tpu.memory_space<vmem>>, vector<1x10240x64xf32>
    %get3A_22 = vector.shape_cast %get3A_21 : vector<1x10240x64xf32> to vector<10240x64xf32>
    %add3A_23 = arith.addf %get3A_17, %get3A_22 : vector<10240x64xf32>
    %mul3A = vector.broadcast %div3A_12 : vector<10240x1xf32> to vector<10240x64xf32>
    %mul3A_24 = arith.mulf %add3A_23, %mul3A : vector<10240x64xf32>
    %get3A_25 = arith.constant 0 : index
    %get3A_26 = arith.constant 0 : index
    %get3A_27 = vector.load %arg2[%get3A_25, %get3A_26] : memref<10240x64xf32, #tpu.memory_space<vmem>>, vector<10240x64xf32>
    %add3A_28 = arith.addf %mul3A_24, %get3A_27 : vector<10240x64xf32>
    %max3A_29 = arith.constant 0.000000e+00 : f32
    %max3A_30 = vector.broadcast %max3A_29 : f32 to vector<10240x64xf32>
    %max3A_31 = arith.maximumf %add3A_28, %max3A_30 : vector<10240x64xf32>
    %get3A_32 = arith.constant 0 : index
    %get3A_33 = arith.constant 0 : index
    %get3A_34 = vector.load %arg3[%get3A_32, %get3A_33] : memref<64x4xf32, #tpu.memory_space<vmem>>, vector<64x4xf32>
    %dot_general3A = arith.constant dense<0.000000e+00> : vector<10240x4xf32>
    %dot_general3A_35 = tpu.matmul %max3A_31, %get3A_34, %dot_general3A {dimension_numbers = #tpu.dot_dimension_numbers<[1], [0], [0], [1], [0, 0, 1, 1], [], []>, transpose_lhs_hint = false} : vector<10240x64xf32>, vector<64x4xf32>, vector<10240x4xf32> -> vector<10240x4xf32>
    %get3A_36 = arith.constant 0 : index
    %get3A_37 = arith.constant 0 : index
    %get3A_38 = vector.load %arg4[%get3A_36, %get3A_37] : memref<1x4xf32, #tpu.memory_space<vmem>>, vector<1x4xf32>
    %add3A_39 = vector.broadcast %get3A_38 : vector<1x4xf32> to vector<10240x4xf32>
    %add3A_40 = arith.addf %dot_general3A_35, %add3A_39 : vector<10240x4xf32>
    %swap3A = arith.constant 0 : index
    %swap3A_41 = arith.constant 0 : index
    %swap3A_42 = vector.load %arg5[%swap3A, %swap3A_41] : memref<10240x4xf32, #tpu.memory_space<vmem>>, vector<10240x4xf32>
    tpu.vector_store %arg5[%swap3A, %swap3A_41], %add3A_40 {strides = array<i32>} : memref<10240x4xf32, #tpu.memory_space<vmem>>, vector<10240x4xf32>,
    return
  }
}

</mosaic_0001>

<sc_bundles>
// kernel: kernel.10.cloned.1.call-start
scs
__scs_entry_jumppad:
0x0: {  	(pc) =	sbr.rel $0x88, $3  }
0x1: {  	(tag) =	ssettag $0x0;
	lr =	simm.s32 $0x1  }
0x2: {  	[smem:$0x3F95] =	sst lr;
	_ =	strace $0xD0000000  }
0x3: {  	_ = 	snop  }
0x4: {  	_ = 	snop  }
0x5: {  	_ = 	snop  }
0x6: {  	_ = 	snop  }
0x7: {  	_ = 	snop  }
__scs_overlays_trampoline_lowered:
0x8: {  	[smem:$0x3FA4] =	sst s0  }
0x9: {  	[smem:$0x3FA5] =	sst s1  }
0xa: {  	[smem:$0x3FA6] =	sst s2  }
0xb: {  	[smem:$0x3FA7] =	sst s3  }
0xc: {  	[smem:$0x3FA8] =	sst s4  }
0xd: {  	[smem:$0x3FA9] =	sst s5  }
0xe: {  	[smem:$0x3FAA] =	sst s6  }
0xf: {  	[smem:$0x3FAB] =	sst s7  }
0x10: {  	[smem:$0x3FAC] =	sst s8  }
0x11: {  	[smem:$0x3FAD] =	sst s9;
	s0 =	simm.s32 @!p0 $0x0  }
0x12: {  	s1 =	sld [smem:$0x3F93];
	s0 =	simm.s32 @p0 $0x1  }
0x13: {  	[smem:$0x3FAE] =	sst s0;
	s0 =	simm.s32 @!p1 $0x0  }
0x14: {  	s2 =	sld [smem:$0x3F92];
	s0 =	simm.s32 @p1 $0x1  }
0x15: {  	[smem:$0x3FAF] =	sst s0;
	s0 =	simm.s32 @!p2 $0x0  }
0x16: {  	s3 =	sld [smem:$0x3FDB];
	s0 =	simm.s32 @p2 $0x1  }
0x17: {  	s4 =	simm.s32 $0x1BF5;
	[smem:$0x3FB1] =	sst s0  }
0x18: {  	s0 =	sld [smem:$0x3F94];
	_ =	swait.ge [sflag:s4], $0x0  }
0x19: {  	s7 =	sld [smem:$0x3F95]  }
0x1a: {  	s8 =	sadd.s32 $0xFFFFE003, lr  }
0x1b: {  	s9 =	sadd.s32 $0xFFFFFEF7, lr;
	s5 =	simm.s32 $0xFFFFFFFF;
	p2 =	slt.u32 s8, $0xFFFFF086  }
0x1c: {  	p1 =	slt.u32 s9, $0xF7A;
	s5 =	simm.s32 @!p2 $0x0  }
0x1d: {  	s5 =	simm.s32 @p1 $0x1;
	p0 =	seq.s32 s7, s2  }
0x1e: {  	s7 =	smul.u32 @!p0 $0xF7A, s2;
	p2 =	seq.s32 @!p0 s5, $0x0  }
0x1f: {  	s9 =	smul.u32 $0xF7A, s1;
	s8 =	simm.s32 @!p0 $0x1BF5;
	p2 =	por !p2, p0  }
0x20: {  	[sflag:s8] =	ssyncset.s32 @!p0 $0xFFFFF086;
	s6 =	sadd.s32 @!p0 s3, s7;
	s7 =	simm.s32 @!p0 $0x108  }
0x21: {  	s3 =	sadd.s32 s3, s9;
	s6 =	sadd.s32 @!p0 $0x88, s6;
	s7 =	simm.s32 @p2 $0x1082  }
0x22: {  	[simem:s7], [sflag:s8] =	dma.local @!p0 [hbm:s6], $0xF7A  }
0x23: {  	s9 =	sor.u32 $0xD0000000, s2;
	s6 =	simm.s32 $0x108;
	_ =	swait.ge @!p0 [sflag:s8], $0x0  }
0x24: {  	s3 =	sadd.s32 $0x88, s3;
	s6 =	simm.s32 @!p1 $0x1082;
	[sflag:s4] =	ssyncset.s32 $0xFFFFF086  }
0x25: {  	[simem:s6], [sflag:s4] =	dma.local [hbm:s3], $0xF7A  }
0x26: {  	[smem:$0x3F95] =	sst s1;
	(tag) =	ssettag s2;
	_ =	strace s9  }
0x27: {  	s1 =	sld [smem:$0x3FA5]  }
0x28: {  	s2 =	sld [smem:$0x3FA6]  }
0x29: {  	s4 =	sld [smem:$0x3FA8]  }
0x2a: {  	p0 =	seq.s32 s5, $0x0;
	s5 =	sld [smem:$0x3FA9]  }
0x2b: {  	s6 =	sld [smem:$0x3FAA]  }
0x2c: {  	s7 =	sld [smem:$0x3FAB]  }
0x2d: {  	s3 =	simm.s32 $0x108;
	s8 =	sld [smem:$0x3FAC]  }
0x2e: {  	s3 =	simm.s32 @!p0 $0x1082;
	s9 =	sld [smem:$0x3FAD]  }
0x2f: {  	lr =	sadd.s32 s0, s3;
	s0 =	sld [smem:$0x3FA4]  }
0x30: {  	s3 =	sld [smem:$0x3FA7]  }
0x31: {  	[smem:$0x3FB0] =	sst s10  }
0x32: {  	s10 =	sld [smem:$0x3FAE];
	_ =	sdelay $0x3  }
0x33: {  	p0 =	seq.s32 s10, $0x1;
	s10 =	sld [smem:$0x3FB0];
	_ =	sdelay $0x3  }
0x34: {  	[smem:$0x3FB0] =	sst s10  }
0x35: {  	s10 =	sld [smem:$0x3FAF];
	_ =	sdelay $0x3  }
0x36: {  	p1 =	seq.s32 s10, $0x1;
	s10 =	sld [smem:$0x3FB0];
	_ =	sdelay $0x3  }
0x37: {  	[smem:$0x3FB0] =	sst s10  }
0x38: {  	s10 =	sld [smem:$0x3FB1]  }
0x39: {  	_ = 	snop;
	(pc) =	sbr.ind lr, $3  }
0x3a: {  	_ = 	snop  }
0x3b: {  	_ = 	snop  }
0x3c: {  	p2 =	seq.s32 s10, $0x1;
	s10 =	sld [smem:$0x3FB0]  }
0x3d: {  	_ =	shalt  }
0x3e: {  	_ =	shalt  }
0x3f: {  	_ =	shalt  }
0x40: {  	_ =	shalt  }
0x41: {  	_ =	shalt  }
0x42: {  	_ =	shalt  }
0x43: {  	_ =	shalt  }
0x44: {  	_ =	shalt  }
0x45: {  	_ =	shalt  }
0x46: {  	_ =	shalt  }
0x47: {  	_ =	shalt  }
0x48: {  	_ =	shalt  }
0x49: {  	_ =	shalt  }
0x4a: {  	_ =	shalt  }
0x4b: {  	_ =	shalt  }
0x4c: {  	_ =	shalt  }
0x4d: {  	_ =	shalt  }
0x4e: {  	_ =	shalt  }
0x4f: {  	_ =	shalt  }
0x50: {  	_ =	shalt  }
0x51: {  	_ =	shalt  }
0x52: {  	_ =	shalt  }
0x53: {  	_ =	shalt  }
0x54: {  	_ =	shalt  }
0x55: {  	_ =	shalt  }
0x56: {  	_ =	shalt  }
0x57: {  	_ =	shalt  }
0x58: {  	_ =	shalt  }
0x59: {  	_ =	shalt  }
0x5a: {  	_ =	shalt  }
0x5b: {  	_ =	shalt  }
0x5c: {  	_ =	shalt  }
0x5d: {  	_ =	shalt  }
0x5e: {  	_ =	shalt  }
0x5f: {  	_ =	shalt  }
0x60: {  	_ =	shalt  }
0x61: {  	_ =	shalt  }
0x62: {  	_ =	shalt  }
0x63: {  	_ =	shalt  }
0x64: {  	_ =	shalt  }
0x65: {  	_ =	shalt  }
0x66: {  	_ =	shalt  }
0x67: {  	_ =	shalt  }
0x68: {  	_ =	shalt  }
0x69: {  	_ =	shalt  }
0x6a: {  	_ =	shalt  }
0x6b: {  	_ =	shalt  }
0x6c: {  	_ =	shalt  }
0x6d: {  	_ =	shalt  }
0x6e: {  	_ =	shalt  }
0x6f: {  	_ =	shalt  }
0x70: {  	_ =	shalt  }
0x71: {  	_ =	shalt  }
0x72: {  	_ =	shalt  }
0x73: {  	_ =	shalt  }
0x74: {  	_ =	shalt  }
0x75: {  	_ =	shalt  }
0x76: {  	_ =	shalt  }
0x77: {  	_ =	shalt  }
0x78: {  	_ =	shalt  }
0x79: {  	_ =	shalt  }
0x7a: {  	_ =	shalt  }
0x7b: {  	_ =	shalt  }
0x7c: {  	_ =	shalt  }
0x7d: {  	_ =	shalt  }
0x7e: {  	_ =	shalt  }
0x7f: {  	_ =	shalt  }
0x80: {  	_ =	shalt  }
0x81: {  	_ =	shalt  }
0x82: {  	_ =	shalt  }
0x83: {  	_ =	shalt  }
0x84: {  	_ =	shalt  }
0x85: {  	_ =	shalt  }
0x86: {  	_ =	shalt  }
0x87: {  	_ =	shalt  }
.Lfunc_end0:
.L_simem_size_0:
called_computation.1_lowered:
.L_overlay_start_0:
0x88: {  	s2 =	sld [smem:$0x3FD9]  }
0x89: {  	s3 =	sld [smem:$0x3FFE];
	_ =	sdelay $0x1  }
0x8a: {  	s1 =	srdreg.scid  }
0x8b: {  	s0 =	sand.u32 $0x1, s1  }
0x8c: {  	s17 =	sshll.u32 s0, $0xA;
	s2 =	sadd.s32 s3, s2  }
0x8d: {  	s2 =	sadd.s32 s2, s17  }
0x8e: {  	[smem:$0x3FBC] =	sst s2  }
0x8f: {  	_ = 	snop  }
0x90: {  	s2 =	sld [smem:$0x3FD0];
	(tm) =	ssettm $0x1  }
0x91: {  	s18 =	sld [smem:$0x3FFB];
	_ =	sdelay $0x3  }
0x92: {  	_ =	strace s18  }
0x93: {  	s3 =	sld [smem:$0x3FFC];
	_ =	sdelay $0x3  }
0x94: {  	_ =	strace s3  }
0x95: {  	s3 =	sld [smem:$0x3FFD];
	_ =	sdelay $0x3  }
0x96: {  	_ =	strace s3  }
0x97: {  	_ =	strace $0x8FFFFFFF  }
0x98: {  	s19 =	sld [smem:$0x3FDB];
	_ =	sdelay $0x1  }
0x99: {  	s4 =	simm.s32 $_scs_section_size  }
0x9a: {  	s5 =	simm.s32 $_size__tile_overlayer_lowered;
	s6 =	simm.s32 $_tile_overlayer_lowered  }
0x9b: {  	s22 =	simm.s32 $0x1BFF;
	s21 =	sshll.u32 s6, $0x1;
	s3 =	sadd.s32 s4, s19  }
0x9c: {  	s7 =	simm.s32 $0x0;
	s20 =	sshll.u32 s5, $0x1;
	s5 =	sadd.s32 s21, s3  }
0x9d: {  	[timem:s7], [sflag:s22] =	dma.local [hbm:s5], s20  }
0x9e: {  	_ =	swait.ge [sflag:s22], s20  }
0x9f: {  	s4 =	ssub.s32 $0x0, s20;
	[sflag:s22] =	ssyncset.done $0x0  }
0xa0: {  	[sflag:s22] =	ssyncadd.s32 s4;
	_ =	sdelay $0x1  }
0xa1: {  	s23 =	simm.s32 $0x1B8B  }
0xa2: {  	_ =	swait.ge [sflag:s23], $0x1  }
0xa3: {  	[sflag:s23] =	ssyncset.done $0x0  }
0xa4: {  	s25 =	simm.s32 $0x1B8E;
	s24 =	sld [smem:$0x3FFE];
	[sflag:s23] =	ssyncadd.s32 $0xFFFFFFFF  }
0xa5: {  	s26 =	simm.s32 $execute0_lowered;
	[smem:$0x3FD2] =	sst s25  }
0xa6: {  	s5 =	sshll.u32 s26, $0x1;
	_ =	strace $0x80000049;
	[dreg:$0x1] =	wrdreg $0xFFFFFFFF  }
0xa7: {  	s28 =	simm.s32 $_size_execute0_lowered;
	s3 =	sadd.s32 s3, s5;
	[dreg:$0x0] =	wrdreg $0x0  }
0xa8: {  	s5 =	sshll.u32 s28, $0x1;
	[dreg:$0x2] =	wrdreg s3  }
0xa9: {  	[dreg:$0x3] =	wrdreg s5  }
0xaa: {  	[dreg:$0x4] =	wrdreg $0xC0  }
0xab: {  	_ =	task [dreg:s7], $0x5FFFF  }
0xac: {  	[dreg:$0x1] =	wrdreg $0xFFFFFFFF  }
0xad: {  	[dreg:$0x0] =	wrdreg $0x60  }
0xae: {  	[dreg:$0x2] =	wrdreg s24  }
0xaf: {  	[dreg:$0x3] =	wrdreg s2  }
0xb0: {  	[dreg:$0x4] =	wrdreg $0x14A000  }
0xb1: {  	[dreg:$0x5] =	wrdreg $0x9  }
0xb2: {  	_ =	task.clear_ibuf [dreg:s7], $0x6FFFF;
	_ =	strace $0x90000049  }
0xb3: {  	s29 =	simm.s32 $0x9;
	_ =	strace $0x8000004B  }
0xb4: {  	_ =	swait.ge [sflag:s29], $0x1  }
0xb5: {  	[sflag:s29] =	ssyncadd.s32 $0xFFFFFFFF  }
0xb6: {  	_ =	strace $0x9000004B  }
0xb7: {  	_ =	sfence  }
0xb8: {  	s30 =	sld [smem:$0x0];
	_ =	sdelay $0x2  }
0xb9: {  	s31 =	sshll.u32 s1, $0xD;
	s1 =	sshrl.u32 s1, $0x2  }
0xba: {  	s3 =	sand.u32 $0x4000, s31;
	s1 =	sadd.s32 s1, s30  }
0xbb: {  	s0 =	sor.u32 s3, s0;
	s1 =	sshll.u32 s1, $0x11  }
0xbc: {  	s0 =	sor.u32 s1, s0  }
0xbd: {  	s0 =	sadd.s32 $0x8F2B, s0  }
0xbe: {  	[sflag:s0] =	ssyncadd.remote.s32 $0x1  }
0xbf: {  	_ =	sfence.sel $0xFFFF  }
0xc0: {  	[dreg:$0x0] =	wrdreg $0xFFFFFFFF;
	(pc) =	sbr.abs _section_cstart, $3  }
0xc1: {  	[dreg:$0x1] =	wrdreg $0xFFFFFFFF  }
0xc2: {  	_ =	task.clear_ibuf [dreg:s7], $0x2FFFF;
	_ =	strace $0x9FFFFFFF  }
0xc3: {  	(tm) =	ssettm $0x7FFFFFFF  }
tec
execute0_lowered:
.L_overlay_start_1:
0x0: {  	(tag) =	ssettag $0x1  }
0x1: {  	s1 =	rddreg [dreg:$0x0]  }
0x2: {  	s0 =	srdreg.scid;
	s9 =	rddreg [dreg:$0x1]  }
0x3: {  	s13 =	stileid.u32;
	s2 =	rddreg [dreg:$0x2]  }
0x4: {  	s14 =	simm.s32 $0xFA;
	s15 =	simm.s32 $0x5000;
	s16 =	simm.s32 $0x100  }
0x5: {  	s17 =	simm.s32 $0x8E80;
	s18 =	simm.s32 $0x200;
	s19 =	simm.s32 $0xCD00  }
0x6: {  	s20 =	simm.s32 $0x300;
	s21 =	simm.s32 $0x10B80;
	s22 =	simm.s32 $0x1  }
0x7: {  	s23 =	simm.s32 $0x2;
	s28 =	simm.s32 $0x4D00;
	s29 =	simm.s32 $0x4E00  }
0x8: {  	s30 =	simm.s32 $0x4F00;
	s31 =	simm.s32 $0x0;
	s6 =	smul.u32 $0xA000, s13  }
0x9: {  	s0 =	sand.u32 $0x1, s0;
	s10 =	smul.u32 $0x1400, s13;
	s26 =	sshll.u32 s13, $0x6  }
0xa: {  	s3 =	sshll.u32 s0, $0x4;
	s7 =	ssub.s32 $0x2, s0;
	s0 =	smul.u32 $0x14000, s0  }
0xb: {  	s4 =	sor.u32 s13, s3;
	s3 =	simm.s32 $0x0;
	s24 =	sshrl.u32 s6, $0x3  }
0xc: {  	s25 =	sshrl.u32 s7, $0x1;
	s12 =	sadd.s32 s6, s2;
	s6 =	sor.u32 $0x1C05, s26  }
0xd: {  	s26 =	simm.s32 $0x4C00;
	s5 =	smul.u32 $0x500, s4;
	[smem:$0x7FF] =	sst s3  }
0xe: {  	s4 =	sadd.s32 $0x65C00, s1;
	s11 =	ssub.s32 s7, s25;
	s0 =	sadd.s32 s10, s0  }
0xf: {  	s25 =	simm.s32 $0x4;
	_ =	strace $0x8000004A;
	s9 =	sadd.s32 s9, s0  }
0x10: {  	s10 =	smax.u32 s11, $0x1;
	s11 =	sshrl.u32 s12, $0x3;
	s12 =	simm.s32 $0x5  }
0x11: {  	s8 =	sadd.s32 s5, s1;
	s1 =	sadd.s32 s24, s1;
	s24 =	simm.s32 $0x3  }
0x12: {  	s5 =	sadd.s32 $0x79C00, s1;
	s7 =	sadd.s32 $0xBC00, s8;
	s8 =	sadd.s32 $0x1C00, s8  }
.LBB2_1:
0x13: {  	[spmem:s11], [sflag:s6] =	dma.local [hbm:s5], $0x1400  }
0x14: {  	_ =	swait.ge [sflag:s12], $0x1400  }
0x15: {  	[sflag:s12] =	ssyncset.done $0x0  }
0x16: {  	[sflag:s12] =	ssyncadd.s32 $0xFFFFEC00  }
0x17: {  	[tilespmem:s3], [sflag:$0x5] =	stream.linear.gather [hbm4b:s7+s3], $0x2800, $0x38;
	[tilespmem:$0x1EA00] =	vst v63  }
0x18: {  	_ =	swait.ge [sflag:s12], $0x2800  }
0x19: {  	[sflag:s12] =	ssyncset.done $0x0  }
0x1a: {  	s0 =	simm.s32 $0x2800;
	[sflag:s12] =	ssyncadd.s32 $0xFFFFD800  }
0x1b: {  	[tilespmem:s0], [sflag:$0x5] =	stream.linear.gather [hbm4b:s8+s3], $0x2800, $0x38;
	[tilespmem:$0x1EA00] =	vst v63  }
0x1c: {  	_ =	swait.ge [sflag:s12], $0x2800  }
0x1d: {  	[sflag:s12] =	ssyncset.done $0x0  }
0x1e: {  	[sflag:s12] =	ssyncadd.s32 $0xFFFFD800  }
0x1f: {  	[bflag:$0x0] =	sbarrier.arrive $0xFFFF  }
0x20: {  	[tilespmem:s15], [sflag:$0x1] =	stream.indirect.gather [hbm4b:s4+s14], $0x40, s3, s14, $0xb8;
	[tilespmem:$0x1EA00] =	vst v63  }
0x21: {  	_ = 	snop  }
0x22: {  	[tilespmem:s17], [sflag:$0x2] =	stream.indirect.gather [hbm4b:s4+s14], $0x40, s16, s14, $0xb8;
	[tilespmem:$0x1EA00] =	vst v63  }
0x23: {  	_ = 	snop  }
0x24: {  	[tilespmem:s19], [sflag:$0x3] =	stream.indirect.gather [hbm4b:s4+s14], $0x40, s18, s14, $0xb8;
	[tilespmem:$0x1EA00] =	vst v63  }
0x25: {  	_ = 	snop  }
0x26: {  	[tilespmem:s21], [sflag:$0x4] =	stream.indirect.gather [hbm4b:s4+s14], $0x40, s20, s14, $0xb8;
	[tilespmem:$0x1EA00] =	vst v63  }
0x27: {  	_ =	swait.ge [sflag:s22], $0x3E80  }
0x28: {  	[sflag:s22] =	ssyncset.done $0x0  }
0x29: {  	s13 =	simm.s32 $0x2800;
	[sflag:s22] =	ssyncadd.s32 $0xFFFFC180  }
0x2a: {  	[spmem:s2] =	stream.indirect.scatter.add.f32 [tilespmem:s15], [sflag:$0x5], $0x40, s13, s14, $0xb8;
	[tilespmem:$0x1EA00] =	vst v63  }
0x2b: {  	_ =	swait.ge [sflag:s12], $0x3E80  }
0x2c: {  	[sflag:s12] =	ssyncset.done $0x0  }
0x2d: {  	s1 =	simm.s32 $0x400;
	[sflag:s12] =	ssyncadd.s32 $0xFFFFC180  }
0x2e: {  	[tilespmem:s15], [sflag:$0x1] =	stream.indirect.gather [hbm4b:s4+s14], $0x40, s1, s14, $0xb8;
	[tilespmem:$0x1EA00] =	vst v63  }
0x2f: {  	_ =	swait.ge [sflag:s23], $0x3E80  }
0x30: {  	[sflag:s23] =	ssyncset.done $0x0  }
0x31: {  	s13 =	simm.s32 $0x2900;
	[sflag:s23] =	ssyncadd.s32 $0xFFFFC180  }
0x32: {  	[spmem:s2] =	stream.indirect.scatter.add.f32 [tilespmem:s17], [sflag:$0x5], $0x40, s13, s14, $0xb8;
	[tilespmem:$0x1EA00] =	vst v63  }
0x33: {  	_ =	swait.ge [sflag:s12], $0x3E80  }
0x34: {  	[sflag:s12] =	ssyncset.done $0x0  }
0x35: {  	s1 =	simm.s32 $0x500;
	[sflag:s12] =	ssyncadd.s32 $0xFFFFC180  }
0x36: {  	[tilespmem:s17], [sflag:$0x2] =	stream.indirect.gather [hbm4b:s4+s14], $0x40, s1, s14, $0xb8;
	[tilespmem:$0x1EA00] =	vst v63  }
0x37: {  	_ =	swait.ge [sflag:s24], $0x3E80  }
0x38: {  	[sflag:s24] =	ssyncset.done $0x0  }
0x39: {  	s13 =	simm.s32 $0x2A00;
	[sflag:s24] =	ssyncadd.s32 $0xFFFFC180  }
0x3a: {  	[spmem:s2] =	stream.indirect.scatter.add.f32 [tilespmem:s19], [sflag:$0x5], $0x40, s13, s14, $0xb8;
	[tilespmem:$0x1EA00] =	vst v63  }
0x3b: {  	_ =	swait.ge [sflag:s12], $0x3E80  }
0x3c: {  	[sflag:s12] =	ssyncset.done $0x0  }
0x3d: {  	s1 =	simm.s32 $0x600;
	[sflag:s12] =	ssyncadd.s32 $0xFFFFC180  }
0x3e: {  	[tilespmem:s19], [sflag:$0x3] =	stream.indirect.gather [hbm4b:s4+s14], $0x40, s1, s14, $0xb8;
	[tilespmem:$0x1EA00] =	vst v63  }
0x3f: {  	_ =	swait.ge [sflag:s25], $0x3E80  }
0x40: {  	[sflag:s25] =	ssyncset.done $0x0  }
0x41: {  	s13 =	simm.s32 $0x2B00;
	[sflag:s25] =	ssyncadd.s32 $0xFFFFC180  }
0x42: {  	[spmem:s2] =	stream.indirect.scatter.add.f32 [tilespmem:s21], [sflag:$0x5], $0x40, s13, s14, $0xb8;
	[tilespmem:$0x1EA00] =	vst v63  }
0x43: {  	_ =	swait.ge [sflag:s12], $0x3E80  }
0x44: {  	[sflag:s12] =	ssyncset.done $0x0  }
0x45: {  	s0 =	simm.s32 $0x700;
	s1 =	simm.s32 $0x1000;
	[sflag:s12] =	ssyncadd.s32 $0xFFFFC180  }
.LBB2_2:
0x46: {  	[tilespmem:s21], [sflag:$0x4] =	stream.indirect.gather [hbm4b:s4+s14], $0x40, s0, s14, $0xb8;
	[tilespmem:$0x1EA00] =	vst v63  }
0x47: {  	s0 =	smov.u32 s1  }
0x48: {  	p0 =	sne.s32 s1, $0x8000;
	s1 =	sadd.s32 $0x1000, s1;
	_ =	swait.ge [sflag:s22], $0x3E80  }
0x49: {  	s0 =	sshra.s32 s0, $0x2;
	[sflag:s22] =	ssyncset.done $0x0  }
0x4a: {  	s13 =	sadd.s32 $0x2800, s0;
	[sflag:s22] =	ssyncadd.s32 $0xFFFFC180  }
0x4b: {  	[spmem:s2] =	stream.indirect.scatter.add.f32 [tilespmem:s15], [sflag:$0x5], $0x40, s13, s14, $0xb8;
	[tilespmem:$0x1EA00] =	vst v63  }
0x4c: {  	_ =	swait.ge [sflag:s12], $0x3E80  }
0x4d: {  	[sflag:s12] =	ssyncset.done $0x0  }
0x4e: {  	s13 =	sadd.s32 $0x400, s0;
	[sflag:s12] =	ssyncadd.s32 $0xFFFFC180  }
0x4f: {  	[tilespmem:s15], [sflag:$0x1] =	stream.indirect.gather [hbm4b:s4+s14], $0x40, s13, s14, $0xb8;
	[tilespmem:$0x1EA00] =	vst v63  }
0x50: {  	_ =	swait.ge [sflag:s23], $0x3E80  }
0x51: {  	[sflag:s23] =	ssyncset.done $0x0  }
0x52: {  	s13 =	sadd.s32 $0x2900, s0;
	[sflag:s23] =	ssyncadd.s32 $0xFFFFC180  }
0x53: {  	[spmem:s2] =	stream.indirect.scatter.add.f32 [tilespmem:s17], [sflag:$0x5], $0x40, s13, s14, $0xb8;
	[tilespmem:$0x1EA00] =	vst v63  }
0x54: {  	_ =	swait.ge [sflag:s12], $0x3E80  }
0x55: {  	[sflag:s12] =	ssyncset.done $0x0  }
0x56: {  	s13 =	sadd.s32 $0x500, s0;
	[sflag:s12] =	ssyncadd.s32 $0xFFFFC180  }
0x57: {  	[tilespmem:s17], [sflag:$0x2] =	stream.indirect.gather [hbm4b:s4+s14], $0x40, s13, s14, $0xb8;
	[tilespmem:$0x1EA00] =	vst v63  }
0x58: {  	_ =	swait.ge [sflag:s24], $0x3E80  }
0x59: {  	[sflag:s24] =	ssyncset.done $0x0  }
0x5a: {  	s13 =	sadd.s32 $0x2A00, s0;
	[sflag:s24] =	ssyncadd.s32 $0xFFFFC180  }
0x5b: {  	[spmem:s2] =	stream.indirect.scatter.add.f32 [tilespmem:s19], [sflag:$0x5], $0x40, s13, s14, $0xb8;
	[tilespmem:$0x1EA00] =	vst v63  }
0x5c: {  	_ =	swait.ge [sflag:s12], $0x3E80  }
0x5d: {  	[sflag:s12] =	ssyncset.done $0x0  }
0x5e: {  	s13 =	sadd.s32 $0x600, s0;
	[sflag:s12] =	ssyncadd.s32 $0xFFFFC180  }
0x5f: {  	[tilespmem:s19], [sflag:$0x3] =	stream.indirect.gather [hbm4b:s4+s14], $0x40, s13, s14, $0xb8;
	[tilespmem:$0x1EA00] =	vst v63  }
0x60: {  	_ =	swait.ge [sflag:s25], $0x3E80  }
0x61: {  	[sflag:s25] =	ssyncset.done $0x0  }
.Ltmp0:
0x62: {  	s13 =	sadd.s32 $0x2B00, s0;
	[sflag:s25] =	ssyncadd.s32 $0xFFFFC180;
	(pc) =	sbr.rel @p0 .LBB2_2-.Ltmp0, $4  }
0x63: {  	[spmem:s2] =	stream.indirect.scatter.add.f32 [tilespmem:s21], [sflag:$0x5], $0x40, s13, s14, $0xb8;
	[tilespmem:$0x1EA00] =	vst v63  }
0x64: {  	_ =	swait.ge [sflag:s12], $0x3E80  }
0x65: {  	[sflag:s12] =	ssyncset.done $0x0  }
0x66: {  	s0 =	sadd.s32 $0x700, s0;
	[sflag:s12] =	ssyncadd.s32 $0xFFFFC180  }
0x67: {  	[tilespmem:s21], [sflag:$0x4] =	stream.indirect.gather [hbm4b:s4+s14], $0x40, s0, s14, $0xb8;
	[tilespmem:$0x1EA00] =	vst v63  }
0x68: {  	_ =	swait.ge [sflag:s22], $0x3E80  }
0x69: {  	[sflag:s22] =	ssyncset.done $0x0  }
0x6a: {  	[sflag:s22] =	ssyncadd.s32 $0xFFFFC180  }
0x6b: {  	[spmem:s2] =	stream.indirect.scatter.add.f32 [tilespmem:s15], [sflag:$0x5], $0x40, s26, s14, $0xb8;
	[tilespmem:$0x1EA00] =	vst v63  }
0x6c: {  	_ =	swait.ge [sflag:s12], $0x3E80  }
0x6d: {  	[sflag:s12] =	ssyncset.done $0x0  }
0x6e: {  	[sflag:s12] =	ssyncadd.s32 $0xFFFFC180  }
0x6f: {  	_ =	swait.ge [sflag:s23], $0x3E80  }
0x70: {  	[sflag:s23] =	ssyncset.done $0x0  }
0x71: {  	[sflag:s23] =	ssyncadd.s32 $0xFFFFC180  }
0x72: {  	[spmem:s2] =	stream.indirect.scatter.add.f32 [tilespmem:s17], [sflag:$0x5], $0x40, s28, s14, $0xb8;
	[tilespmem:$0x1EA00] =	vst v63  }
0x73: {  	_ =	swait.ge [sflag:s12], $0x3E80  }
0x74: {  	[sflag:s12] =	ssyncset.done $0x0  }
0x75: {  	[sflag:s12] =	ssyncadd.s32 $0xFFFFC180  }
0x76: {  	_ =	swait.ge [sflag:s24], $0x3E80  }
0x77: {  	[sflag:s24] =	ssyncset.done $0x0  }
0x78: {  	[sflag:s24] =	ssyncadd.s32 $0xFFFFC180  }
0x79: {  	[spmem:s2] =	stream.indirect.scatter.add.f32 [tilespmem:s19], [sflag:$0x5], $0x40, s29, s14, $0xb8;
	[tilespmem:$0x1EA00] =	vst v63  }
0x7a: {  	_ =	swait.ge [sflag:s12], $0x3E80  }
0x7b: {  	[sflag:s12] =	ssyncset.done $0x0  }
0x7c: {  	[sflag:s12] =	ssyncadd.s32 $0xFFFFC180  }
0x7d: {  	_ =	swait.ge [sflag:s25], $0x3E80  }
0x7e: {  	[sflag:s25] =	ssyncset.done $0x0  }
0x7f: {  	[sflag:s25] =	ssyncadd.s32 $0xFFFFC180  }
0x80: {  	[spmem:s2] =	stream.indirect.scatter.add.f32 [tilespmem:s21], [sflag:$0x5], $0x40, s30, s14, $0xb8;
	[tilespmem:$0x1EA00] =	vst v63  }
0x81: {  	_ =	swait.ge [sflag:s12], $0x3E80  }
0x82: {  	s31 =	sadd.s32 $0x1, s31;
	[sflag:s12] =	ssyncset.done $0x0  }
0x83: {  	p0 =	sne.s32 s31, s10;
	[sflag:s12] =	ssyncadd.s32 $0xFFFFC180  }
.Ltmp1:
0x84: {  	[bflag:$0x0] =	sbarrier.arrive $0xFFFF;
	(pc) =	sbr.rel @p0 .LBB2_1-.Ltmp1, $4  }
0x85: {  	[hbm:s9], [sflag:s6] =	dma.local [spmem:s11], $0x1400  }
0x86: {  	_ =	swait.ge [sflag:s12], $0x1400  }
0x87: {  	[sflag:s12] =	ssyncset.done $0x0  }
0x88: {  	[sflag:s12] =	ssyncadd.s32 $0xFFFFEC00  }
0x89: {  	_ =	sfence.sel $0x180000  }
0x8a: {  	[bflag:$0x0] =	sbarrier.arrive $0xFFFF  }
0x8b: {  	_ =	strace $0x9000004A  }
0x8c: {  	s0 =	stileid.u32;
	[bflag:$0x2] =	sbarrier.arrive $0xFFFF  }
0x8d: {  	p0 =	sne.s32 s0, $0x0;
	s0 =	rddreg [dreg:$0x3]  }
0x8e: {  	s0 =	sadd.s32 @!p0 $0x100000, s0  }
0x8f: {  	[sflag:s0] =	ssyncadd.tile.s32 @!p0 $0x1;
	_ =	shalt  }
.Lfunc_end2:
_tile_overlayer_lowered:
.L_overlay_start_2:
0x90: {  	(tag) =	ssettag $0x2  }
0x91: {  	s0 =	rddreg [dreg:$0x0];
	s2 =	stileid.u32  }
0x92: {  	s1 =	rddreg [dreg:$0x1];
	p0 =	sne.s32 s2, $0x0  }
0x93: {  	s3 =	rddreg [dreg:$0x2];
	[bflag:$0x3] =	sbarrier.arrive $0xFFFF;
	s2 =	simm.s32 @!p0 $0x1C05  }
0x94: {  	[timem:s3], [sflag:s2] =	dma.local @!p0 [hbm:s0], s1  }
0x95: {  	s0 =	simm.s32 @!p0 $0x5  }
0x96: {  	_ =	swait.ge @!p0 [sflag:s0], s1  }
0x97: {  	s1 =	ssub.s32 @!p0 $0x0, s1;
	[sflag:s0] =	ssyncset.done @!p0 $0x0  }
0x98: {  	[sflag:s0] =	ssyncadd.s32 @!p0 s1  }
0x99: {  	[bflag:$0x3] =	sbarrier.arrive $0xFFFF  }
0x9a: {  	_ =	shalt  }

// kernel: kernel.13.cloned.1.call-start
scs
__scs_entry_jumppad:
0x0: {  	(pc) =	sbr.rel $0x88, $3  }
0x1: {  	(tag) =	ssettag $0x0;
	lr =	simm.s32 $0x1  }
0x2: {  	[smem:$0x3F95] =	sst lr;
	_ =	strace $0xD0000000  }
0x3: {  	_ = 	snop  }
0x4: {  	_ = 	snop  }
0x5: {  	_ = 	snop  }
0x6: {  	_ = 	snop  }
0x7: {  	_ = 	snop  }
__scs_overlays_trampoline_lowered:
0x8: {  	[smem:$0x3FA4] =	sst s0  }
0x9: {  	[smem:$0x3FA5] =	sst s1  }
0xa: {  	[smem:$0x3FA6] =	sst s2  }
0xb: {  	[smem:$0x3FA7] =	sst s3  }
0xc: {  	[smem:$0x3FA8] =	sst s4  }
0xd: {  	[smem:$0x3FA9] =	sst s5  }
0xe: {  	[smem:$0x3FAA] =	sst s6  }
0xf: {  	[smem:$0x3FAB] =	sst s7  }
0x10: {  	[smem:$0x3FAC] =	sst s8  }
0x11: {  	[smem:$0x3FAD] =	sst s9;
	s0 =	simm.s32 @!p0 $0x0  }
0x12: {  	s1 =	sld [smem:$0x3F93];
	s0 =	simm.s32 @p0 $0x1  }
0x13: {  	[smem:$0x3FAE] =	sst s0;
	s0 =	simm.s32 @!p1 $0x0  }
0x14: {  	s2 =	sld [smem:$0x3F92];
	s0 =	simm.s32 @p1 $0x1  }
0x15: {  	[smem:$0x3FAF] =	sst s0;
	s0 =	simm.s32 @!p2 $0x0  }
0x16: {  	s3 =	sld [smem:$0x3FDB];
	s0 =	simm.s32 @p2 $0x1  }
0x17: {  	s4 =	simm.s32 $0x1BF5;
	[smem:$0x3FB1] =	sst s0  }
0x18: {  	s0 =	sld [smem:$0x3F94];
	_ =	swait.ge [sflag:s4], $0x0  }
0x19: {  	s7 =	sld [smem:$0x3F95]  }
0x1a: {  	s8 =	sadd.s32 $0xFFFFE003, lr  }
0x1b: {  	s9 =	sadd.s32 $0xFFFFFEF7, lr;
	s5 =	simm.s32 $0xFFFFFFFF;
	p2 =	slt.u32 s8, $0xFFFFF086  }
0x1c: {  	p1 =	slt.u32 s9, $0xF7A;
	s5 =	simm.s32 @!p2 $0x0  }
0x1d: {  	s5 =	simm.s32 @p1 $0x1;
	p0 =	seq.s32 s7, s2  }
0x1e: {  	s7 =	smul.u32 @!p0 $0xF7A, s2;
	p2 =	seq.s32 @!p0 s5, $0x0  }
0x1f: {  	s9 =	smul.u32 $0xF7A, s1;
	s8 =	simm.s32 @!p0 $0x1BF5;
	p2 =	por !p2, p0  }
0x20: {  	[sflag:s8] =	ssyncset.s32 @!p0 $0xFFFFF086;
	s6 =	sadd.s32 @!p0 s3, s7;
	s7 =	simm.s32 @!p0 $0x108  }
0x21: {  	s3 =	sadd.s32 s3, s9;
	s6 =	sadd.s32 @!p0 $0x88, s6;
	s7 =	simm.s32 @p2 $0x1082  }
0x22: {  	[simem:s7], [sflag:s8] =	dma.local @!p0 [hbm:s6], $0xF7A  }
0x23: {  	s9 =	sor.u32 $0xD0000000, s2;
	s6 =	simm.s32 $0x108;
	_ =	swait.ge @!p0 [sflag:s8], $0x0  }
0x24: {  	s3 =	sadd.s32 $0x88, s3;
	s6 =	simm.s32 @!p1 $0x1082;
	[sflag:s4] =	ssyncset.s32 $0xFFFFF086  }
0x25: {  	[simem:s6], [sflag:s4] =	dma.local [hbm:s3], $0xF7A  }
0x26: {  	[smem:$0x3F95] =	sst s1;
	(tag) =	ssettag s2;
	_ =	strace s9  }
0x27: {  	s1 =	sld [smem:$0x3FA5]  }
0x28: {  	s2 =	sld [smem:$0x3FA6]  }
0x29: {  	s4 =	sld [smem:$0x3FA8]  }
0x2a: {  	p0 =	seq.s32 s5, $0x0;
	s5 =	sld [smem:$0x3FA9]  }
0x2b: {  	s6 =	sld [smem:$0x3FAA]  }
0x2c: {  	s7 =	sld [smem:$0x3FAB]  }
0x2d: {  	s3 =	simm.s32 $0x108;
	s8 =	sld [smem:$0x3FAC]  }
0x2e: {  	s3 =	simm.s32 @!p0 $0x1082;
	s9 =	sld [smem:$0x3FAD]  }
0x2f: {  	lr =	sadd.s32 s0, s3;
	s0 =	sld [smem:$0x3FA4]  }
0x30: {  	s3 =	sld [smem:$0x3FA7]  }
0x31: {  	[smem:$0x3FB0] =	sst s10  }
0x32: {  	s10 =	sld [smem:$0x3FAE];
	_ =	sdelay $0x3  }
0x33: {  	p0 =	seq.s32 s10, $0x1;
	s10 =	sld [smem:$0x3FB0];
	_ =	sdelay $0x3  }
0x34: {  	[smem:$0x3FB0] =	sst s10  }
0x35: {  	s10 =	sld [smem:$0x3FAF];
	_ =	sdelay $0x3  }
0x36: {  	p1 =	seq.s32 s10, $0x1;
	s10 =	sld [smem:$0x3FB0];
	_ =	sdelay $0x3  }
0x37: {  	[smem:$0x3FB0] =	sst s10  }
0x38: {  	s10 =	sld [smem:$0x3FB1]  }
0x39: {  	_ = 	snop;
	(pc) =	sbr.ind lr, $3  }
0x3a: {  	_ = 	snop  }
0x3b: {  	_ = 	snop  }
0x3c: {  	p2 =	seq.s32 s10, $0x1;
	s10 =	sld [smem:$0x3FB0]  }
0x3d: {  	_ =	shalt  }
0x3e: {  	_ =	shalt  }
0x3f: {  	_ =	shalt  }
0x40: {  	_ =	shalt  }
0x41: {  	_ =	shalt  }
0x42: {  	_ =	shalt  }
0x43: {  	_ =	shalt  }
0x44: {  	_ =	shalt  }
0x45: {  	_ =	shalt  }
0x46: {  	_ =	shalt  }
0x47: {  	_ =	shalt  }
0x48: {  	_ =	shalt  }
0x49: {  	_ =	shalt  }
0x4a: {  	_ =	shalt  }
0x4b: {  	_ =	shalt  }
0x4c: {  	_ =	shalt  }
0x4d: {  	_ =	shalt  }
0x4e: {  	_ =	shalt  }
0x4f: {  	_ =	shalt  }
0x50: {  	_ =	shalt  }
0x51: {  	_ =	shalt  }
0x52: {  	_ =	shalt  }
0x53: {  	_ =	shalt  }
0x54: {  	_ =	shalt  }
0x55: {  	_ =	shalt  }
0x56: {  	_ =	shalt  }
0x57: {  	_ =	shalt  }
0x58: {  	_ =	shalt  }
0x59: {  	_ =	shalt  }
0x5a: {  	_ =	shalt  }
0x5b: {  	_ =	shalt  }
0x5c: {  	_ =	shalt  }
0x5d: {  	_ =	shalt  }
0x5e: {  	_ =	shalt  }
0x5f: {  	_ =	shalt  }
0x60: {  	_ =	shalt  }
0x61: {  	_ =	shalt  }
0x62: {  	_ =	shalt  }
0x63: {  	_ =	shalt  }
0x64: {  	_ =	shalt  }
0x65: {  	_ =	shalt  }
0x66: {  	_ =	shalt  }
0x67: {  	_ =	shalt  }
0x68: {  	_ =	shalt  }
0x69: {  	_ =	shalt  }
0x6a: {  	_ =	shalt  }
0x6b: {  	_ =	shalt  }
0x6c: {  	_ =	shalt  }
0x6d: {  	_ =	shalt  }
0x6e: {  	_ =	shalt  }
0x6f: {  	_ =	shalt  }
0x70: {  	_ =	shalt  }
0x71: {  	_ =	shalt  }
0x72: {  	_ =	shalt  }
0x73: {  	_ =	shalt  }
0x74: {  	_ =	shalt  }
0x75: {  	_ =	shalt  }
0x76: {  	_ =	shalt  }
0x77: {  	_ =	shalt  }
0x78: {  	_ =	shalt  }
0x79: {  	_ =	shalt  }
0x7a: {  	_ =	shalt  }
0x7b: {  	_ =	shalt  }
0x7c: {  	_ =	shalt  }
0x7d: {  	_ =	shalt  }
0x7e: {  	_ =	shalt  }
0x7f: {  	_ =	shalt  }
0x80: {  	_ =	shalt  }
0x81: {  	_ =	shalt  }
0x82: {  	_ =	shalt  }
0x83: {  	_ =	shalt  }
0x84: {  	_ =	shalt  }
0x85: {  	_ =	shalt  }
0x86: {  	_ =	shalt  }
0x87: {  	_ =	shalt  }
.Lfunc_end0:
.L_simem_size_0:
called_computation.2_lowered:
.L_overlay_start_0:
0x88: {  	s2 =	sld [smem:$0x3FD9]  }
0x89: {  	s3 =	sld [smem:$0x3FFE];
	_ =	sdelay $0x1  }
0x8a: {  	s1 =	srdreg.scid  }
0x8b: {  	s0 =	sand.u32 $0x1, s1  }
0x8c: {  	s17 =	sshll.u32 s0, $0xA;
	s2 =	sadd.s32 s3, s2  }
0x8d: {  	s2 =	sadd.s32 s2, s17  }
0x8e: {  	[smem:$0x3FBC] =	sst s2  }
0x8f: {  	_ = 	snop  }
0x90: {  	s2 =	sld [smem:$0x3FD0];
	(tm) =	ssettm $0x1  }
0x91: {  	s18 =	sld [smem:$0x3FFB];
	_ =	sdelay $0x3  }
0x92: {  	_ =	strace s18  }
0x93: {  	s3 =	sld [smem:$0x3FFC];
	_ =	sdelay $0x3  }
0x94: {  	_ =	strace s3  }
0x95: {  	s3 =	sld [smem:$0x3FFD];
	_ =	sdelay $0x3  }
0x96: {  	_ =	strace s3  }
0x97: {  	_ =	strace $0x8FFFFFFF  }
0x98: {  	s19 =	sld [smem:$0x3FDB];
	_ =	sdelay $0x1  }
0x99: {  	s4 =	simm.s32 $_scs_section_size  }
0x9a: {  	s5 =	simm.s32 $_size__tile_overlayer_lowered;
	s6 =	simm.s32 $_tile_overlayer_lowered  }
0x9b: {  	s22 =	simm.s32 $0x1BFF;
	s21 =	sshll.u32 s6, $0x1;
	s3 =	sadd.s32 s4, s19  }
0x9c: {  	s7 =	simm.s32 $0x0;
	s20 =	sshll.u32 s5, $0x1;
	s5 =	sadd.s32 s21, s3  }
0x9d: {  	[timem:s7], [sflag:s22] =	dma.local [hbm:s5], s20  }
0x9e: {  	_ =	swait.ge [sflag:s22], s20  }
0x9f: {  	s4 =	ssub.s32 $0x0, s20;
	[sflag:s22] =	ssyncset.done $0x0  }
0xa0: {  	[sflag:s22] =	ssyncadd.s32 s4;
	_ =	sdelay $0x1  }
0xa1: {  	s23 =	simm.s32 $0x1B8B  }
0xa2: {  	_ =	swait.ge [sflag:s23], $0x1  }
0xa3: {  	[sflag:s23] =	ssyncset.done $0x0  }
0xa4: {  	s25 =	simm.s32 $0x1B8E;
	s24 =	sld [smem:$0x3FFE];
	[sflag:s23] =	ssyncadd.s32 $0xFFFFFFFF  }
0xa5: {  	s26 =	simm.s32 $execute0_lowered;
	[smem:$0x3FD2] =	sst s25  }
0xa6: {  	s5 =	sshll.u32 s26, $0x1;
	_ =	strace $0x8000004C;
	[dreg:$0x1] =	wrdreg $0xFFFFFFFF  }
0xa7: {  	s28 =	simm.s32 $_size_execute0_lowered;
	s3 =	sadd.s32 s3, s5;
	[dreg:$0x0] =	wrdreg $0x0  }
0xa8: {  	s5 =	sshll.u32 s28, $0x1;
	[dreg:$0x2] =	wrdreg s3  }
0xa9: {  	[dreg:$0x3] =	wrdreg s5  }
0xaa: {  	[dreg:$0x4] =	wrdreg $0xC0  }
0xab: {  	_ =	task [dreg:s7], $0x5FFFF  }
0xac: {  	[dreg:$0x1] =	wrdreg $0xFFFFFFFF  }
0xad: {  	[dreg:$0x0] =	wrdreg $0x60  }
0xae: {  	[dreg:$0x2] =	wrdreg s2  }
0xaf: {  	[dreg:$0x3] =	wrdreg s24  }
0xb0: {  	[dreg:$0x4] =	wrdreg $0x9  }
0xb1: {  	_ =	task.clear_ibuf [dreg:s7], $0x5FFFF;
	_ =	strace $0x9000004C  }
0xb2: {  	s29 =	simm.s32 $0x9;
	_ =	strace $0x8000004E  }
0xb3: {  	_ =	swait.ge [sflag:s29], $0x1  }
0xb4: {  	[sflag:s29] =	ssyncadd.s32 $0xFFFFFFFF  }
0xb5: {  	_ =	strace $0x9000004E  }
0xb6: {  	_ =	sfence  }
0xb7: {  	s30 =	sld [smem:$0x0];
	_ =	sdelay $0x2  }
0xb8: {  	s31 =	sshll.u32 s1, $0xD;
	s1 =	sshrl.u32 s1, $0x2  }
0xb9: {  	s3 =	sand.u32 $0x4000, s31;
	s1 =	sadd.s32 s1, s30  }
0xba: {  	s0 =	sor.u32 s3, s0;
	s1 =	sshll.u32 s1, $0x11  }
0xbb: {  	s0 =	sor.u32 s1, s0  }
0xbc: {  	s0 =	sadd.s32 $0x8F2B, s0  }
0xbd: {  	[sflag:s0] =	ssyncadd.remote.s32 $0x1  }
0xbe: {  	_ =	sfence.sel $0xFFFF  }
0xbf: {  	[dreg:$0x0] =	wrdreg $0xFFFFFFFF;
	(pc) =	sbr.abs _section_cstart, $3  }
0xc0: {  	[dreg:$0x1] =	wrdreg $0xFFFFFFFF  }
0xc1: {  	_ =	task.clear_ibuf [dreg:s7], $0x2FFFF;
	_ =	strace $0x9FFFFFFF  }
0xc2: {  	(tm) =	ssettm $0x7FFFFFFF  }
0xc3: {  	_ =	shalt  }
tec
execute0_lowered:
.L_overlay_start_1:
0x0: {  	(tag) =	ssettag $0x1  }
0x1: {  	s1 =	rddreg [dreg:$0x0]  }
0x2: {  	s7 =	rddreg [dreg:$0x1]  }
0x3: {  	s0 =	rddreg [dreg:$0x2]  }
0x4: {  	s2 =	simm.s32 $0x0;
	s3 =	srdreg.scid;
	v37 =	vlaneseq.u32;
	s12 =	simm.s32 $0xA800  }
0x5: {  	s13 =	simm.s32 $0xB000;
	s14 =	simm.s32 $0xB7D0;
	[smem:$0x7FF] =	sst s2;
	v0 =	vor.u32 $0xFA0, v37  }
0x6: {  	s15 =	simm.s32 $0xBFA0;
	s16 =	simm.s32 $0xC770;
	v59 =	vor.u32 $0x1770, v37;
	_ =	strace $0x8000004D;
	[tilespmem:$0x1FF90] =	vst v0  }
0x7: {  	s17 =	simm.s32 $0x0;
	s10 =	sand.u32 $0x1, s3;
	s4 =	sadd.s32 $0x8DC00, s7;
	v60 =	vor.u32 $0x7C0, v37;
	[tilespmem:$0x1FFA0] =	vst v59  }
.Ltmp0:
0x8: {  	s5 =	sadd.s32 $0xA1600, s7;
	s3 =	stileid.u32;
	v61 =	vor.u32 $0xF90, v37;
	[tilespmem:$0x1FFB0] =	vst v60;
	(pc) =	sbr.rel .LBB2_1-.Ltmp0, $4  }
0x9: {  	s7 =	sadd.s32 $0x1C00, s7;
	v62 =	vor.u32 $0x1760, v37;
	s6 =	ssub.s32 $0x2, s10;
	s9 =	sshll.u32 s10, $0x4;
	[tilespmem:$0x1FFC0] =	vst v61  }
0xa: {  	v63 =	vor.u32 $0x1F30, v37;
	p0 =	sne.s32 s10, $0x0;
	s10 =	simm.s32 $0x1;
	[tilespmem:$0x1FFD0] =	vst v62;
	s8 =	sshrl.u32 s6, $0x1  }
0xb: {  	v41 =	vor.u32 $0x7D0, v37;
	[tilespmem:$0x1FFE0] =	vst v63;
	s31 =	sor.u32 s3, s9;
	s11 =	ssub.s32 s6, s8;
	s6 =	smul.u32 $0x4E20, s3  }
0xc: {  	[tilespmem:$0x1FFF0] =	vst v41;
	s8 =	smul.u32 $0x4E20, s31;
	s9 =	smax.u32 s11, $0x1;
	s11 =	simm.s32 $0xA000  }
.LBB2_8:
0xd: {  	s17 =	sadd.s32 $0x1, s17  }
0xe: {  	p1 =	sne.s32 s17, s9  }
.Ltmp1:
0xf: {  	_ = 	snop;
	(pc) =	sbr.rel @!p1 .LBB2_9-.Ltmp1, $1  }
0x10: {  	_ =	sdelay $0x3  }
.LBB2_1:
.Ltmp2:
0x11: {  	(pc) =	sbr.rel @p0 .LBB2_5-.Ltmp2, $4  }
0x12: {  	[tilespmem:s2], [sflag:$0x1] =	stream.linear.gather [hbm4b:s1+s2], $0xA000, $0x38;
	[tilespmem:$0xCF80] =	vst v63  }
0x13: {  	_ =	swait.ge [sflag:s10], $0xA000  }
0x14: {  	[sflag:s10] =	ssyncset.done $0x0  }
0x15: {  	s18 =	simm.s32 $0x0;
	s19 =	simm.s32 $0x0;
	[sflag:s10] =	ssyncadd.s32 $0xFFFF6000  }
.LBB2_2:
0x16: {  	s19 =	smul.u32 $0x7D0, s18;
	_ =	sdelay $0x1  }
0x17: {  	s20 =	sadd.s32 s6, s19  }
0x18: {  	s20 =	sshrl.u32 s20, $0x3  }
0x19: {  	s21 =	simm.s32 $0x0;
	s20 =	sadd.s32 s4, s20  }
0x1a: {  	[tilespmem:s11], [sflag:$0x1] =	stream.linear.gather [hbm4b:s20+s21], $0x7D0, $0x38;
	[tilespmem:$0xCF80] =	vst v63  }
0x1b: {  	_ =	swait.ge [sflag:s10], $0x7D0  }
0x1c: {  	[sflag:s10] =	ssyncset.done $0x0  }
0x1d: {  	s20 =	sadd.s32 $0x9C40, s20;
	[sflag:s10] =	ssyncadd.s32 $0xFFFFF830  }
0x1e: {  	[tilespmem:s12], [sflag:$0x1] =	stream.linear.gather [hbm4b:s20+s21], $0x7D0, $0x38;
	[tilespmem:$0xCF80] =	vst v63  }
0x1f: {  	_ =	swait.ge [sflag:s10], $0x7D0  }
0x20: {  	[sflag:s10] =	ssyncset.done $0x0  }
0x21: {  	s31 =	simm.s32 $0xA020;
	[sflag:s10] =	ssyncadd.s32 $0xFFFFF830  }
0x22: {  	s22 =	simm.s32 $0xA820;
	v4 =	vld [tilespmem:s31+$0x10]  }
0x23: {  	v8 =	vld [tilespmem:s22+$0x10]  }
0x24: {  	v12 =	vld [tilespmem:s31+$0xFFFFFFE0];
	_ =	sdelay $0x2  }
0x25: {  	v9 =	vld [tilespmem:s22+$0xFFFFFFE0];
	v4 =	vshll.u32 v4, $0x2  }
0x26: {  	v10 =	vld [tilespmem:s31+$0xFFFFFFF0];
	v8 =	vshll.u32 v8, $0x2  }
0x27: {  	v11 =	vld [tilespmem:s22+$0xFFFFFFF0];
	v12 =	vshll.u32 v12, $0x2  }
0x28: {  	v14 =	vld [tilespmem:s31+$0x0];
	v13 =	vor.u32 $0x1, v4  }
0x29: {  	v16 =	vld [tilespmem:s22+$0x0];
	v15 =	vor.u32 $0x1, v8  }
0x2a: {  	v17 =	vor.u32 $0x2, v4;
	v18 =	vld.idx.msk [tilespmem:v4+s2+$0x0], $0xffff  }
0x2b: {  	v19 =	vor.u32 $0x2, v8;
	v21 =	vor.u32 $0x1, v12;
	v20 =	vld.idx.msk [tilespmem:v8+s2+$0x0], $0xffff  }
0x2c: {  	v23 =	vor.u32 $0x2, v12;
	v25 =	vor.u32 $0x3, v12;
	v4 =	vor.u32 $0x3, v4;
	v12 =	vld.idx.msk [tilespmem:v12+s2+$0x0], $0xffff  }
0x2d: {  	v8 =	vor.u32 $0x3, v8;
	v13 =	vld.idx.msk [tilespmem:v13+s2+$0x0], $0xffff  }
0x2e: {  	v9 =	vshll.u32 v9, $0x2;
	v15 =	vld.idx.msk [tilespmem:v15+s2+$0x0], $0xffff  }
0x2f: {  	v10 =	vshll.u32 v10, $0x2;
	v17 =	vld.idx.msk [tilespmem:v17+s2+$0x0], $0xffff  }
0x30: {  	v19 =	vld.idx.msk [tilespmem:v19+s2+$0x0], $0xffff  }
0x31: {  	v22 =	vor.u32 $0x1, v9;
	v4 =	vld.idx.msk [tilespmem:v4+s2+$0x0], $0xffff  }
0x32: {  	v8 =	vld.idx.msk [tilespmem:v8+s2+$0x0], $0xffff  }
0x33: {  	v24 =	vor.u32 $0x2, v9;
	v26 =	vor.u32 $0x3, v9;
	v9 =	vld.idx.msk [tilespmem:v9+s2+$0x0], $0xffff  }
0x34: {  	v27 =	vor.u32 $0x1, v10;
	v29 =	vor.u32 $0x2, v10;
	v57 =	vor.u32 $0x3, v10;
	v10 =	vld.idx.msk [tilespmem:v10+s2+$0x0], $0xffff  }
0x35: {  	v21 =	vld.idx.msk [tilespmem:v21+s2+$0x0], $0xffff  }
0x36: {  	v11 =	vshll.u32 v11, $0x2;
	v22 =	vld.idx.msk [tilespmem:v22+s2+$0x0], $0xffff;
	v18 =	vmul.f32 v20, v18;
	v13 =	vmul.f32 v15, v13  }
0x37: {  	v28 =	vor.u32 $0x1, v11;
	v23 =	vld.idx.msk [tilespmem:v23+s2+$0x0], $0xffff;
	v17 =	vmul.f32 v19, v17;
	v4 =	vmul.f32 v8, v4  }
0x38: {  	v16 =	vshll.u32 v16, $0x2;
	v19 =	vld.idx.msk [tilespmem:v26+s2+$0x0], $0xffff  }
0x39: {  	v32 =	vor.u32 $0x2, v16;
	v26 =	vld.idx.msk [tilespmem:v27+s2+$0x0], $0xffff;
	v27 =	vmax.f32 v18, v13;
	v30 =	vmax.f32 v17, v4  }
0x3a: {  	v24 =	vld.idx.msk [tilespmem:v24+s2+$0x0], $0xffff;
	v27 =	vmax.f32 v27, v30  }
0x3b: {  	v20 =	vld.idx.msk [tilespmem:v25+s2+$0x0], $0xffff;
	v25 =	vor.u32 $0x3, v11;
	v18 =	vsub.f32 v18, v27  }
0x3c: {  	v28 =	vld.idx.msk [tilespmem:v28+s2+$0x0], $0xffff;
	v15 =	vor.u32 $0x2, v11;
	v8 =	vshll.u32 v14, $0x2;
	v13 =	vsub.f32 v13, v27  }
0x3d: {  	v29 =	vld.idx.msk [tilespmem:v29+s2+$0x0], $0xffff;
	v30 =	vor.u32 $0x2, v8;
	v17 =	vsub.f32 v17, v27;
	v18 =	vmul.f32 $1.442695020e+00, v18  }
0x3e: {  	v34 =	vor.u32 $0x3, v16;
	v58 =	vld.idx.msk [tilespmem:v32+s2+$0x0], $0xffff;
	v4 =	vsub.f32 v4, v27;
	v13 =	vmul.f32 $1.442695020e+00, v13  }
0x3f: {  	v14 =	vld.idx.msk [tilespmem:v57+s2+$0x0], $0xffff;
	v33 =	vor.u32 $0x3, v8;
	v17 =	vmul.f32 $1.442695020e+00, v17;
	(erf) = vpow2.f32 v18  }
0x40: {  	v25 =	vld.idx.msk [tilespmem:v25+s2+$0x0], $0xffff;
	v4 =	vmul.f32 $1.442695020e+00, v4;
	(erf) = vpow2.f32 v13  }
0x41: {  	v15 =	vld.idx.msk [tilespmem:v15+s2+$0x0], $0xffff;
	(erf) = vpow2.f32 v17  }
0x42: {  	v18 =	vld.idx.msk [tilespmem:v30+s2+$0x0], $0xffff;
	(erf) = vpow2.f32 v4  }
0x43: {  	v31 =	vor.u32 $0x1, v8;
	v30 =	vld.idx.msk [tilespmem:v34+s2+$0x0], $0xffff  }
0x44: {  	v17 =	vld.idx.msk [tilespmem:v33+s2+$0x0], $0xffff;
	v4 =	vor.u32 $0x1, v16  }
0x45: {  	v8 =	vld.idx.msk [tilespmem:v8+s2+$0x0], $0xffff  }
0x46: {  	v9 =	vmul.f32 v9, v12;
	v23 =	vmul.f32 v24, v23;
	v16 =	vld.idx.msk [tilespmem:v16+s2+$0x0], $0xffff  }
0x47: {  	v11 =	vld.idx.msk [tilespmem:v11+s2+$0x0], $0xffff;
	v21 =	vmul.f32 v22, v21;
	v19 =	vmul.f32 v19, v20  }
0x48: {  	v27 =	vld.idx.msk [tilespmem:v31+s2+$0x0], $0xffff;
	v20 =	vpop (erf)  }
0x49: {  	v22 =	vmax.f32 v23, v19;
	v60 =	vmul.f32 v30, v17;
	v30 =	vmax.f32 v9, v21;
	v4 =	vld.idx.msk [tilespmem:v4+s2+$0x0], $0xffff;
	v24 =	vpop (erf)  }
0x4a: {  	v14 =	vmul.f32 v25, v14;
	v25 =	vmul.f32 v28, v26;
	v22 =	vmax.f32 v30, v22;
	v28 =	vpop (erf)  }
0x4b: {  	s23 =	simm.s32 $0xA860;
	v15 =	vmul.f32 v15, v29;
	v8 =	vmul.f32 v16, v8;
	v16 =	vsub.f32 v21, v22;
	v29 =	vpop (erf)  }
0x4c: {  	v59 =	vmul.f32 v58, v18;
	v21 =	vld [tilespmem:s23+$0x10];
	v17 =	vadd.f32 v24, v20;
	v18 =	vadd.f32 v29, v28  }
0x4d: {  	s22 =	simm.s32 $0xA060  }
0x4e: {  	v10 =	vmul.f32 v11, v10;
	v4 =	vmul.f32 v4, v27;
	v27 =	vld [tilespmem:s22+$0x10];
	v17 =	vadd.f32 v18, v17  }
0x4f: {  	v35 =	vld [tilespmem:s23+$0x0];
	v26 =	vmax.f32 v15, v14;
	v11 =	vmax.f32 v59, v60;
	v9 =	vsub.f32 v9, v22  }
0x50: {  	v62 =	vld [tilespmem:s22+$0x0];
	v19 =	vsub.f32 v19, v22;
	v18 =	vmax.f32 v10, v25;
	(erf) = vrcp.f32 v17  }
0x51: {  	v57 =	vld [tilespmem:$0x1FF90];
	v21 =	vshll.u32 v21, $0x2;
	v18 =	vmax.f32 v18, v26;
	v17 =	vsub.f32 v23, v22  }
0x52: {  	v31 =	vld [tilespmem:s22+$0xFFFFFFE0];
	v22 =	vmax.f32 v8, v4;
	v10 =	vsub.f32 v10, v18;
	v23 =	vsub.f32 v25, v18  }
0x53: {  	s24 =	simm.s32 $0x30;
	v58 =	vld [tilespmem:$0x1FFA0];
	v15 =	vsub.f32 v15, v18;
	v14 =	vsub.f32 v14, v18;
	v18 =	vshll.u32 v27, $0x2  }
0x54: {  	v0 =	vor.u32 s24, v37;
	v26 =	vld [tilespmem:s22+$0xFFFFFFF0];
	v11 =	vmax.f32 v22, v11;
	v61 =	vor.u32 $0x1, v18  }
0x55: {  	v13 =	vmul.f32 $1.442695020e+00, v19;
	v19 =	vor.u32 $0x1, v21;
	v22 =	vld [tilespmem:s23+$0xFFFFFFE0];
	v8 =	vsub.f32 v8, v11  }
0x56: {  	v27 =	vld [tilespmem:s23+$0xFFFFFFF0];
	[tilespmem:$0x1FE70] =	vst v0;
	v36 =	vor.u32 $0x2, v18  }
0x57: {  	v55 =	vadd.s32 s24, v41;
	v39 =	vmul.f32 $1.442695020e+00, v8;
	v8 =	vld.idx.msk [tilespmem:v21+s2+$0x0], $0xffff  }
0x58: {  	v41 =	vshll.u32 v31, $0x2;
	v38 =	vor.u32 $0x2, v21;
	v63 =	vld.idx.msk [tilespmem:v18+s2+$0x0], $0xffff;
	[tilespmem:$0x1FE80] =	vst v55  }
0x59: {  	v56 =	vor.u32 $0x3, v21;
	v0 =	vadd.s32 s24, v57;
	v40 =	vor.u32 $0x3, v18;
	v31 =	vld.idx.msk [tilespmem:v61+s2+$0x0], $0xffff;
	v42 =	vpop (erf)  }
0x5a: {  	v12 =	vsub.f32 v59, v11;
	v45 =	vld.idx.msk [tilespmem:v19+s2+$0x0], $0xffff;
	[tilespmem:$0x1FEA0] =	vst v0;
	v0 =	vadd.s32 s24, v58;
	v59 =	vmul.f32 v42, v24  }
0x5b: {  	v44 =	vor.u32 $0x1, v41;
	v4 =	vsub.f32 v4, v11;
	v43 =	vshll.u32 v22, $0x2;
	v36 =	vld.idx.msk [tilespmem:v36+s2+$0x0], $0xffff;
	[tilespmem:$0x1FEB0] =	vst v0  }
0x5c: {  	v11 =	vsub.f32 v60, v11;
	v46 =	vor.u32 $0x1, v43;
	v60 =	vmul.f32 v42, v29;
	[tilespmem:$0x1FE90] =	vst v59  }
0x5d: {  	v27 =	vshll.u32 v27, $0x2;
	v61 =	vor.u32 $0x3, v43;
	v38 =	vld.idx.msk [tilespmem:v38+s2+$0x0], $0xffff  }
0x5e: {  	v9 =	vmul.f32 $1.442695020e+00, v9;
	v26 =	vshll.u32 v26, $0x2;
	v48 =	vor.u32 $0x1, v27;
	v40 =	vld.idx.msk [tilespmem:v40+s2+$0x0], $0xffff;
	[tilespmem:$0x1FEC0] =	vst v60  }
0x5f: {  	v47 =	vshll.u32 v35, $0x2;
	v25 =	vmul.f32 $1.442695020e+00, v16;
	v49 =	vor.u32 $0x2, v26;
	v32 =	vld.idx.msk [tilespmem:v56+s2+$0x0], $0xffff  }
0x60: {  	(erf) = vpow2.f32 v9;
	v30 =	vmul.f32 $1.442695020e+00, v17;
	v50 =	vor.u32 $0x2, v27;
	v35 =	vld.idx.msk [tilespmem:v44+s2+$0x0], $0xffff  }
0x61: {  	v10 =	vmul.f32 $1.442695020e+00, v10;
	(erf) = vpow2.f32 v25;
	v51 =	vor.u32 $0x3, v26;
	v46 =	vld.idx.msk [tilespmem:v46+s2+$0x0], $0xffff  }
0x62: {  	(erf) = vpow2.f32 v30;
	v52 =	vor.u32 $0x3, v27;
	v8 =	vmul.f32 v8, v63;
	v63 =	vld.idx.msk [tilespmem:v61+s2+$0x0], $0xffff  }
0x63: {  	v34 =	vmul.f32 $1.442695020e+00, v23;
	(erf) = vpow2.f32 v13;
	v44 =	vld.idx.msk [tilespmem:v48+s2+$0x0], $0xffff  }
0x64: {  	v15 =	vmul.f32 $1.442695020e+00, v15;
	(erf) = vpow2.f32 v10;
	v24 =	vor.u32 $0x2, v41;
	v59 =	vld.idx.msk [tilespmem:v49+s2+$0x0], $0xffff  }
0x65: {  	v23 =	vmul.f32 v42, v20;
	v20 =	vmul.f32 v42, v28;
	v28 =	vor.u32 $0x2, v43;
	v10 =	vld.idx.msk [tilespmem:v50+s2+$0x0], $0xffff  }
0x66: {  	(erf) = vpow2.f32 v34;
	v29 =	vor.u32 $0x3, v41;
	v48 =	vmul.f32 $1.442695020e+00, v11;
	v11 =	vld.idx.msk [tilespmem:v51+s2+$0x0], $0xffff  }
0x67: {  	(erf) = vpow2.f32 v15;
	v42 =	vshll.u32 v62, $0x2;
	v62 =	vor.u32 $0x1, v26;
	v15 =	vld.idx.msk [tilespmem:v52+s2+$0x0], $0xffff  }
0x68: {  	v61 =	vld [tilespmem:$0x1FFF0]  }
0x69: {  	v53 =	vor.u32 $0x1, v42;
	v24 =	vld.idx.msk [tilespmem:v24+s2+$0x0], $0xffff  }
0x6a: {  	v54 =	vor.u32 $0x1, v47;
	v9 =	vld.idx.msk [tilespmem:v28+s2+$0x0], $0xffff  }
0x6b: {  	v29 =	vld.idx.msk [tilespmem:v29+s2+$0x0], $0xffff  }
0x6c: {  	s25 =	simm.s32 $0x10;
	v37 =	vlaneseq.u32;
	v25 =	vld.idx.msk [tilespmem:v62+s2+$0x0], $0xffff  }
0x6d: {  	v14 =	vmul.f32 $1.442695020e+00, v14;
	v60 =	vor.u32 s25, v37;
	v62 =	vld [tilespmem:$0x1FF90]  }
0x6e: {  	v50 =	vld.idx.msk [tilespmem:v53+s2+$0x0], $0xffff;
	[tilespmem:$0x1FF50] =	vst v60  }
0x6f: {  	(erf) = vpow2.f32 v14;
	v28 =	vmul.f32 v45, v31;
	v14 =	vld.idx.msk [tilespmem:v54+s2+$0x0], $0xffff  }
0x70: {  	v55 =	vor.u32 $0x2, v42;
	v54 =	vld [tilespmem:$0x1FFA0];
	v2 =	vmul.f32 v38, v36;
	v32 =	vmul.f32 v32, v40  }
0x71: {  	v31 =	vor.u32 $0x2, v47  }
0x72: {  	v56 =	vor.u32 $0x3, v42;
	v30 =	vmax.f32 v8, v28;
	v58 =	vmax.f32 v2, v32  }
0x73: {  	v0 =	vadd.s32 s25, v61;
	v49 =	vmul.f32 v9, v24;
	v30 =	vmax.f32 v30, v58  }
0x74: {  	[tilespmem:$0x1FF60] =	vst v0;
	v0 =	vadd.s32 s25, v62;
	v8 =	vsub.f32 v8, v30;
	v9 =	vsub.f32 v28, v30  }
0x75: {  	s26 =	simm.s32 $0x20;
	v24 =	vsub.f32 v2, v30;
	v30 =	vsub.f32 v32, v30;
	v32 =	vld.idx.msk [tilespmem:v55+s2+$0x0], $0xffff;
	[tilespmem:$0x1FF70] =	vst v0;
	v0 =	vadd.s32 s25, v54  }
0x76: {  	v45 =	vmul.f32 v63, v29;
	v55 =	vor.u32 s26, v37;
	v63 =	vld.idx.msk [tilespmem:v31+s2+$0x0], $0xffff;
	[tilespmem:$0x1FF80] =	vst v0  }
0x77: {  	[tilespmem:$0x1FDF0] =	vst v55  }
0x78: {  	v52 =	vld.idx.msk [tilespmem:v56+s2+$0x0], $0xffff  }
0x79: {  	v56 =	vld [tilespmem:$0x1FFF0];
	_ =	sdelay $0x1  }
0x7a: {  	v57 =	vor.u32 $0x3, v47  }
0x7b: {  	v54 =	vmul.f32 v10, v59;
	v59 =	vld [tilespmem:$0x1FF90]  }
0x7c: {  	v60 =	vld [tilespmem:$0x1FFA0];
	v8 =	vmul.f32 $1.442695020e+00, v8  }
0x7d: {  	v9 =	vmul.f32 $1.442695020e+00, v9;
	v0 =	vadd.s32 s26, v56  }
0x7e: {  	v1 =	vld [tilespmem:$0x1FFF0];
	v24 =	vmul.f32 $1.442695020e+00, v24;
	(erf) = vpow2.f32 v8;
	[tilespmem:$0x1FE00] =	vst v0  }
0x7f: {  	v28 =	vpop (erf);
	v8 =	vmul.f32 $1.442695020e+00, v30;
	(erf) = vpow2.f32 v9;
	v38 =	vld.idx.msk [tilespmem:v57+s2+$0x0], $0xffff  }
0x80: {  	v4 =	vmul.f32 $1.442695020e+00, v4;
	v30 =	vpop (erf);
	(erf) = vpow2.f32 v24;
	v0 =	vadd.s32 s26, v59;
	v13 =	vld.idx.msk [tilespmem:v41+s2+$0x0], $0xffff  }
0x81: {  	v55 =	vmul.f32 v15, v11;
	v31 =	vpop (erf);
	(erf) = vpow2.f32 v8;
	v15 =	vld.idx.msk [tilespmem:v43+s2+$0x0], $0xffff;
	[tilespmem:$0x1FE10] =	vst v0;
	v0 =	vadd.s32 s26, v60  }
0x82: {  	v12 =	vmul.f32 $1.442695020e+00, v12;
	v40 =	vpop (erf);
	(erf) = vpow2.f32 v39;
	[tilespmem:$0x1FE20] =	vst v0  }
0x83: {  	v24 =	vpop (erf);
	(erf) = vpow2.f32 v4;
	v4 =	vld.idx.msk [tilespmem:v26+s2+$0x0], $0xffff  }
0x84: {  	v36 =	vpop (erf);
	(erf) = vpow2.f32 v12;
	v12 =	vld.idx.msk [tilespmem:v27+s2+$0x0], $0xffff  }
0x85: {  	v1 =	vadd.s32 s21, v1;
	v46 =	vmul.f32 v46, v35;
	v58 =	vadd.f32 v40, v31;
	v42 =	vld.idx.msk [tilespmem:v42+s2+$0x0], $0xffff;
	v0 =	vpop (erf)  }
0x86: {  	s28 =	simm.s32 $0xA0A0;
	v57 =	vadd.f32 v30, v28;
	v43 =	vmul.f32 v14, v50;
	v47 =	vld.idx.msk [tilespmem:v47+s2+$0x0], $0xffff;
	[tilespmem:$0x1FF20] =	vst v1;
	v11 =	vpop (erf)  }
0x87: {  	s20 =	simm.s32 $0xA8A0;
	v62 =	vadd.f32 v36, v24;
	v50 =	vmul.f32 v63, v32;
	v35 =	vld [tilespmem:s28+$0x10];
	v63 =	vadd.f32 v11, v0  }
0x88: {  	v61 =	vadd.f32 v58, v57;
	v58 =	vld [tilespmem:s20+$0x10]  }
0x89: {  	v14 =	vadd.f32 v63, v62;
	v62 =	vld [tilespmem:$0x1FF90]  }
0x8a: {  	v13 =	vmul.f32 v15, v13;
	v4 =	vmul.f32 v12, v4;
	v12 =	vld [tilespmem:$0x1FFA0]  }
0x8b: {  	(erf) = vpow2.f32 v48;
	v48 =	vpop (erf)  }
0x8c: {  	v53 =	vmax.f32 v49, v45;
	v51 =	vmul.f32 v38, v52;
	v52 =	vpop (erf);
	v63 =	vmax.f32 v13, v46  }
0x8d: {  	v56 =	vpop (erf);
	v59 =	vadd.f32 v52, v48;
	v42 =	vmul.f32 v47, v42;
	v32 =	vmax.f32 v63, v53  }
0x8e: {  	v57 =	vpop (erf);
	v39 =	vshll.u32 v35, $0x2;
	v47 =	vshll.u32 v58, $0x2;
	v1 =	vadd.s32 s21, v62  }
0x8f: {  	v60 =	vadd.f32 v57, v56;
	v53 =	vsub.f32 v13, v32;
	[tilespmem:$0x1FF30] =	vst v1;
	v1 =	vadd.s32 s21, v12  }
0x90: {  	v46 =	vsub.f32 v46, v32;
	v35 =	vor.u32 $0x1, v39;
	v49 =	vsub.f32 v49, v32;
	[tilespmem:$0x1FF40] =	vst v1  }
0x91: {  	v45 =	vsub.f32 v45, v32;
	v32 =	vor.u32 $0x1, v47;
	v33 =	vadd.f32 v60, v59;
	v59 =	vld [tilespmem:s20+$0xFFFFFFE0]  }
0x92: {  	v44 =	vmul.f32 v44, v25;
	(erf) = vrcp.f32 v61;
	v5 =	vor.u32 $0x2, v47;
	v61 =	vld [tilespmem:s28+$0xFFFFFFE0]  }
0x93: {  	v18 =	vld.idx.msk [tilespmem:v39+s2+$0x0], $0xffff  }
0x94: {  	v41 =	vmax.f32 v54, v55;
	v15 =	vmax.f32 v50, v51;
	v34 =	vmax.f32 v4, v44;
	v16 =	vld.idx.msk [tilespmem:v47+s2+$0x0], $0xffff  }
0x95: {  	(erf) = vrcp.f32 v14;
	v41 =	vmax.f32 v34, v41;
	v62 =	vor.u32 $0x2, v39;
	v58 =	vld.idx.msk [tilespmem:v35+s2+$0x0], $0xffff  }
0x96: {  	v34 =	vmax.f32 v42, v43;
	v53 =	vmul.f32 $1.442695020e+00, v53;
	v39 =	vor.u32 $0x3, v39;
	v60 =	vld.idx.msk [tilespmem:v32+s2+$0x0], $0xffff  }
0x97: {  	v46 =	vmul.f32 $1.442695020e+00, v46;
	(erf) = vrcp.f32 v33;
	v47 =	vor.u32 $0x3, v47;
	v7 =	vld.idx.msk [tilespmem:v5+s2+$0x0], $0xffff  }
0x98: {  	v63 =	vmax.f32 v34, v15;
	v33 =	vpop (erf);
	(erf) = vpow2.f32 v53;
	v53 =	vld [tilespmem:s28+$0xFFFFFFF0]  }
0x99: {  	v17 =	vsub.f32 v42, v63;
	(erf) = vpow2.f32 v46;
	v46 =	vld [tilespmem:s20+$0xFFFFFFF0];
	v42 =	vshll.u32 v61, $0x2  }
0x9a: {  	v35 =	vld.idx.msk [tilespmem:v62+s2+$0x0], $0xffff;
	v59 =	vshll.u32 v59, $0x2;
	v6 =	vor.u32 $0x1, v42  }
0x9b: {  	v39 =	vld.idx.msk [tilespmem:v39+s2+$0x0], $0xffff;
	v5 =	vor.u32 $0x1, v59  }
0x9c: {  	v43 =	vsub.f32 v43, v63;
	v21 =	vsub.f32 v50, v63;
	v2 =	vpop (erf);
	v47 =	vld.idx.msk [tilespmem:v47+s2+$0x0], $0xffff;
	[tilespmem:$0x1FE30] =	vst v33  }
0x9d: {  	v51 =	vsub.f32 v51, v63;
	v13 =	vadd.f32 v2, v33;
	[tilespmem:$0x1FE40] =	vst v2;
	v33 =	vld [tilespmem:$0x1FE70];
	v63 =	vor.u32 $0x2, v42  }
0x9e: {  	v8 =	vpop (erf);
	v58 =	vmul.f32 v60, v58;
	v12 =	vor.u32 $0x2, v59;
	v60 =	vld [tilespmem:s28+$0x0]  }
0x9f: {  	v3 =	vpop (erf);
	v6 =	vld.idx.msk [tilespmem:v6+s2+$0x0], $0xffff  }
0xa0: {  	v4 =	vsub.f32 v4, v41;
	v44 =	vsub.f32 v44, v41;
	v5 =	vld.idx.msk [tilespmem:v5+s2+$0x0], $0xffff;
	[tilespmem:$0x1FE50] =	vst v3  }
0xa1: {  	v54 =	vsub.f32 v54, v41;
	v55 =	vsub.f32 v55, v41;
	v49 =	vmul.f32 $1.442695020e+00, v49;
	[tilespmem:$0x1FE60] =	vst v8  }
0xa2: {  	v41 =	vpop (erf);
	v14 =	vor.u32 $0x3, v59;
	v7 =	vmul.f32 v7, v35;
	v35 =	vmul.f32 $1.442695020e+00, v17;
	v17 =	vld.idx.msk [tilespmem:v63+s2+$0x0], $0xffff  }
0xa3: {  	v45 =	vmul.f32 $1.442695020e+00, v45;
	v63 =	vmul.f32 v41, v30;
	v30 =	vld.idx.msk [tilespmem:v12+s2+$0x0], $0xffff  }
0xa4: {  	v62 =	vmul.f32 $1.442695020e+00, v4;
	(erf) = vpow2.f32 v49;
	v50 =	vpop (erf);
	v12 =	vld [tilespmem:s20+$0x0]  }
0xa5: {  	v32 =	vmul.f32 v41, v28;
	v1 =	vmul.f32 v41, v40;
	v4 =	vpop (erf)  }
0xa6: {  	v22 =	vmul.f32 v4, v57;
	v57 =	vmul.f32 v41, v31;
	v41 =	vld [tilespmem:$0x1FFF0]  }
0xa7: {  	v44 =	vmul.f32 $1.442695020e+00, v44;
	(erf) = vpow2.f32 v45;
	v31 =	vld.idx.msk [tilespmem:v14+s2+$0x0], $0xffff  }
0xa8: {  	(erf) = vpow2.f32 v62;
	v14 =	vld [tilespmem:$0x1FF90];
	[tilespmem:v33+s13+$0x0] =	vst.idx.msk $0xffff, v23  }
0xa9: {  	(erf) = vpow2.f32 v44;
	v44 =	vshll.u32 v12, $0x2;
	v12 =	vld [tilespmem:$0x1FE80];
	_ =	sdelay $0x1  }
0xaa: {  	v2 =	vadd.f32 v3, v8  }
0xab: {  	v3 =	vld [tilespmem:$0x1FE90]  }
0xac: {  	v39 =	vmul.f32 v47, v39;
	v47 =	vadd.f32 v2, v13;
	v2 =	vld [tilespmem:$0x1FFA0];
	_ =	sdelay $0x3  }
0xad: {  	s29 =	simm.s32 $0x70;
	[tilespmem:v12+s13+$0x0] =	vst.idx.msk $0xffff, v3  }
0xae: {  	v23 =	vadd.s32 s29, v2;
	v2 =	vld [tilespmem:$0x1FEA0];
	_ =	sdelay $0x2  }
0xaf: {  	v16 =	vmul.f32 v16, v18;
	v18 =	vor.u32 $0x3, v42;
	_ =	sdelay $0x4  }
0xb0: {  	v61 =	vshll.u32 v46, $0x2;
	v18 =	vld.idx.msk [tilespmem:v18+s2+$0x0], $0xffff;
	[tilespmem:v2+s13+$0x0] =	vst.idx.msk $0xffff, v20  }
0xb1: {  	v53 =	vshll.u32 v53, $0x2;
	v49 =	vor.u32 $0x2, v61;
	v2 =	vld [tilespmem:$0x1FEB0]  }
0xb2: {  	v13 =	vor.u32 $0x1, v53  }
0xb3: {  	v34 =	vmul.f32 $1.442695020e+00, v43;
	v43 =	vmul.f32 v30, v17;
	v17 =	vor.u32 $0x1, v61  }
0xb4: {  	v54 =	vmul.f32 $1.442695020e+00, v54;
	v45 =	vor.u32 s29, v37;
	v30 =	vor.u32 $0x2, v53;
	v3 =	vld [tilespmem:$0x1FEC0]  }
0xb5: {  	v48 =	vmul.f32 v4, v48;
	v46 =	vmul.f32 v31, v18;
	v18 =	vor.u32 $0x3, v53  }
0xb6: {  	v52 =	vmul.f32 v4, v52;
	v56 =	vmul.f32 v4, v56;
	v4 =	vor.u32 $0x3, v61;
	v49 =	vld.idx.msk [tilespmem:v49+s2+$0x0], $0xffff  }
0xb7: {  	(erf) = vpow2.f32 v54;
	v54 =	vld.idx.msk [tilespmem:v13+s2+$0x0], $0xffff;
	v19 =	vadd.s32 s29, v41;
	v13 =	vor.u32 $0x1, v44  }
0xb8: {  	s30 =	simm.s32 $0x50;
	v40 =	vmul.f32 v5, v6;
	v5 =	vmax.f32 v16, v58;
	v62 =	vadd.s32 s29, v14;
	v26 =	vld.idx.msk [tilespmem:v17+s2+$0x0], $0xffff  }
0xb9: {  	v6 =	vmax.f32 v7, v39;
	v14 =	vor.u32 s30, v37;
	v29 =	vld.idx.msk [tilespmem:v30+s2+$0x0], $0xffff;
	[tilespmem:v2+s13+$0x0] =	vst.idx.msk $0xffff, v3  }
0xba: {  	v55 =	vmul.f32 $1.442695020e+00, v55;
	v5 =	vmax.f32 v5, v6;
	v18 =	vld.idx.msk [tilespmem:v18+s2+$0x0], $0xffff;
	[tilespmem:$0x1FED0] =	vst v14  }
0xbb: {  	v38 =	vor.u32 s21, v37;
	v31 =	vsub.f32 v16, v5;
	[tilespmem:v45+s13+$0x0] =	vst.idx.msk $0xffff, v48;
	v4 =	vld.idx.msk [tilespmem:v4+s2+$0x0], $0xffff  }
0xbc: {  	(erf) = vpow2.f32 v55;
	v60 =	vshll.u32 v60, $0x2;
	v25 =	vsub.f32 v39, v5;
	v39 =	vld.idx.msk [tilespmem:v13+s2+$0x0], $0xffff;
	[tilespmem:v19+s13+$0x0] =	vst.idx.msk $0xffff, v52  }
0xbd: {  	v33 =	vmul.f32 $1.442695020e+00, v21;
	v6 =	vor.u32 $0x1, v60;
	v21 =	vmul.f32 $1.442695020e+00, v31;
	v55 =	vld [tilespmem:$0x1FF90];
	[tilespmem:v62+s13+$0x0] =	vst.idx.msk $0xffff, v56  }
0xbe: {  	v58 =	vsub.f32 v58, v5;
	v7 =	vsub.f32 v7, v5;
	v5 =	vor.u32 $0x2, v60;
	v62 =	vld [tilespmem:$0x1FFA0]  }
0xbf: {  	v27 =	vor.u32 $0x3, v60;
	(erf) = vpow2.f32 v21;
	v21 =	vld [tilespmem:$0x1FF90];
	[tilespmem:v23+s13+$0x0] =	vst.idx.msk $0xffff, v22  }
0xc0: {  	v20 =	vor.u32 $0x2, v44;
	v22 =	vld [tilespmem:$0x1FFA0];
	[tilespmem:v38+s13+$0x0] =	vst.idx.msk $0xffff, v32  }
0xc1: {  	v13 =	vld [tilespmem:$0x1FF20]  }
0xc2: {  	v6 =	vld.idx.msk [tilespmem:v6+s2+$0x0], $0xffff  }
0xc3: {  	v5 =	vld.idx.msk [tilespmem:v5+s2+$0x0], $0xffff  }
0xc4: {  	v12 =	vpop (erf);
	v38 =	vld.idx.msk [tilespmem:v27+s2+$0x0], $0xffff  }
0xc5: {  	v3 =	vpop (erf);
	v17 =	vadd.s32 s30, v55;
	v55 =	vmul.f32 v50, v36;
	v36 =	vld.idx.msk [tilespmem:v20+s2+$0x0], $0xffff;
	[tilespmem:$0x1FEE0] =	vst v12  }
0xc6: {  	v8 =	vpop (erf);
	[tilespmem:$0x1FEF0] =	vst v3  }
0xc7: {  	v10 =	vpop (erf);
	[tilespmem:$0x1FF00] =	vst v8  }
0xc8: {  	[tilespmem:$0x1FF10] =	vst v10  }
0xc9: {  	[tilespmem:v13+s13+$0x0] =	vst.idx.msk $0xffff, v63  }
0xca: {  	v2 =	vld [tilespmem:$0x1FF30];
	_ =	sdelay $0x7  }
0xcb: {  	[tilespmem:v2+s13+$0x0] =	vst.idx.msk $0xffff, v57  }
0xcc: {  	v2 =	vld [tilespmem:$0x1FF40];
	_ =	sdelay $0x7  }
0xcd: {  	[tilespmem:v2+s13+$0x0] =	vst.idx.msk $0xffff, v1  }
0xce: {  	v2 =	vld [tilespmem:$0x1FF50];
	_ =	sdelay $0x5  }
0xcf: {  	v45 =	vmul.f32 v50, v24;
	_ =	sdelay $0x1  }
0xd0: {  	[tilespmem:v2+s13+$0x0] =	vst.idx.msk $0xffff, v45  }
0xd1: {  	v28 =	vor.u32 $0x3, v44;
	v2 =	vld [tilespmem:$0x1FF60]  }
0xd2: {  	v31 =	vmul.f32 $1.442695020e+00, v58  }
0xd3: {  	v7 =	vmul.f32 $1.442695020e+00, v7  }
0xd4: {  	(erf) = vpow2.f32 v31;
	v31 =	vmul.f32 $1.442695020e+00, v25  }
0xd5: {  	(erf) = vpow2.f32 v7  }
0xd6: {  	v29 =	vmul.f32 v49, v29;
	(erf) = vpow2.f32 v31;
	v49 =	vld.idx.msk [tilespmem:v28+s2+$0x0], $0xffff  }
0xd7: {  	(erf) = vpow2.f32 v35;
	v9 =	vadd.s32 s30, v62;
	v62 =	vmul.f32 v4, v18;
	v28 =	vpop (erf);
	v4 =	vld.idx.msk [tilespmem:v42+s2+$0x0], $0xffff  }
0xd8: {  	v27 =	vadd.f32 v10, v8;
	v20 =	vadd.f32 v3, v12;
	(erf) = vpow2.f32 v34;
	v61 =	vld.idx.msk [tilespmem:v61+s2+$0x0], $0xffff;
	v63 =	vpop (erf)  }
0xd9: {  	v51 =	vmul.f32 $1.442695020e+00, v51;
	v25 =	vpop (erf);
	(erf) = vpow2.f32 v33;
	v33 =	vld.idx.msk [tilespmem:v53+s2+$0x0], $0xffff;
	[tilespmem:v2+s13+$0x0] =	vst.idx.msk $0xffff, v55  }
0xda: {  	v14 =	vadd.f32 v27, v20;
	v2 =	vld [tilespmem:$0x1FF70]  }
0xdb: {  	v48 =	vmul.f32 v36, v5;
	v5 =	vld.idx.msk [tilespmem:v60+s2+$0x0], $0xffff;
	(erf) = vpow2.f32 v51  }
0xdc: {  	v56 =	vmul.f32 v26, v54;
	v26 =	vpop (erf);
	(erf) = vrcp.f32 v14;
	v14 =	vld.idx.msk [tilespmem:v44+s2+$0x0], $0xffff  }
0xdd: {  	s31 =	simm.s32 $0x60;
	v0 =	vmul.f32 v50, v0;
	v58 =	vmul.f32 v50, v11;
	v12 =	vld.idx.msk [tilespmem:v59+s2+$0x0], $0xffff  }
0xde: {  	s21 =	simm.s32 $0x40;
	v30 =	vadd.s32 s30, v41;
	v7 =	vmax.f32 v43, v46;
	v24 =	vor.u32 s31, v37  }
0xdf: {  	v35 =	vor.u32 s21, v37;
	v54 =	vmul.f32 v39, v6;
	v61 =	vmul.f32 v61, v33  }
0xe0: {  	v49 =	vmul.f32 v49, v38;
	v6 =	vadd.f32 v63, v28;
	v13 =	vadd.f32 v26, v25  }
0xe1: {  	v50 =	vpop (erf);
	v38 =	vmul.f32 v14, v5;
	v5 =	vmax.f32 v61, v56;
	v57 =	vmax.f32 v29, v62  }
0xe2: {  	v4 =	vmul.f32 v12, v4;
	v51 =	vpop (erf);
	(erf) = vrcp.f32 v47;
	v5 =	vmax.f32 v5, v57;
	[tilespmem:v2+s13+$0x0] =	vst.idx.msk $0xffff, v0  }
0xe3: {  	v23 =	vadd.s32 s31, v41;
	v6 =	vadd.f32 v13, v6;
	v59 =	vsub.f32 v61, v5;
	v61 =	vld [tilespmem:$0x1FF80]  }
0xe4: {  	v31 =	vadd.s32 s31, v21;
	v52 =	vpop (erf);
	v42 =	vadd.f32 v51, v50;
	v13 =	vmax.f32 v4, v40  }
0xe5: {  	v32 =	vadd.s32 s31, v22;
	v53 =	vpop (erf);
	(erf) = vrcp.f32 v6;
	v6 =	vmax.f32 v13, v7  }
0xe6: {  	v27 =	vadd.s32 s21, v41;
	v12 =	vadd.f32 v53, v52;
	v14 =	vsub.f32 v4, v6;
	v45 =	vpop (erf)  }
0xe7: {  	v34 =	vadd.s32 s21, v22;
	v4 =	vsub.f32 v40, v6;
	v60 =	vsub.f32 v43, v6;
	v44 =	vpop (erf)  }
0xe8: {  	v33 =	vadd.s32 s21, v21;
	v43 =	vsub.f32 v46, v6;
	v7 =	vadd.f32 v12, v42;
	v42 =	vpop (erf)  }
0xe9: {  	v6 =	vmax.f32 v38, v54;
	v57 =	vmul.f32 $1.442695020e+00, v14;
	v1 =	vmax.f32 v48, v49;
	v40 =	vpop (erf)  }
0xea: {  	v56 =	vsub.f32 v56, v5;
	v39 =	vmax.f32 v6, v1;
	v47 =	vadd.f32 v44, v45;
	v46 =	vpop (erf)  }
0xeb: {  	s22 =	simm.s32 $0x8;
	s23 =	simm.s32 $0xA0E0;
	(erf) = vrcp.f32 v7;
	v55 =	vsub.f32 v62, v5;
	[tilespmem:v61+s13+$0x0] =	vst.idx.msk $0xffff, v58;
	v58 =	vsub.f32 v29, v5;
	v29 =	vpop (erf)  }
.LBB2_3:
0xec: {  	v12 =	vld [tilespmem:$0x1FDF0];
	v8 =	vmov v24  }
0xed: {  	[tilespmem:$0x1FDF0] =	vst v8;
	v8 =	vld [tilespmem:$0x1FE00];
	_ =	sdelay $0x4  }
0xee: {  	v13 =	vmov v8;
	v8 =	vmov v23  }
0xef: {  	[tilespmem:$0x1FE00] =	vst v8;
	v8 =	vld [tilespmem:$0x1FE10];
	_ =	sdelay $0x1  }
0xf0: {  	v5 =	vld [tilespmem:s23+$0x10]  }
0xf1: {  	s20 =	sadd.s32 $0x40, s20;
	v24 =	vld [tilespmem:s23+$0xFFFFFFF0]  }
0xf2: {  	[tilespmem:$0x1FD80] =	vst v30;
	v30 =	vld [tilespmem:s20+$0x10]  }
0xf3: {  	v6 =	vsub.f32 v38, v39;
	v62 =	vld [tilespmem:s20+$0xFFFFFFE0];
	v14 =	vmov v8;
	v8 =	vmov v31  }
0xf4: {  	v7 =	vsub.f32 v54, v39;
	v0 =	vmovc v9;
	v54 =	vmov v34;
	v34 =	vsub.f32 v48, v39;
	s21 =	sadd.s32 $0x40, s21;
	[tilespmem:$0x1FE10] =	vst v8;
	v8 =	vld [tilespmem:$0x1FE20]  }
0xf5: {  	v2 =	vsub.f32 v49, v39;
	v49 =	vmovc v63;
	[tilespmem:$0x1FDA0] =	vst v0;
	v0 =	vmul.f32 $1.442695020e+00, v60;
	v63 =	vmul.f32 $1.442695020e+00, v43;
	s26 =	sadd.s32 $0x30, s21;
	v9 =	vld [tilespmem:s20+$0x0]  }
0xf6: {  	v60 =	vmul.f32 $1.442695020e+00, v59;
	v61 =	vmul.f32 $1.442695020e+00, v56;
	v56 =	vor.u32 s26, v37;
	v37 =	vld [tilespmem:s23+$0xFFFFFFE0]  }
0xf7: {  	v48 =	vpop (erf);
	v59 =	vmul.f32 $1.442695020e+00, v58;
	v58 =	vmul.f32 $1.442695020e+00, v55;
	v11 =	vadd.s32 s26, v22;
	v22 =	vld [tilespmem:$0x1FEE0]  }
0xf8: {  	v43 =	vmul.f32 $1.442695020e+00, v6;
	v6 =	vadd.s32 s26, v41;
	v55 =	vmul.f32 $1.442695020e+00, v7;
	v1 =	vmovc v12;
	v12 =	vmovc v32;
	v32 =	vld [tilespmem:$0x1FE30]  }
0xf9: {  	v7 =	vadd.s32 s26, v21;
	v5 =	vshll.u32 v5, $0x2;
	[tilespmem:$0x1FDC0] =	vst v13;
	v31 =	vld [tilespmem:s23+$0x0];
	v13 =	vmov v8;
	v8 =	vpop (erf)  }
0xfa: {  	v4 =	vmul.f32 $1.442695020e+00, v4;
	[tilespmem:$0x1FDB0] =	vst v1;
	v23 =	vld [tilespmem:s20+$0xFFFFFFF0];
	v30 =	vshll.u32 v30, $0x2;
	v10 =	vmul.f32 v8, v50  }
0xfb: {  	v38 =	vor.u32 $0x1, v5;
	[tilespmem:$0x1FE20] =	vst v12;
	(erf) = vpow2.f32 v57;
	v39 =	vmul.f32 v8, v51;
	v51 =	vld [tilespmem:$0x1FE40]  }
0xfc: {  	v1 =	vor.u32 $0x2, v30;
	(erf) = vpow2.f32 v4;
	v4 =	vld [tilespmem:$0x1FEF0];
	[tilespmem:v56+s13+$0x0] =	vst.idx.msk $0xffff, v10;
	v10 =	vmul.f32 v8, v52  }
0xfd: {  	v50 =	vshll.u32 v62, $0x2;
	v62 =	vshll.u32 v37, $0x2;
	[tilespmem:v6+s13+$0x0] =	vst.idx.msk $0xffff, v39;
	v6 =	vmul.f32 v8, v53;
	v8 =	vld [tilespmem:$0x1FE60]  }
0xfe: {  	v12 =	vor.u32 $0x1, v62;
	v56 =	vmov v44;
	v53 =	vshll.u32 v31, $0x2;
	v31 =	vld.idx.msk [tilespmem:v5+s2+$0x0], $0xffff;
	[tilespmem:v7+s13+$0x0] =	vst.idx.msk $0xffff, v10  }
0xff: {  	v52 =	vshll.u32 v23, $0x2;
	v23 =	vor.u32 $0x2, v5;
	[tilespmem:$0x1FE40] =	vst v56;
	v56 =	vshll.u32 v9, $0x2;
	v9 =	vld.idx.msk [tilespmem:v30+s2+$0x0], $0xffff  }
0x100: {  	v5 =	vor.u32 $0x3, v5;
	[tilespmem:v11+s13+$0x0] =	vst.idx.msk $0xffff, v6;
	v6 =	vld [tilespmem:$0x1FE50]  }
0x101: {  	v41 =	vmovc v45;
	v45 =	vmov v51;
	v51 =	vshll.u32 v24, $0x2;
	v24 =	vor.u32 $0x1, v30;
	v10 =	vld.idx.msk [tilespmem:v38+s2+$0x0], $0xffff  }
0x102: {  	[tilespmem:$0x1FDE0] =	vst v13;
	v11 =	vor.u32 $0x3, v30;
	v13 =	vld.idx.msk [tilespmem:v1+s2+$0x0], $0xffff  }
0x103: {  	v7 =	vmov v42;
	v30 =	vor.u32 $0x2, v62;
	v12 =	vld.idx.msk [tilespmem:v12+s2+$0x0], $0xffff  }
0x104: {  	[tilespmem:$0x1FE60] =	vst v7;
	v7 =	vor.u32 $0x2, v50;
	v23 =	vld.idx.msk [tilespmem:v23+s2+$0x0], $0xffff  }
0x105: {  	v44 =	vmov v8;
	v8 =	vor.u32 $0x1, v50;
	v5 =	vld.idx.msk [tilespmem:v5+s2+$0x0], $0xffff  }
0x106: {  	v24 =	vld.idx.msk [tilespmem:v24+s2+$0x0], $0xffff  }
0x107: {  	v36 =	vmov v32;
	v32 =	vor.u32 $0x3, v62;
	v11 =	vld.idx.msk [tilespmem:v11+s2+$0x0], $0xffff  }
0x108: {  	v3 =	vadd.f32 v40, v42;
	v42 =	vmov v6;
	v6 =	vor.u32 $0x3, v50;
	v30 =	vld.idx.msk [tilespmem:v30+s2+$0x0], $0xffff  }
0x109: {  	[tilespmem:$0x1FD90] =	vst v36;
	v36 =	vmul.f32 $1.442695020e+00, v34;
	v34 =	vmov v25;
	v57 =	vmul.f32 v46, v22;
	v25 =	vld.idx.msk [tilespmem:v7+s2+$0x0], $0xffff  }
0x10a: {  	v8 =	vld.idx.msk [tilespmem:v8+s2+$0x0], $0xffff  }
0x10b: {  	v16 =	vor.u32 $0x2, v52;
	[tilespmem:v35+s13+$0x0] =	vst.idx.msk $0xffff, v57;
	v57 =	vld [tilespmem:$0x1FF00]  }
0x10c: {  	v39 =	vmov v17;
	v17 =	vor.u32 $0x1, v53;
	v4 =	vmul.f32 v46, v4;
	v32 =	vld.idx.msk [tilespmem:v32+s2+$0x0], $0xffff  }
0x10d: {  	(erf) = vpow2.f32 v0;
	v6 =	vld.idx.msk [tilespmem:v6+s2+$0x0], $0xffff  }
0x10e: {  	(erf) = vpow2.f32 v63;
	[tilespmem:v27+s13+$0x0] =	vst.idx.msk $0xffff, v4;
	v4 =	vld [tilespmem:$0x1FF10]  }
0x10f: {  	v3 =	vadd.f32 v3, v47;
	[tilespmem:$0x1FE30] =	vst v41;
	v41 =	vmovc v40;
	v22 =	vld [tilespmem:$0x1FFF0];
	(erf) = vpow2.f32 v60;
	v40 =	vor.u32 $0x1, v51  }
0x110: {  	[tilespmem:$0x1FDD0] =	vst v14;
	v14 =	vor.u32 $0x1, v52;
	v18 =	vor.u32 $0x2, v53;
	(erf) = vpow2.f32 v61;
	v16 =	vld.idx.msk [tilespmem:v16+s2+$0x0], $0xffff  }
0x111: {  	v19 =	vor.u32 $0x1, v56;
	v17 =	vld.idx.msk [tilespmem:v17+s2+$0x0], $0xffff;
	v31 =	vmul.f32 v9, v31;
	v13 =	vmul.f32 v13, v23  }
0x112: {  	v15 =	vor.u32 $0x2, v51;
	v7 =	vld [tilespmem:$0x1FF90];
	v10 =	vmul.f32 v24, v10;
	v0 =	vmul.f32 v46, v57  }
0x113: {  	[tilespmem:$0x1FE50] =	vst v41;
	v41 =	vor.u32 $0x3, v52;
	v9 =	vld [tilespmem:$0x1FFA0];
	v5 =	vmul.f32 v11, v5;
	v4 =	vmul.f32 v46, v4  }
0x114: {  	v38 =	vmovc v26;
	v26 =	vlaneseq.u32;
	v37 =	vor.u32 $0x3, v51;
	v1 =	vor.u32 $0x3, v53;
	v11 =	vld.idx.msk [tilespmem:v40+s2+$0x0], $0xffff;
	[tilespmem:v33+s13+$0x0] =	vst.idx.msk $0xffff, v0  }
0x115: {  	s25 =	sadd.s32 $0x10, s21;
	v35 =	vmax.f32 v31, v10;
	v40 =	vmax.f32 v13, v5;
	[tilespmem:v54+s13+$0x0] =	vst.idx.msk $0xffff, v4;
	v4 =	vld.idx.msk [tilespmem:v18+s2+$0x0], $0xffff  }
0x116: {  	s24 =	sadd.s32 $0x20, s21;
	v47 =	vor.u32 s25, v26;
	v46 =	vmul.f32 v8, v12;
	v12 =	vmax.f32 v35, v40;
	v18 =	vld [tilespmem:$0x1FED0]  }
0x117: {  	v15 =	vld.idx.msk [tilespmem:v15+s2+$0x0], $0xffff;
	v24 =	vor.u32 s24, v26;
	v60 =	vmul.f32 v25, v30;
	v26 =	vpop (erf);
	v25 =	vsub.f32 v31, v12  }
0x118: {  	(erf) = vpow2.f32 v59;
	v30 =	vld.idx.msk [tilespmem:v41+s2+$0x0], $0xffff;
	v57 =	vmul.f32 v48, v28;
	v10 =	vsub.f32 v10, v12;
	v31 =	vpop (erf)  }
0x119: {  	v28 =	vld.idx.msk [tilespmem:v37+s2+$0x0], $0xffff;
	v13 =	vsub.f32 v13, v12;
	v40 =	vpop (erf);
	(erf) = vpow2.f32 v58;
	v25 =	vmul.f32 $1.442695020e+00, v25  }
0x11a: {  	v2 =	vmul.f32 $1.442695020e+00, v2;
	v5 =	vsub.f32 v5, v12;
	v58 =	vld [tilespmem:$0x1FD80];
	v10 =	vmul.f32 $1.442695020e+00, v10  }
0x11b: {  	v20 =	vor.u32 $0x2, v56;
	v8 =	vld.idx.msk [tilespmem:v14+s2+$0x0], $0xffff;
	v13 =	vmul.f32 $1.442695020e+00, v13;
	(erf) = vpow2.f32 v25  }
0x11c: {  	v21 =	vor.u32 $0x3, v56;
	v23 =	vld [tilespmem:$0x1FFF0];
	v5 =	vmul.f32 $1.442695020e+00, v5;
	(erf) = vpow2.f32 v10  }
0x11d: {  	v27 =	vmul.f32 v48, v49;
	v49 =	vld.idx.msk [tilespmem:v19+s2+$0x0], $0xffff;
	v10 =	vadd.f32 v31, v26;
	(erf) = vpow2.f32 v13  }
0x11e: {  	v59 =	vld.idx.msk [tilespmem:v1+s2+$0x0], $0xffff;
	v13 =	vmul.f32 v16, v15;
	v15 =	vmov v47;
	[tilespmem:v18+s13+$0x0] =	vst.idx.msk $0xffff, v57;
	v18 =	vpop (erf);
	(erf) = vpow2.f32 v5  }
0x11f: {  	v19 =	vld.idx.msk [tilespmem:v50+s2+$0x0], $0xffff;
	[tilespmem:$0x1FED0] =	vst v15;
	v15 =	vmul.f32 v30, v28;
	v5 =	vadd.f32 v18, v40;
	v28 =	vpop (erf);
	(erf) = vpow2.f32 v43  }
0x120: {  	[tilespmem:$0x1FEE0] =	vst v26;
	v8 =	vmul.f32 v8, v11;
	v11 =	vld.idx.msk [tilespmem:v20+s2+$0x0], $0xffff;
	v63 =	vpop (erf);
	(erf) = vpow2.f32 v55  }
0x121: {  	[tilespmem:$0x1FF10] =	vst v18;
	v18 =	vld [tilespmem:$0x1FFA0];
	v5 =	vadd.f32 v5, v10;
	v25 =	vpop (erf);
	(erf) = vpow2.f32 v36  }
0x122: {  	v16 =	vld.idx.msk [tilespmem:v21+s2+$0x0], $0xffff;
	[tilespmem:v58+s13+$0x0] =	vst.idx.msk $0xffff, v27;
	(erf) = vpow2.f32 v2;
	v26 =	vpop (erf)  }
0x123: {  	[tilespmem:$0x1FF00] =	vst v40;
	v40 =	vld.idx.msk [tilespmem:v51+s2+$0x0], $0xffff;
	v43 =	vadd.f32 v63, v28;
	(erf) = vrcp.f32 v5;
	v5 =	vadd.f32 v26, v25  }
0x124: {  	v54 =	vmul.f32 v49, v17;
	v47 =	vmul.f32 v48, v38;
	v17 =	vld.idx.msk [tilespmem:v52+s2+$0x0], $0xffff;
	v50 =	vpop (erf)  }
0x125: {  	v10 =	vmul.f32 v48, v34;
	v48 =	vmul.f32 v11, v4;
	v4 =	vld.idx.msk [tilespmem:v53+s2+$0x0], $0xffff;
	v51 =	vpop (erf);
	v5 =	vadd.f32 v5, v43  }
0x126: {  	v6 =	vmul.f32 v6, v32;
	v32 =	vadd.s32 s24, v18;
	v18 =	vld.idx.msk [tilespmem:v62+s2+$0x0], $0xffff;
	(erf) = vrcp.f32 v3;
	v52 =	vpop (erf)  }
0x127: {  	v53 =	vpop (erf);
	(erf) = vrcp.f32 v5;
	v5 =	vld [tilespmem:$0x1FDB0]  }
0x128: {  	v3 =	vld [tilespmem:$0x1FD90]  }
0x129: {  	v41 =	vld [tilespmem:$0x1FFF0]  }
0x12a: {  	v21 =	vld [tilespmem:$0x1FF90]  }
0x12b: {  	v57 =	vld [tilespmem:$0x1FF90]  }
0x12c: {  	v49 =	vmul.f32 v16, v59;
	[tilespmem:v39+s13+$0x0] =	vst.idx.msk $0xffff, v10;
	v10 =	vld.idx.msk [tilespmem:v56+s2+$0x0], $0xffff  }
0x12d: {  	v3 =	vmul.f32 v29, v3;
	v16 =	vmul.f32 v19, v18;
	v19 =	vld [tilespmem:$0x1FDA0]  }
0x12e: {  	v22 =	vadd.s32 s25, v22;
	v7 =	vadd.s32 s25, v7;
	v37 =	vlaneseq.u32  }
0x12f: {  	v9 =	vadd.s32 s25, v9;
	v23 =	vadd.s32 s24, v23;
	v35 =	vor.u32 s21, v37;
	[tilespmem:v5+s13+$0x0] =	vst.idx.msk $0xffff, v3;
	v5 =	vld [tilespmem:$0x1FDC0]  }
0x130: {  	v14 =	vmul.f32 v29, v42;
	v0 =	vmax.f32 v60, v6;
	v30 =	vmovc v22;
	v22 =	vld [tilespmem:$0x1FFA0];
	v20 =	vmax.f32 v13, v15  }
0x131: {  	v27 =	vadd.s32 s21, v41;
	v33 =	vadd.s32 s21, v21;
	v59 =	vld [tilespmem:$0x1FDD0];
	v11 =	vmul.f32 v29, v45  }
0x132: {  	[tilespmem:$0x1FEF0] =	vst v31;
	v31 =	vadd.s32 s24, v57;
	v57 =	vmul.f32 v29, v44;
	v62 =	vld [tilespmem:$0x1FDE0];
	v38 =	vmul.f32 v10, v4  }
0x133: {  	v58 =	vadd.f32 v51, v50;
	v1 =	vmul.f32 v17, v40;
	v45 =	vpop (erf);
	v3 =	vmax.f32 v16, v46  }
0x134: {  	s22 =	sadd.s32 $0x4, s22;
	v18 =	vmax.f32 v48, v49;
	v44 =	vpop (erf);
	v61 =	vmax.f32 v38, v54;
	v0 =	vmax.f32 v3, v0  }
0x135: {  	p1 =	slt.u32 s22, $0x78;
	v34 =	vadd.s32 s21, v22;
	[tilespmem:v19+s13+$0x0] =	vst.idx.msk $0xffff, v47;
	v19 =	vadd.f32 v53, v52;
	v47 =	vadd.f32 v44, v45  }
.Ltmp3:
0x136: {  	v39 =	vmax.f32 v61, v18;
	v3 =	vsub.f32 v16, v0;
	v4 =	vsub.f32 v46, v0;
	(pc) =	sbr.rel @p1 .LBB2_3-.Ltmp3, $4  }
0x137: {  	v17 =	vmov v7;
	v42 =	vpop (erf);
	v2 =	vadd.f32 v19, v58;
	[tilespmem:v5+s13+$0x0] =	vst.idx.msk $0xffff, v11;
	v5 =	vmax.f32 v1, v8  }
0x138: {  	v40 =	vpop (erf);
	v60 =	vsub.f32 v60, v0;
	v43 =	vsub.f32 v6, v0;
	v5 =	vmax.f32 v5, v20  }
0x139: {  	v46 =	vpop (erf);
	(erf) = vrcp.f32 v2;
	[tilespmem:v59+s13+$0x0] =	vst.idx.msk $0xffff, v57;
	v59 =	vsub.f32 v1, v5;
	v56 =	vsub.f32 v8, v5  }
0x13a: {  	s23 =	sadd.s32 $0x40, s23;
	v29 =	vpop (erf);
	v57 =	vmul.f32 $1.442695020e+00, v3;
	v58 =	vsub.f32 v13, v5;
	v55 =	vsub.f32 v15, v5;
	[tilespmem:v62+s13+$0x0] =	vst.idx.msk $0xffff, v14  }
0x13b: {  	_ =	sdelay $0x2  }
0x13c: {  	s20 =	sadd.s32 $0x40, s21  }
0x13d: {  	s21 =	sadd.s32 $0x30, s20  }
0x13e: {  	v5 =	vor.u32 s21, v37  }
0x13f: {  	v61 =	vpop (erf);
	v7 =	vadd.s32 s21, v41  }
0x140: {  	v10 =	vadd.s32 s21, v21;
	v62 =	vpop (erf)  }
0x141: {  	v12 =	vadd.s32 s21, v22;
	v11 =	vmul.f32 v62, v50  }
0x142: {  	v0 =	vmul.f32 $1.442695020e+00, v4;
	v13 =	vmul.f32 v62, v51  }
0x143: {  	(erf) = vpow2.f32 v57;
	v14 =	vmul.f32 v62, v52;
	[tilespmem:v5+s13+$0x0] =	vst.idx.msk $0xffff, v11  }
0x144: {  	(erf) = vpow2.f32 v0;
	v0 =	vmul.f32 v62, v53;
	[tilespmem:v7+s13+$0x0] =	vst.idx.msk $0xffff, v13  }
0x145: {  	[tilespmem:v10+s13+$0x0] =	vst.idx.msk $0xffff, v14  }
0x146: {  	[tilespmem:v12+s13+$0x0] =	vst.idx.msk $0xffff, v0  }
0x147: {  	v0 =	vld [tilespmem:$0x1FEE0]  }
0x148: {  	v10 =	vld [tilespmem:$0x1FEF0];
	_ =	sdelay $0x3  }
0x149: {  	v0 =	vmul.f32 v46, v0  }
0x14a: {  	v10 =	vmul.f32 v46, v10  }
0x14b: {  	v11 =	vld [tilespmem:$0x1FF00];
	[tilespmem:v35+s13+$0x0] =	vst.idx.msk $0xffff, v0  }
0x14c: {  	[tilespmem:v27+s13+$0x0] =	vst.idx.msk $0xffff, v10  }
0x14d: {  	v10 =	vld [tilespmem:$0x1FF10];
	_ =	sdelay $0x1  }
0x14e: {  	v1 =	vmul.f32 $1.442695020e+00, v60  }
0x14f: {  	v2 =	vmul.f32 $1.442695020e+00, v43;
	v43 =	vmul.f32 $1.442695020e+00, v59  }
0x150: {  	(erf) = vpow2.f32 v1;
	v11 =	vmul.f32 v46, v11  }
0x151: {  	(erf) = vpow2.f32 v2;
	v10 =	vmul.f32 v46, v10  }
0x152: {  	v56 =	vmul.f32 $1.442695020e+00, v56;
	[tilespmem:v33+s13+$0x0] =	vst.idx.msk $0xffff, v11  }
0x153: {  	v57 =	vmul.f32 $1.442695020e+00, v58;
	(erf) = vpow2.f32 v43;
	[tilespmem:v34+s13+$0x0] =	vst.idx.msk $0xffff, v10  }
0x154: {  	v59 =	vsub.f32 v38, v39;
	v58 =	vmul.f32 $1.442695020e+00, v55;
	(erf) = vpow2.f32 v56;
	v10 =	vld [tilespmem:$0x1FED0]  }
0x155: {  	(erf) = vpow2.f32 v57  }
0x156: {  	v3 =	vsub.f32 v54, v39;
	v1 =	vmul.f32 $1.442695020e+00, v59;
	(erf) = vpow2.f32 v58  }
0x157: {  	v60 =	vsub.f32 v48, v39;
	v8 =	vpop (erf)  }
0x158: {  	v36 =	vadd.f32 v40, v42;
	v3 =	vmul.f32 $1.442695020e+00, v3;
	v15 =	vpop (erf)  }
0x159: {  	v6 =	vsub.f32 v49, v39;
	v48 =	vmul.f32 v61, v63;
	v2 =	vmul.f32 $1.442695020e+00, v60;
	v16 =	vpop (erf)  }
0x15a: {  	(erf) = vpow2.f32 v1;
	v5 =	vadd.f32 v36, v47;
	v47 =	vmul.f32 v61, v28;
	v1 =	vpop (erf)  }
0x15b: {  	v49 =	vmul.f32 v61, v25;
	v19 =	vadd.f32 v15, v8;
	v20 =	vadd.f32 v1, v16  }
0x15c: {  	v18 =	vmul.f32 $1.442695020e+00, v6;
	(erf) = vpow2.f32 v3;
	v3 =	vpop (erf);
	[tilespmem:v10+s13+$0x0] =	vst.idx.msk $0xffff, v47  }
0x15d: {  	(erf) = vpow2.f32 v2;
	v2 =	vpop (erf);
	v6 =	vadd.f32 v20, v19;
	[tilespmem:v30+s13+$0x0] =	vst.idx.msk $0xffff, v48  }
0x15e: {  	(erf) = vpow2.f32 v18;
	v7 =	vpop (erf);
	[tilespmem:v17+s13+$0x0] =	vst.idx.msk $0xffff, v49  }
0x15f: {  	v4 =	vmul.f32 v61, v26;
	v38 =	vpop (erf);
	(erf) = vrcp.f32 v6;
	v6 =	vld [tilespmem:$0x1FE30]  }
0x160: {  	v13 =	vld [tilespmem:$0x1FE40]  }
0x161: {  	v14 =	vld [tilespmem:$0x1FE60];
	[tilespmem:v9+s13+$0x0] =	vst.idx.msk $0xffff, v4  }
0x162: {  	v17 =	vld [tilespmem:$0x1FDF0];
	_ =	sdelay $0x5  }
0x163: {  	v6 =	vmul.f32 v29, v6;
	_ =	sdelay $0x1  }
0x164: {  	[tilespmem:v17+s13+$0x0] =	vst.idx.msk $0xffff, v6  }
0x165: {  	v19 =	vld [tilespmem:$0x1FE00];
	_ =	sdelay $0x5  }
0x166: {  	v13 =	vmul.f32 v29, v13;
	_ =	sdelay $0x1  }
0x167: {  	v18 =	vld [tilespmem:$0x1FE50];
	[tilespmem:v19+s13+$0x0] =	vst.idx.msk $0xffff, v13  }
0x168: {  	v20 =	vld [tilespmem:$0x1FE10];
	_ =	sdelay $0x4  }
0x169: {  	v39 =	vadd.f32 v2, v3;
	v43 =	vadd.f32 v38, v7;
	v50 =	vpop (erf)  }
0x16a: {  	v51 =	vpop (erf);
	v14 =	vmul.f32 v29, v14  }
0x16b: {  	v52 =	vpop (erf);
	v0 =	vadd.f32 v43, v39  }
0x16c: {  	(erf) = vrcp.f32 v5;
	v54 =	vpop (erf);
	[tilespmem:v20+s13+$0x0] =	vst.idx.msk $0xffff, v14  }
0x16d: {  	v56 =	vadd.f32 v51, v50;
	v57 =	vadd.f32 v54, v52;
	(erf) = vrcp.f32 v0;
	v61 =	vld [tilespmem:$0x1FE20]  }
0x16e: {  	v53 =	vor.u32 s20, v37  }
0x16f: {  	v55 =	vadd.s32 s20, v41;
	v59 =	vpop (erf);
	v6 =	vadd.f32 v57, v56  }
0x170: {  	v8 =	vmul.f32 v59, v8  }
0x171: {  	v58 =	vadd.s32 s20, v21;
	(erf) = vrcp.f32 v6;
	v18 =	vmul.f32 v29, v18  }
0x172: {  	v60 =	vadd.s32 s20, v22;
	v15 =	vmul.f32 v59, v15  }
0x173: {  	s29 =	sadd.s32 $0x10, s20;
	[tilespmem:v53+s13+$0x0] =	vst.idx.msk $0xffff, v8  }
0x174: {  	v62 =	vor.u32 s29, v37;
	v20 =	vmul.f32 v59, v16;
	[tilespmem:v55+s13+$0x0] =	vst.idx.msk $0xffff, v15  }
0x175: {  	v1 =	vmul.f32 v59, v1;
	[tilespmem:v61+s13+$0x0] =	vst.idx.msk $0xffff, v18;
	v18 =	vpop (erf)  }
0x176: {  	v63 =	vadd.s32 s29, v41;
	[tilespmem:v58+s13+$0x0] =	vst.idx.msk $0xffff, v20;
	v26 =	vpop (erf);
	v33 =	vmul.f32 v18, v45  }
0x177: {  	s20 =	sadd.s32 $0x20, s20;
	[tilespmem:v60+s13+$0x0] =	vst.idx.msk $0xffff, v1;
	v3 =	vmul.f32 v26, v3  }
0x178: {  	v34 =	vor.u32 s20, v37;
	v35 =	vmul.f32 v18, v44;
	[tilespmem:v24+s13+$0x0] =	vst.idx.msk $0xffff, v33  }
0x179: {  	v25 =	vadd.s32 s29, v21;
	v6 =	vmul.f32 v18, v40;
	v28 =	vmul.f32 v26, v2;
	[tilespmem:v62+s13+$0x0] =	vst.idx.msk $0xffff, v3  }
0x17a: {  	v30 =	vmul.f32 v26, v38;
	v38 =	vmul.f32 v18, v42;
	v40 =	vpop (erf);
	[tilespmem:v23+s13+$0x0] =	vst.idx.msk $0xffff, v35  }
0x17b: {  	v36 =	vadd.s32 s20, v41;
	v0 =	vmul.f32 v40, v50;
	[tilespmem:v63+s13+$0x0] =	vst.idx.msk $0xffff, v28  }
0x17c: {  	v27 =	vadd.s32 s29, v22;
	v29 =	vmul.f32 v26, v7;
	[tilespmem:v31+s13+$0x0] =	vst.idx.msk $0xffff, v38  }
0x17d: {  	v39 =	vadd.s32 s20, v21;
	[tilespmem:v34+s13+$0x0] =	vst.idx.msk $0xffff, v0  }
0x17e: {  	v42 =	vadd.s32 s20, v22;
	v5 =	vmul.f32 v40, v51;
	[tilespmem:v25+s13+$0x0] =	vst.idx.msk $0xffff, v29  }
0x17f: {  	[tilespmem:v32+s13+$0x0] =	vst.idx.msk $0xffff, v6  }
0x180: {  	v43 =	vmul.f32 v40, v52;
	[tilespmem:v36+s13+$0x0] =	vst.idx.msk $0xffff, v5  }
0x181: {  	v44 =	vmul.f32 v40, v54;
	[tilespmem:v27+s13+$0x0] =	vst.idx.msk $0xffff, v30  }
0x182: {  	[tilespmem:v39+s13+$0x0] =	vst.idx.msk $0xffff, v43  }
0x183: {  	[tilespmem:v42+s13+$0x0] =	vst.idx.msk $0xffff, v44  }
0x184: {  	v0 =	vld [tilespmem:$0xA7C0]  }
0x185: {  	v1 =	vld [tilespmem:$0xAFC0];
	_ =	sdelay $0x3  }
0x186: {  	v0 =	vshll.u32 v0, $0x2  }
0x187: {  	v1 =	vshll.u32 v1, $0x2  }
0x188: {  	v45 =	vor.u32 $0x1, v0  }
0x189: {  	v46 =	vor.u32 $0x1, v1  }
0x18a: {  	v47 =	vor.u32 $0x2, v0  }
0x18b: {  	v48 =	vor.u32 $0x2, v1;
	v5 =	vld.idx.msk [tilespmem:v0+s2+$0x0], $0xffff  }
0x18c: {  	v7 =	vld.idx.msk [tilespmem:v1+s2+$0x0], $0xffff;
	v0 =	vor.u32 $0x3, v0  }
0x18d: {  	v1 =	vor.u32 $0x3, v1;
	v2 =	vld.idx.msk [tilespmem:v45+s2+$0x0], $0xffff  }
0x18e: {  	v3 =	vld.idx.msk [tilespmem:v46+s2+$0x0], $0xffff  }
0x18f: {  	v4 =	vld.idx.msk [tilespmem:v47+s2+$0x0], $0xffff  }
0x190: {  	v6 =	vld.idx.msk [tilespmem:v48+s2+$0x0], $0xffff  }
0x191: {  	v0 =	vld.idx.msk [tilespmem:v0+s2+$0x0], $0xffff  }
0x192: {  	v1 =	vld.idx.msk [tilespmem:v1+s2+$0x0], $0xffff;
	_ =	sdelay $0x3  }
0x193: {  	v5 =	vmul.f32 v7, v5;
	v2 =	vmul.f32 v3, v2  }
0x194: {  	v49 =	vmul.f32 v6, v4;
	v0 =	vmul.f32 v1, v0;
	_ =	sdelay $0x1  }
0x195: {  	v50 =	vmax.f32 v5, v2;
	v4 =	vmax.f32 v49, v0  }
0x196: {  	v1 =	vmax.f32 v50, v4  }
0x197: {  	v4 =	vsub.f32 v5, v1  }
0x198: {  	v2 =	vsub.f32 v2, v1  }
0x199: {  	v3 =	vsub.f32 v49, v1;
	v4 =	vmul.f32 $1.442695020e+00, v4  }
0x19a: {  	v0 =	vsub.f32 v0, v1;
	v2 =	vmul.f32 $1.442695020e+00, v2  }
0x19b: {  	v51 =	vmul.f32 $1.442695020e+00, v3;
	(erf) = vpow2.f32 v4  }
0x19c: {  	v0 =	vmul.f32 $1.442695020e+00, v0;
	(erf) = vpow2.f32 v2  }
0x19d: {  	(erf) = vpow2.f32 v51  }
0x19e: {  	(erf) = vpow2.f32 v0;
	_ =	sdelay $0x5  }
0x19f: {  	v52 =	vpop (erf)  }
0x1a0: {  	v53 =	vpop (erf)  }
0x1a1: {  	v54 =	vpop (erf)  }
0x1a2: {  	v55 =	vpop (erf)  }
0x1a3: {  	v56 =	vadd.f32 v53, v52;
	v57 =	vadd.f32 v55, v54;
	_ =	sdelay $0x1  }
0x1a4: {  	v4 =	vadd.f32 v57, v56;
	_ =	sdelay $0x1  }
0x1a5: {  	(erf) = vrcp.f32 v4;
	_ =	sdelay $0x3  }
0x1a6: {  	v58 =	vld [tilespmem:$0x1FFB0]  }
0x1a7: {  	v60 =	vld [tilespmem:$0x1FFC0]  }
0x1a8: {  	v62 =	vld [tilespmem:$0x1FFD0]  }
0x1a9: {  	v63 =	vld [tilespmem:$0x1FFE0];
	_ =	sdelay $0x1  }
0x1aa: {  	v4 =	vpop (erf)  }
0x1ab: {  	v0 =	vmul.f32 v4, v52  }
0x1ac: {  	v1 =	vmul.f32 v4, v53  }
0x1ad: {  	v59 =	vmul.f32 v4, v54;
	[tilespmem:v58+s13+$0x0] =	vst.idx.msk $0xffff, v0  }
0x1ae: {  	s19 =	sadd.s32 s8, s19;
	v61 =	vmul.f32 v4, v55;
	[tilespmem:v60+s13+$0x0] =	vst.idx.msk $0xffff, v1  }
0x1af: {  	s19 =	sshrl.u32 s19, $0x3;
	[tilespmem:v62+s13+$0x0] =	vst.idx.msk $0xffff, v59  }
0x1b0: {  	s19 =	sadd.s32 s7, s19;
	[tilespmem:v63+s13+$0x0] =	vst.idx.msk $0xffff, v61  }
0x1b1: {  	[hbm4b:s19+s2] =	stream.linear.scatter [tilespmem:s13], [sflag:$0x1], $0x7D0, $0x38;
	[tilespmem:$0xCF80] =	vst v63  }
0x1b2: {  	_ =	swait.ge [sflag:s10], $0x7D0  }
0x1b3: {  	[sflag:s10] =	ssyncset.done $0x0  }
0x1b4: {  	s30 =	sadd.s32 $0x13880, s19;
	[sflag:s10] =	ssyncadd.s32 $0xFFFFF830  }
0x1b5: {  	[hbm4b:s30+s2] =	stream.linear.scatter [tilespmem:s14], [sflag:$0x1], $0x7D0, $0x38;
	[tilespmem:$0xCF80] =	vst v63  }
0x1b6: {  	_ =	swait.ge [sflag:s10], $0x7D0  }
0x1b7: {  	[sflag:s10] =	ssyncset.done $0x0  }
0x1b8: {  	s31 =	sadd.s32 $0x27100, s19;
	[sflag:s10] =	ssyncadd.s32 $0xFFFFF830  }
0x1b9: {  	[hbm4b:s31+s2] =	stream.linear.scatter [tilespmem:s15], [sflag:$0x1], $0x7D0, $0x38;
	[tilespmem:$0xCF80] =	vst v63  }
0x1ba: {  	_ =	swait.ge [sflag:s10], $0x7D0  }
0x1bb: {  	s18 =	sadd.s32 $0x1, s18;
	[sflag:s10] =	ssyncset.done $0x0  }
0x1bc: {  	p1 =	seq.s32 s18, $0xA;
	s19 =	sadd.s32 $0x3A980, s19;
	[sflag:s10] =	ssyncadd.s32 $0xFFFFF830  }
0x1bd: {  	[hbm4b:s19+s2] =	stream.linear.scatter [tilespmem:s16], [sflag:$0x1], $0x7D0, $0x38;
	[tilespmem:$0xCF80] =	vst v63  }
.Ltmp4:
0x1be: {  	_ = 	snop;
	(pc) =	sbr.rel @!p1 .LBB2_2-.Ltmp4, $4  }
.Ltmp5:
0x1bf: {  	_ = 	snop;
	(pc) =	sbr.rel @p1 .LBB2_8-.Ltmp5, $4  }
0x1c0: {  	_ =	swait.ge [sflag:s10], $0x7D0  }
0x1c1: {  	[sflag:s10] =	ssyncset.done $0x0  }
0x1c2: {  	[sflag:s10] =	ssyncadd.s32 $0xFFFFF830  }
0x1c3: {  	_ = 	snop  }
.LBB2_5:
0x1c4: {  	s18 =	smul.u32 $0x7D0, s19;
	_ =	sdelay $0x1  }
0x1c5: {  	s20 =	sadd.s32 s6, s18  }
0x1c6: {  	s20 =	sshrl.u32 s20, $0x3  }
0x1c7: {  	s21 =	simm.s32 $0x0;
	s20 =	sadd.s32 s5, s20  }
0x1c8: {  	[tilespmem:s11], [sflag:$0x1] =	stream.linear.gather [hbm4b:s20+s21], $0x7D0, $0x38;
	[tilespmem:$0xCF80] =	vst v63  }
0x1c9: {  	_ =	swait.ge [sflag:s10], $0x7D0  }
0x1ca: {  	[sflag:s10] =	ssyncset.done $0x0  }
0x1cb: {  	s20 =	sadd.s32 $0x9C40, s20;
	[sflag:s10] =	ssyncadd.s32 $0xFFFFF830  }
0x1cc: {  	[tilespmem:s12], [sflag:$0x1] =	stream.linear.gather [hbm4b:s20+s21], $0x7D0, $0x38;
	[tilespmem:$0xCF80] =	vst v63  }
0x1cd: {  	_ =	swait.ge [sflag:s10], $0x7D0  }
0x1ce: {  	[sflag:s10] =	ssyncset.done $0x0  }
0x1cf: {  	s31 =	simm.s32 $0xA020;
	[sflag:s10] =	ssyncadd.s32 $0xFFFFF830  }
0x1d0: {  	s22 =	simm.s32 $0xA820;
	v0 =	vld [tilespmem:s31+$0x10]  }
0x1d1: {  	v1 =	vld [tilespmem:s22+$0x10];
	_ =	sdelay $0x3  }
0x1d2: {  	v0 =	vshll.u32 v0, $0x2  }
0x1d3: {  	v2 =	vld [tilespmem:s22+$0xFFFFFFE0];
	v1 =	vshll.u32 v1, $0x2  }
0x1d4: {  	v3 =	vld [tilespmem:s31+$0xFFFFFFF0];
	v6 =	vor.u32 $0x1, v0  }
0x1d5: {  	v5 =	vld [tilespmem:s31+$0xFFFFFFE0];
	v8 =	vor.u32 $0x1, v1  }
0x1d6: {  	v7 =	vld [tilespmem:s31+$0x0];
	v10 =	vor.u32 $0x2, v0  }
0x1d7: {  	v12 =	vor.u32 $0x2, v1;
	v11 =	vld.idx.msk [tilespmem:v0+s2+$0x0], $0xffff  }
0x1d8: {  	v13 =	vld.idx.msk [tilespmem:v1+s2+$0x0], $0xffff;
	v0 =	vor.u32 $0x3, v0  }
0x1d9: {  	v1 =	vor.u32 $0x3, v1;
	v6 =	vld.idx.msk [tilespmem:v6+s2+$0x0], $0xffff  }
0x1da: {  	v8 =	vld.idx.msk [tilespmem:v8+s2+$0x0], $0xffff  }
0x1db: {  	v10 =	vld.idx.msk [tilespmem:v10+s2+$0x0], $0xffff  }
0x1dc: {  	v5 =	vshll.u32 v5, $0x2;
	v12 =	vld.idx.msk [tilespmem:v12+s2+$0x0], $0xffff  }
0x1dd: {  	v2 =	vshll.u32 v2, $0x2;
	v0 =	vld.idx.msk [tilespmem:v0+s2+$0x0], $0xffff  }
0x1de: {  	v3 =	vshll.u32 v3, $0x2;
	v1 =	vld.idx.msk [tilespmem:v1+s2+$0x0], $0xffff  }
0x1df: {  	v4 =	vld [tilespmem:s22+$0xFFFFFFF0];
	v54 =	vshll.u32 v7, $0x2;
	v19 =	vor.u32 $0x3, v2  }
0x1e0: {  	v9 =	vld [tilespmem:s22+$0x0];
	v14 =	vor.u32 $0x1, v5;
	v15 =	vor.u32 $0x1, v2;
	v20 =	vor.u32 $0x1, v3  }
0x1e1: {  	v16 =	vor.u32 $0x2, v5;
	v17 =	vor.u32 $0x2, v2;
	v18 =	vor.u32 $0x3, v5;
	v5 =	vld.idx.msk [tilespmem:v5+s2+$0x0], $0xffff  }
0x1e2: {  	v22 =	vor.u32 $0x2, v3;
	v2 =	vld.idx.msk [tilespmem:v2+s2+$0x0], $0xffff;
	v11 =	vmul.f32 v13, v11;
	v6 =	vmul.f32 v8, v6  }
0x1e3: {  	v7 =	vor.u32 $0x3, v3;
	v3 =	vld.idx.msk [tilespmem:v3+s2+$0x0], $0xffff;
	v10 =	vmul.f32 v12, v10;
	v0 =	vmul.f32 v1, v0  }
0x1e4: {  	v4 =	vshll.u32 v4, $0x2;
	v55 =	vld.idx.msk [tilespmem:v19+s2+$0x0], $0xffff  }
0x1e5: {  	v21 =	vor.u32 $0x1, v4;
	v19 =	vld.idx.msk [tilespmem:v20+s2+$0x0], $0xffff;
	v20 =	vmax.f32 v11, v6;
	v23 =	vmax.f32 v10, v0  }
0x1e6: {  	v14 =	vld.idx.msk [tilespmem:v14+s2+$0x0], $0xffff;
	v20 =	vmax.f32 v20, v23  }
0x1e7: {  	v16 =	vld.idx.msk [tilespmem:v16+s2+$0x0], $0xffff;
	v11 =	vsub.f32 v11, v20  }
0x1e8: {  	v9 =	vshll.u32 v9, $0x2;
	v53 =	vld.idx.msk [tilespmem:v18+s2+$0x0], $0xffff;
	v18 =	vor.u32 $0x3, v4;
	v6 =	vsub.f32 v6, v20  }
0x1e9: {  	v17 =	vld.idx.msk [tilespmem:v17+s2+$0x0], $0xffff;
	v8 =	vor.u32 $0x2, v4;
	v10 =	vsub.f32 v10, v20;
	v11 =	vmul.f32 $1.442695020e+00, v11  }
0x1ea: {  	v21 =	vld.idx.msk [tilespmem:v21+s2+$0x0], $0xffff;
	v23 =	vor.u32 $0x2, v54;
	v0 =	vsub.f32 v0, v20;
	v6 =	vmul.f32 $1.442695020e+00, v6  }
0x1eb: {  	v27 =	vor.u32 $0x3, v9;
	v22 =	vld.idx.msk [tilespmem:v22+s2+$0x0], $0xffff;
	v10 =	vmul.f32 $1.442695020e+00, v10;
	(erf) = vpow2.f32 v11  }
0x1ec: {  	v25 =	vor.u32 $0x2, v9;
	v7 =	vld.idx.msk [tilespmem:v7+s2+$0x0], $0xffff;
	v0 =	vmul.f32 $1.442695020e+00, v0;
	(erf) = vpow2.f32 v6  }
0x1ed: {  	v26 =	vor.u32 $0x3, v54;
	v18 =	vld.idx.msk [tilespmem:v18+s2+$0x0], $0xffff;
	(erf) = vpow2.f32 v10  }
0x1ee: {  	v8 =	vld.idx.msk [tilespmem:v8+s2+$0x0], $0xffff;
	(erf) = vpow2.f32 v0  }
0x1ef: {  	v24 =	vor.u32 $0x1, v54;
	v11 =	vld.idx.msk [tilespmem:v23+s2+$0x0], $0xffff  }
0x1f0: {  	v56 =	vor.u32 $0x1, v9;
	v23 =	vld.idx.msk [tilespmem:v27+s2+$0x0], $0xffff  }
0x1f1: {  	v6 =	vld.idx.msk [tilespmem:v25+s2+$0x0], $0xffff  }
0x1f2: {  	v10 =	vld.idx.msk [tilespmem:v26+s2+$0x0], $0xffff  }
0x1f3: {  	v4 =	vld.idx.msk [tilespmem:v4+s2+$0x0], $0xffff  }
0x1f4: {  	v2 =	vmul.f32 v2, v5;
	v20 =	vld.idx.msk [tilespmem:v24+s2+$0x0], $0xffff;
	v57 =	vpop (erf)  }
0x1f5: {  	v16 =	vmul.f32 v17, v16;
	v8 =	vmul.f32 v8, v22;
	v0 =	vld.idx.msk [tilespmem:v56+s2+$0x0], $0xffff;
	v22 =	vpop (erf)  }
0x1f6: {  	v15 =	vld.idx.msk [tilespmem:v15+s2+$0x0], $0xffff;
	v17 =	vmul.f32 v21, v19;
	v7 =	vmul.f32 v18, v7;
	v21 =	vpop (erf)  }
0x1f7: {  	v5 =	vmul.f32 v6, v11;
	v6 =	vmul.f32 v23, v10;
	v10 =	vpop (erf)  }
0x1f8: {  	v9 =	vld.idx.msk [tilespmem:v9+s2+$0x0], $0xffff;
	v3 =	vmul.f32 v4, v3;
	v11 =	vadd.f32 v22, v57;
	v19 =	vadd.f32 v10, v21  }
0x1f9: {  	s22 =	simm.s32 $0xA060;
	v1 =	vld.idx.msk [tilespmem:v54+s2+$0x0], $0xffff;
	v18 =	vmax.f32 v8, v7  }
0x1fa: {  	s23 =	simm.s32 $0xA860;
	v0 =	vmul.f32 v0, v20;
	v20 =	vld [tilespmem:s22+$0x10];
	v11 =	vadd.f32 v19, v11;
	v19 =	vmax.f32 v3, v17  }
0x1fb: {  	v12 =	vmul.f32 v55, v53;
	v14 =	vmul.f32 v15, v14;
	v58 =	vmax.f32 v19, v18;
	v18 =	vld [tilespmem:s23+$0x10];
	_ =	sdelay $0x1  }
0x1fc: {  	v15 =	vmax.f32 v16, v12;
	v23 =	vmax.f32 v2, v14  }
0x1fd: {  	v59 =	vld [tilespmem:s22+$0xFFFFFFF0];
	v15 =	vmax.f32 v23, v15;
	(erf) = vrcp.f32 v11  }
0x1fe: {  	v60 =	vld [tilespmem:s22+$0x0];
	v11 =	vsub.f32 v16, v15;
	v16 =	vsub.f32 v17, v58;
	v17 =	vshll.u32 v20, $0x2  }
0x1ff: {  	v1 =	vmul.f32 v9, v1;
	v26 =	vld [tilespmem:s23+$0x0];
	v2 =	vsub.f32 v2, v15;
	v18 =	vshll.u32 v18, $0x2  }
0x200: {  	s24 =	simm.s32 $0x30;
	v4 =	vmax.f32 v5, v6;
	v9 =	vsub.f32 v14, v15;
	v12 =	vsub.f32 v12, v15;
	v19 =	vld [tilespmem:s22+$0xFFFFFFE0]  }
0x201: {  	v15 =	vmax.f32 v1, v0;
	v20 =	vld [tilespmem:s23+$0xFFFFFFF0];
	v25 =	vmul.f32 $1.442695020e+00, v16;
	v16 =	vor.u32 s24, v37  }
0x202: {  	v4 =	vmax.f32 v15, v4;
	v15 =	vld [tilespmem:s23+$0xFFFFFFE0];
	[tilespmem:$0x1FCC0] =	vst v16  }
0x203: {  	v28 =	vld.idx.msk [tilespmem:v17+s2+$0x0], $0xffff  }
0x204: {  	v23 =	vor.u32 $0x1, v17;
	v16 =	vadd.s32 s24, v41;
	v30 =	vld.idx.msk [tilespmem:v18+s2+$0x0], $0xffff  }
0x205: {  	v24 =	vor.u32 $0x1, v18;
	[tilespmem:$0x1FCD0] =	vst v16;
	v16 =	vld [tilespmem:$0x1FF90];
	_ =	sdelay $0x3  }
0x206: {  	v33 =	vld.idx.msk [tilespmem:v23+s2+$0x0], $0xffff  }
0x207: {  	v24 =	vld.idx.msk [tilespmem:v24+s2+$0x0], $0xffff;
	v16 =	vadd.s32 s24, v16  }
0x208: {  	[tilespmem:$0x1FCE0] =	vst v16;
	v16 =	vld [tilespmem:$0x1FFA0]  }
0x209: {  	v27 =	vor.u32 $0x2, v17  }
0x20a: {  	v29 =	vor.u32 $0x2, v18  }
0x20b: {  	v31 =	vor.u32 $0x3, v17  }
0x20c: {  	v14 =	vshll.u32 v59, $0x2;
	v34 =	vor.u32 $0x3, v18  }
0x20d: {  	v40 =	vor.u32 $0x1, v14;
	v42 =	vor.u32 $0x2, v14;
	v16 =	vadd.s32 s24, v16  }
0x20e: {  	v44 =	vor.u32 $0x3, v14;
	v2 =	vmul.f32 $1.442695020e+00, v2;
	v9 =	vmul.f32 $1.442695020e+00, v9;
	v27 =	vld.idx.msk [tilespmem:v27+s2+$0x0], $0xffff;
	[tilespmem:$0x1FCF0] =	vst v16  }
0x20f: {  	v3 =	vsub.f32 v3, v58;
	v8 =	vsub.f32 v8, v58;
	v32 =	vshll.u32 v19, $0x2;
	v29 =	vld.idx.msk [tilespmem:v29+s2+$0x0], $0xffff  }
0x210: {  	v7 =	vsub.f32 v7, v58;
	v36 =	vor.u32 $0x1, v32;
	v15 =	vshll.u32 v15, $0x2;
	v31 =	vld.idx.msk [tilespmem:v31+s2+$0x0], $0xffff  }
0x211: {  	(erf) = vpow2.f32 v2;
	v1 =	vsub.f32 v1, v4;
	v61 =	vor.u32 $0x1, v15;
	v34 =	vld.idx.msk [tilespmem:v34+s2+$0x0], $0xffff  }
0x212: {  	v0 =	vsub.f32 v0, v4;
	v11 =	vmul.f32 $1.442695020e+00, v11;
	v62 =	vor.u32 $0x2, v32  }
0x213: {  	v5 =	vsub.f32 v5, v4;
	v4 =	vsub.f32 v6, v4;
	v38 =	vor.u32 $0x2, v15;
	v35 =	vpop (erf)  }
0x214: {  	v6 =	vmul.f32 $1.442695020e+00, v12;
	v19 =	vmul.f32 v35, v10;
	v10 =	vor.u32 $0x3, v32  }
0x215: {  	v63 =	vor.u32 $0x3, v15;
	v28 =	vmul.f32 v30, v28;
	v24 =	vmul.f32 v24, v33;
	v36 =	vld.idx.msk [tilespmem:v36+s2+$0x0], $0xffff  }
0x216: {  	v39 =	vshll.u32 v20, $0x2;
	v13 =	vld.idx.msk [tilespmem:v61+s2+$0x0], $0xffff;
	v27 =	vmul.f32 v29, v27;
	v29 =	vmul.f32 v34, v31  }
0x217: {  	v3 =	vmul.f32 $1.442695020e+00, v3;
	(erf) = vpow2.f32 v9;
	v52 =	vor.u32 $0x1, v39;
	v37 =	vld.idx.msk [tilespmem:v62+s2+$0x0], $0xffff  }
0x218: {  	(erf) = vpow2.f32 v11;
	v9 =	vmax.f32 v28, v24;
	v53 =	vld.idx.msk [tilespmem:v38+s2+$0x0], $0xffff;
	v31 =	vmax.f32 v27, v29  }
0x219: {  	v8 =	vmul.f32 $1.442695020e+00, v8;
	(erf) = vpow2.f32 v6;
	v10 =	vld.idx.msk [tilespmem:v10+s2+$0x0], $0xffff;
	v9 =	vmax.f32 v9, v31  }
0x21a: {  	v43 =	vor.u32 $0x2, v39;
	(erf) = vpow2.f32 v3;
	v30 =	vld.idx.msk [tilespmem:v63+s2+$0x0], $0xffff;
	v28 =	vsub.f32 v28, v9  }
0x21b: {  	v7 =	vmul.f32 $1.442695020e+00, v7;
	v12 =	vshll.u32 v60, $0x2;
	(erf) = vpow2.f32 v25;
	v50 =	vld.idx.msk [tilespmem:v40+s2+$0x0], $0xffff  }
0x21c: {  	v45 =	vor.u32 $0x3, v39;
	(erf) = vpow2.f32 v8;
	v11 =	vld.idx.msk [tilespmem:v52+s2+$0x0], $0xffff;
	v8 =	vmul.f32 $1.442695020e+00, v28  }
0x21d: {  	v26 =	vshll.u32 v26, $0x2;
	v46 =	vor.u32 $0x1, v12;
	(erf) = vpow2.f32 v7;
	v6 =	vld.idx.msk [tilespmem:v42+s2+$0x0], $0xffff  }
0x21e: {  	v47 =	vor.u32 $0x1, v26;
	(erf) = vpow2.f32 v8;
	v8 =	vld [tilespmem:$0x1FFF0]  }
0x21f: {  	v3 =	vld.idx.msk [tilespmem:v43+s2+$0x0], $0xffff  }
0x220: {  	s25 =	simm.s32 $0x10;
	v25 =	vld.idx.msk [tilespmem:v44+s2+$0x0], $0xffff;
	v2 =	vmul.f32 v53, v37;
	v37 =	vlaneseq.u32  }
0x221: {  	v23 =	vmul.f32 v35, v57;
	v56 =	vld.idx.msk [tilespmem:v45+s2+$0x0], $0xffff;
	v7 =	vor.u32 s25, v37;
	v24 =	vsub.f32 v24, v9  }
0x222: {  	v57 =	vld.idx.msk [tilespmem:v46+s2+$0x0], $0xffff;
	[tilespmem:$0x1FD40] =	vst v7;
	v27 =	vsub.f32 v27, v9;
	v9 =	vsub.f32 v29, v9  }
0x223: {  	v7 =	vld.idx.msk [tilespmem:v47+s2+$0x0], $0xffff;
	v8 =	vadd.s32 s25, v8  }
0x224: {  	v54 =	vor.u32 $0x2, v12;
	[tilespmem:$0x1FD50] =	vst v8;
	v8 =	vmul.f32 $1.442695020e+00, v9;
	v9 =	vld [tilespmem:$0x1FF90];
	_ =	sdelay $0x4  }
0x225: {  	v24 =	vmul.f32 $1.442695020e+00, v24;
	v38 =	vld.idx.msk [tilespmem:v54+s2+$0x0], $0xffff;
	v9 =	vadd.s32 s25, v9  }
0x226: {  	v27 =	vmul.f32 $1.442695020e+00, v27;
	[tilespmem:$0x1FD60] =	vst v9;
	v9 =	vld [tilespmem:$0x1FFA0]  }
0x227: {  	v48 =	vor.u32 $0x2, v26;
	v28 =	vpop (erf);
	(erf) = vpow2.f32 v24  }
0x228: {  	v43 =	vmul.f32 v30, v10;
	v30 =	vpop (erf);
	(erf) = vpow2.f32 v27  }
0x229: {  	v55 =	vor.u32 $0x3, v12;
	v31 =	vpop (erf);
	(erf) = vpow2.f32 v8;
	v8 =	vld [tilespmem:$0x1FFF0];
	_ =	sdelay $0x1  }
0x22a: {  	s26 =	simm.s32 $0x20;
	v9 =	vadd.s32 s25, v9  }
0x22b: {  	v58 =	vld.idx.msk [tilespmem:v48+s2+$0x0], $0xffff;
	[tilespmem:$0x1FD70] =	vst v9;
	v9 =	vor.u32 s26, v37  }
0x22c: {  	v49 =	vor.u32 $0x3, v26;
	[tilespmem:$0x1FC40] =	vst v9  }
0x22d: {  	v8 =	vadd.s32 s26, v8;
	v27 =	vld.idx.msk [tilespmem:v55+s2+$0x0], $0xffff  }
0x22e: {  	[tilespmem:$0x1FC50] =	vst v8;
	v8 =	vld [tilespmem:$0x1FF90];
	_ =	sdelay $0x2  }
0x22f: {  	v59 =	vld.idx.msk [tilespmem:v49+s2+$0x0], $0xffff  }
0x230: {  	v3 =	vmul.f32 v3, v6;
	v6 =	vld.idx.msk [tilespmem:v32+s2+$0x0], $0xffff  }
0x231: {  	v62 =	vld.idx.msk [tilespmem:v15+s2+$0x0], $0xffff;
	v8 =	vadd.s32 s26, v8  }
0x232: {  	[tilespmem:$0x1FC60] =	vst v8;
	v8 =	vld [tilespmem:$0x1FFA0];
	_ =	sdelay $0x2  }
0x233: {  	v1 =	vmul.f32 $1.442695020e+00, v1  }
0x234: {  	v0 =	vmul.f32 $1.442695020e+00, v0;
	v5 =	vmul.f32 $1.442695020e+00, v5  }
0x235: {  	v4 =	vmul.f32 $1.442695020e+00, v4;
	v22 =	vmul.f32 v35, v22;
	v40 =	vpop (erf);
	v8 =	vadd.s32 s26, v8  }
0x236: {  	v13 =	vmul.f32 v13, v36;
	v24 =	vpop (erf);
	(erf) = vpow2.f32 v1;
	[tilespmem:$0x1FC70] =	vst v8  }
0x237: {  	v41 =	vmul.f32 v56, v25;
	v25 =	vpop (erf);
	(erf) = vpow2.f32 v0;
	v63 =	vld.idx.msk [tilespmem:v14+s2+$0x0], $0xffff  }
0x238: {  	s28 =	simm.s32 $0xA0A0;
	v60 =	vadd.f32 v30, v28;
	v61 =	vadd.f32 v40, v31;
	v36 =	vpop (erf);
	(erf) = vpow2.f32 v5;
	v5 =	vld.idx.msk [tilespmem:v39+s2+$0x0], $0xffff  }
0x239: {  	s20 =	simm.s32 $0xA8A0;
	v21 =	vmul.f32 v35, v21;
	v7 =	vmul.f32 v7, v57;
	v35 =	vpop (erf);
	v57 =	vld [tilespmem:s28+$0x10]  }
0x23a: {  	v53 =	vadd.f32 v61, v60;
	v48 =	vpop (erf);
	v51 =	vld [tilespmem:s20+$0x10]  }
0x23b: {  	v45 =	vmax.f32 v2, v43;
	(erf) = vpow2.f32 v4;
	v46 =	vpop (erf)  }
0x23c: {  	v47 =	vmul.f32 v11, v50;
	v54 =	vadd.f32 v25, v24;
	(erf) = vrcp.f32 v53;
	v49 =	vpop (erf)  }
0x23d: {  	v52 =	vadd.f32 v46, v48;
	v55 =	vadd.f32 v35, v36;
	v15 =	vmax.f32 v3, v41;
	v50 =	vpop (erf);
	v4 =	vld.idx.msk [tilespmem:v12+s2+$0x0], $0xffff  }
0x23e: {  	v53 =	vadd.f32 v50, v49;
	v44 =	vmul.f32 v59, v27;
	v56 =	vld.idx.msk [tilespmem:v26+s2+$0x0], $0xffff;
	v14 =	vshll.u32 v57, $0x2  }
0x23f: {  	v12 =	vadd.f32 v55, v54;
	v0 =	vmul.f32 v5, v63;
	v5 =	vld [tilespmem:$0x1FFA0];
	v61 =	vshll.u32 v51, $0x2  }
0x240: {  	v9 =	vld [tilespmem:$0x1FF90];
	v1 =	vmul.f32 v62, v6;
	v59 =	vadd.f32 v53, v52;
	v63 =	vor.u32 $0x1, v14  }
0x241: {  	v39 =	vmul.f32 v58, v38;
	v32 =	vld [tilespmem:s20+$0xFFFFFFE0];
	(erf) = vrcp.f32 v12;
	v33 =	vor.u32 $0x1, v61  }
0x242: {  	v58 =	vmax.f32 v1, v13;
	v54 =	vld [tilespmem:s28+$0xFFFFFFE0];
	(erf) = vrcp.f32 v59;
	v55 =	vor.u32 $0x2, v14  }
0x243: {  	v4 =	vmul.f32 v56, v4;
	v57 =	vor.u32 $0x2, v61;
	v59 =	vor.u32 $0x3, v14;
	v56 =	vld.idx.msk [tilespmem:v14+s2+$0x0], $0xffff  }
0x244: {  	v60 =	vmax.f32 v0, v47;
	v38 =	vadd.s32 s21, v5;
	v5 =	vmax.f32 v58, v45;
	v58 =	vld.idx.msk [tilespmem:v61+s2+$0x0], $0xffff  }
0x245: {  	v45 =	vmax.f32 v60, v15;
	v60 =	vor.u32 $0x3, v61;
	v52 =	vld.idx.msk [tilespmem:v63+s2+$0x0], $0xffff  }
0x246: {  	v53 =	vld.idx.msk [tilespmem:v33+s2+$0x0], $0xffff  }
0x247: {  	v42 =	vshll.u32 v54, $0x2;
	v1 =	vsub.f32 v1, v5;
	v54 =	vld.idx.msk [tilespmem:v55+s2+$0x0], $0xffff  }
0x248: {  	v34 =	vadd.s32 s21, v9;
	v62 =	vsub.f32 v13, v5;
	v57 =	vld.idx.msk [tilespmem:v57+s2+$0x0], $0xffff  }
0x249: {  	v10 =	vpop (erf);
	v9 =	vshll.u32 v32, $0x2;
	v32 =	vor.u32 $0x1, v42;
	v59 =	vld.idx.msk [tilespmem:v59+s2+$0x0], $0xffff;
	v1 =	vmul.f32 $1.442695020e+00, v1  }
0x24a: {  	v11 =	vpop (erf);
	v63 =	vor.u32 $0x1, v9;
	v51 =	vmul.f32 $1.442695020e+00, v62;
	v33 =	vld.idx.msk [tilespmem:v60+s2+$0x0], $0xffff  }
0x24b: {  	v13 =	vpop (erf);
	(erf) = vpow2.f32 v1;
	v1 =	vld [tilespmem:s28+$0xFFFFFFF0]  }
0x24c: {  	v6 =	vmax.f32 v39, v44;
	v15 =	vmax.f32 v4, v7;
	v12 =	vpop (erf);
	(erf) = vpow2.f32 v51;
	v51 =	vld [tilespmem:s20+$0xFFFFFFF0];
	[tilespmem:$0x1FC80] =	vst v10  }
0x24d: {  	v2 =	vsub.f32 v2, v5;
	v6 =	vmax.f32 v15, v6;
	v55 =	vor.u32 $0x2, v9;
	v61 =	vpop (erf);
	[tilespmem:$0x1FC90] =	vst v11  }
0x24e: {  	v5 =	vsub.f32 v43, v5;
	v62 =	vsub.f32 v39, v6;
	v39 =	vpop (erf);
	v60 =	vor.u32 $0x2, v42;
	v43 =	vld.idx.msk [tilespmem:v32+s2+$0x0], $0xffff  }
0x24f: {  	v27 =	vmul.f32 v61, v30;
	v14 =	vpop (erf);
	v63 =	vld.idx.msk [tilespmem:v63+s2+$0x0], $0xffff  }
0x250: {  	v48 =	vmul.f32 v14, v48;
	v52 =	vmul.f32 v53, v52;
	v53 =	vld [tilespmem:s28+$0x0];
	[tilespmem:$0x1FCA0] =	vst v12  }
0x251: {  	v18 =	vsub.f32 v44, v6;
	v44 =	vmul.f32 v14, v46;
	v49 =	vmul.f32 v14, v49;
	[tilespmem:$0x1FCB0] =	vst v13  }
0x252: {  	v50 =	vmul.f32 v14, v50;
	v14 =	vadd.f32 v11, v10;
	v13 =	vadd.f32 v12, v13;
	v30 =	vld.idx.msk [tilespmem:v55+s2+$0x0], $0xffff  }
0x253: {  	v60 =	vld.idx.msk [tilespmem:v60+s2+$0x0], $0xffff  }
0x254: {  	v59 =	vmul.f32 v33, v59;
	v33 =	vadd.f32 v13, v14;
	v14 =	vld [tilespmem:s20+$0x0];
	_ =	sdelay $0x2  }
0x255: {  	v28 =	vmul.f32 v61, v28  }
0x256: {  	v55 =	vmul.f32 v61, v31;
	v61 =	vmul.f32 v61, v40  }
0x257: {  	v40 =	vmul.f32 v63, v43;
	v43 =	vmul.f32 v30, v60;
	v60 =	vshll.u32 v14, $0x2;
	v14 =	vld [tilespmem:$0x1FCC0];
	_ =	sdelay $0x1  }
0x258: {  	v1 =	vshll.u32 v1, $0x2  }
0x259: {  	v12 =	vor.u32 $0x1, v1;
	_ =	sdelay $0x1  }
0x25a: {  	v8 =	vld [tilespmem:$0x1FFF0];
	v0 =	vsub.f32 v0, v45;
	v47 =	vsub.f32 v47, v45  }
0x25b: {  	v3 =	vsub.f32 v3, v45;
	v45 =	vsub.f32 v41, v45;
	v41 =	vld [tilespmem:$0x1FFF0]  }
0x25c: {  	v56 =	vmul.f32 v58, v56;
	v58 =	vor.u32 $0x3, v42;
	v13 =	vld [tilespmem:$0x1FF90]  }
0x25d: {  	v16 =	vsub.f32 v7, v6;
	v7 =	vld.idx.msk [tilespmem:v12+s2+$0x0], $0xffff;
	[tilespmem:v14+s13+$0x0] =	vst.idx.msk $0xffff, v23  }
0x25e: {  	v12 =	vld [tilespmem:$0x1FCD0]  }
0x25f: {  	v2 =	vmul.f32 $1.442695020e+00, v2;
	v54 =	vmul.f32 v57, v54;
	_ =	sdelay $0x1  }
0x260: {  	(erf) = vpow2.f32 v2;
	v31 =	vld.idx.msk [tilespmem:v58+s2+$0x0], $0xffff;
	v63 =	vmax.f32 v56, v52;
	v2 =	vmax.f32 v54, v59  }
0x261: {  	v58 =	vmax.f32 v63, v2;
	v2 =	vld [tilespmem:$0x1FFA0];
	_ =	sdelay $0x3  }
0x262: {  	s29 =	simm.s32 $0x70;
	[tilespmem:v12+s13+$0x0] =	vst.idx.msk $0xffff, v22  }
0x263: {  	v23 =	vsub.f32 v54, v58;
	v54 =	vadd.s32 s29, v2;
	v2 =	vld [tilespmem:$0x1FCE0];
	_ =	sdelay $0x2  }
0x264: {  	v57 =	vor.u32 $0x3, v9;
	_ =	sdelay $0x2  }
0x265: {  	v5 =	vmul.f32 $1.442695020e+00, v5  }
0x266: {  	v0 =	vmul.f32 $1.442695020e+00, v0  }
0x267: {  	v47 =	vmul.f32 $1.442695020e+00, v47;
	(erf) = vpow2.f32 v5;
	v57 =	vld.idx.msk [tilespmem:v57+s2+$0x0], $0xffff;
	[tilespmem:v2+s13+$0x0] =	vst.idx.msk $0xffff, v21  }
0x268: {  	v3 =	vmul.f32 $1.442695020e+00, v3;
	(erf) = vpow2.f32 v0;
	v10 =	vld [tilespmem:$0x1FCF0]  }
0x269: {  	(erf) = vpow2.f32 v47;
	v51 =	vshll.u32 v51, $0x2;
	v47 =	vor.u32 $0x2, v1  }
0x26a: {  	(erf) = vpow2.f32 v3;
	v3 =	vor.u32 $0x2, v51  }
0x26b: {  	v30 =	vor.u32 $0x1, v51  }
0x26c: {  	v46 =	vmul.f32 v57, v31;
	v31 =	vor.u32 $0x3, v1  }
0x26d: {  	v17 =	vor.u32 s29, v37;
	v4 =	vsub.f32 v4, v6  }
0x26e: {  	v47 =	vld.idx.msk [tilespmem:v47+s2+$0x0], $0xffff  }
0x26f: {  	s30 =	simm.s32 $0x50;
	v32 =	vmul.f32 $1.442695020e+00, v4;
	v53 =	vshll.u32 v53, $0x2;
	v0 =	vor.u32 $0x3, v51;
	v4 =	vld.idx.msk [tilespmem:v3+s2+$0x0], $0xffff  }
0x270: {  	v63 =	vadd.s32 s29, v41;
	v6 =	vld.idx.msk [tilespmem:v30+s2+$0x0], $0xffff;
	v30 =	vor.u32 $0x1, v53;
	[tilespmem:v10+s13+$0x0] =	vst.idx.msk $0xffff, v19;
	v10 =	vor.u32 s30, v37  }
0x271: {  	v20 =	vmul.f32 $1.442695020e+00, v18;
	v18 =	vld.idx.msk [tilespmem:v31+s2+$0x0], $0xffff;
	[tilespmem:$0x1FD00] =	vst v10  }
0x272: {  	v22 =	vor.u32 $0x1, v60;
	v10 =	vadd.s32 s30, v41;
	[tilespmem:v17+s13+$0x0] =	vst.idx.msk $0xffff, v48  }
0x273: {  	v45 =	vmul.f32 $1.442695020e+00, v45;
	v57 =	vadd.s32 s29, v13;
	v14 =	vor.u32 $0x2, v60;
	[tilespmem:$0x1FD10] =	vst v10  }
0x274: {  	v0 =	vld.idx.msk [tilespmem:v0+s2+$0x0], $0xffff  }
0x275: {  	(erf) = vpow2.f32 v45;
	v56 =	vsub.f32 v56, v58;
	[tilespmem:v63+s13+$0x0] =	vst.idx.msk $0xffff, v44;
	v45 =	vld.idx.msk [tilespmem:v30+s2+$0x0], $0xffff  }
0x276: {  	v10 =	vld [tilespmem:$0x1FF90]  }
0x277: {  	v26 =	vor.u32 s21, v37;
	v3 =	vor.u32 $0x3, v53;
	v21 =	vmul.f32 $1.442695020e+00, v56;
	v48 =	vld.idx.msk [tilespmem:v22+s2+$0x0], $0xffff  }
0x278: {  	v13 =	vor.u32 $0x2, v53;
	v2 =	vld.idx.msk [tilespmem:v14+s2+$0x0], $0xffff;
	[tilespmem:v57+s13+$0x0] =	vst.idx.msk $0xffff, v49  }
0x279: {  	(erf) = vpow2.f32 v21;
	v21 =	vld [tilespmem:$0x1FF90]  }
0x27a: {  	v8 =	vadd.s32 s21, v8;
	v30 =	vpop (erf);
	v22 =	vld [tilespmem:$0x1FFA0]  }
0x27b: {  	v63 =	vpop (erf);
	v17 =	vadd.s32 s30, v10;
	v10 =	vld [tilespmem:$0x1FFA0];
	[tilespmem:v54+s13+$0x0] =	vst.idx.msk $0xffff, v50  }
0x27c: {  	v52 =	vsub.f32 v52, v58;
	v3 =	vld.idx.msk [tilespmem:v3+s2+$0x0], $0xffff;
	v11 =	vpop (erf);
	[tilespmem:v26+s13+$0x0] =	vst.idx.msk $0xffff, v28  }
0x27d: {  	v50 =	vld.idx.msk [tilespmem:v13+s2+$0x0], $0xffff;
	v54 =	vpop (erf);
	[tilespmem:$0x1FD20] =	vst v11  }
0x27e: {  	v31 =	vmul.f32 $1.442695020e+00, v52;
	v58 =	vsub.f32 v59, v58;
	[tilespmem:$0x1FD30] =	vst v54  }
0x27f: {  	v29 =	vmul.f32 $1.442695020e+00, v16;
	v52 =	vmul.f32 $1.442695020e+00, v23;
	[tilespmem:v8+s13+$0x0] =	vst.idx.msk $0xffff, v27  }
0x280: {  	(erf) = vpow2.f32 v31;
	v31 =	vmul.f32 $1.442695020e+00, v58;
	[tilespmem:v34+s13+$0x0] =	vst.idx.msk $0xffff, v55  }
0x281: {  	v62 =	vmul.f32 $1.442695020e+00, v62;
	(erf) = vpow2.f32 v52;
	[tilespmem:v38+s13+$0x0] =	vst.idx.msk $0xffff, v61  }
0x282: {  	v58 =	vmul.f32 v4, v47;
	(erf) = vpow2.f32 v31;
	v4 =	vadd.f32 v54, v11;
	v11 =	vld [tilespmem:$0x1FD40]  }
0x283: {  	v6 =	vmul.f32 v6, v7;
	v7 =	vadd.f32 v63, v30;
	(erf) = vpow2.f32 v32;
	v28 =	vpop (erf)  }
0x284: {  	(erf) = vpow2.f32 v29;
	v27 =	vpop (erf)  }
0x285: {  	v56 =	vmul.f32 v39, v25;
	v4 =	vadd.f32 v4, v7;
	v25 =	vpop (erf);
	(erf) = vpow2.f32 v62  }
0x286: {  	(erf) = vpow2.f32 v20;
	v26 =	vpop (erf)  }
0x287: {  	v62 =	vadd.f32 v27, v28;
	(erf) = vrcp.f32 v4;
	v4 =	vadd.f32 v26, v25  }
0x288: {  	v44 =	vmul.f32 v39, v24  }
0x289: {  	v54 =	vmul.f32 v48, v45;
	v48 =	vmul.f32 v2, v50;
	v50 =	vpop (erf);
	v4 =	vadd.f32 v4, v62  }
0x28a: {  	v12 =	vld.idx.msk [tilespmem:v51+s2+$0x0], $0xffff;
	v51 =	vpop (erf);
	(erf) = vrcp.f32 v33;
	[tilespmem:v11+s13+$0x0] =	vst.idx.msk $0xffff, v44  }
0x28b: {  	v52 =	vpop (erf);
	(erf) = vrcp.f32 v4;
	v4 =	vld [tilespmem:$0x1FD50];
	_ =	sdelay $0x4  }
0x28c: {  	v5 =	vor.u32 $0x3, v60;
	_ =	sdelay $0x2  }
0x28d: {  	[tilespmem:v4+s13+$0x0] =	vst.idx.msk $0xffff, v56  }
0x28e: {  	v4 =	vld [tilespmem:$0x1FD60]  }
0x28f: {  	v5 =	vld.idx.msk [tilespmem:v5+s2+$0x0], $0xffff  }
0x290: {  	v8 =	vld.idx.msk [tilespmem:v42+s2+$0x0], $0xffff  }
0x291: {  	v1 =	vld.idx.msk [tilespmem:v1+s2+$0x0], $0xffff  }
0x292: {  	s31 =	simm.s32 $0x60;
	v7 =	vld.idx.msk [tilespmem:v9+s2+$0x0], $0xffff  }
0x293: {  	v23 =	vadd.s32 s31, v41;
	v24 =	vor.u32 s31, v37;
	v0 =	vmul.f32 v0, v18;
	v14 =	vld.idx.msk [tilespmem:v53+s2+$0x0], $0xffff  }
0x294: {  	s21 =	simm.s32 $0x40;
	v57 =	vmax.f32 v43, v46;
	v13 =	vmul.f32 v39, v35;
	v29 =	vmul.f32 v39, v36;
	v59 =	vld.idx.msk [tilespmem:v60+s2+$0x0], $0xffff  }
0x295: {  	v35 =	vor.u32 s21, v37;
	v31 =	vadd.s32 s31, v21;
	v32 =	vadd.s32 s31, v22  }
0x296: {  	v36 =	vadd.s32 s21, v41;
	v9 =	vmax.f32 v58, v0;
	v1 =	vmul.f32 v12, v1;
	[tilespmem:v4+s13+$0x0] =	vst.idx.msk $0xffff, v29  }
0x297: {  	v34 =	vadd.s32 s21, v22;
	v49 =	vmul.f32 v5, v3;
	v3 =	vmul.f32 v7, v8;
	v53 =	vpop (erf);
	v62 =	vld [tilespmem:$0x1FD70]  }
0x298: {  	v7 =	vadd.f32 v51, v50;
	v60 =	vadd.f32 v53, v52;
	v61 =	vmax.f32 v1, v6  }
0x299: {  	v10 =	vadd.s32 s30, v10;
	v38 =	vmul.f32 v59, v14;
	v2 =	vmax.f32 v61, v9  }
0x29a: {  	v45 =	vpop (erf);
	v8 =	vmax.f32 v3, v40;
	v7 =	vadd.f32 v60, v7;
	v59 =	vsub.f32 v1, v2  }
0x29b: {  	v8 =	vmax.f32 v8, v57;
	v58 =	vsub.f32 v58, v2;
	v55 =	vsub.f32 v0, v2;
	v44 =	vpop (erf)  }
0x29c: {  	v33 =	vadd.s32 s21, v21;
	v3 =	vsub.f32 v3, v8;
	v60 =	vsub.f32 v43, v8;
	v42 =	vpop (erf)  }
0x29d: {  	v5 =	vmax.f32 v48, v49;
	v43 =	vsub.f32 v46, v8;
	v4 =	vsub.f32 v40, v8;
	v40 =	vpop (erf)  }
0x29e: {  	(erf) = vrcp.f32 v7;
	v7 =	vmax.f32 v38, v54;
	v47 =	vadd.f32 v44, v45;
	v46 =	vpop (erf)  }
0x29f: {  	s22 =	simm.s32 $0x8;
	s23 =	simm.s32 $0xA0E0;
	v39 =	vmax.f32 v7, v5;
	v57 =	vmul.f32 $1.442695020e+00, v3;
	v56 =	vsub.f32 v6, v2;
	v29 =	vpop (erf);
	[tilespmem:v62+s13+$0x0] =	vst.idx.msk $0xffff, v13  }
.LBB2_6:
0x2a0: {  	v3 =	vmov v10  }
0x2a1: {  	v9 =	vmov v24;
	[tilespmem:$0x1FBF0] =	vst v3;
	v3 =	vld [tilespmem:$0x1FC40]  }
0x2a2: {  	[tilespmem:$0x1FC40] =	vst v9;
	v9 =	vld [tilespmem:$0x1FC50];
	_ =	sdelay $0x4  }
0x2a3: {  	v6 =	vmov v9;
	v9 =	vmov v23  }
0x2a4: {  	v1 =	vsub.f32 v38, v39;
	[tilespmem:$0x1FC50] =	vst v9;
	v9 =	vld [tilespmem:$0x1FC60]  }
0x2a5: {  	v0 =	vld [tilespmem:s23+$0x10]  }
0x2a6: {  	s20 =	sadd.s32 $0x40, s20;
	s21 =	sadd.s32 $0x40, s21;
	v24 =	vld [tilespmem:s23+$0xFFFFFFF0];
	v1 =	vmul.f32 $1.442695020e+00, v1  }
0x2a7: {  	[tilespmem:$0x1FBC0] =	vst v34;
	v4 =	vmul.f32 $1.442695020e+00, v4;
	v2 =	vsub.f32 v54, v39;
	v34 =	vmov v30;
	v30 =	vld [tilespmem:s20+$0xFFFFFFE0];
	s26 =	sadd.s32 $0x30, s21  }
0x2a8: {  	v54 =	vmov v28;
	v28 =	vsub.f32 v48, v39;
	v48 =	vpop (erf);
	[tilespmem:$0x1FBD0] =	vst v1;
	v1 =	vadd.s32 s26, v41;
	v41 =	vld [tilespmem:$0x1FC80]  }
0x2a9: {  	v7 =	vsub.f32 v49, v39;
	v49 =	vmovc v27;
	v5 =	vmovc v3;
	v3 =	vld [tilespmem:s20+$0x10];
	[tilespmem:$0x1FC10] =	vst v6;
	v6 =	vmov v9;
	v9 =	vmov v31  }
0x2aa: {  	v27 =	vmul.f32 $1.442695020e+00, v43;
	v62 =	vpop (erf);
	(erf) = vpow2.f32 v57;
	v39 =	vor.u32 s26, v37;
	[tilespmem:$0x1FC60] =	vst v9;
	v9 =	vld [tilespmem:$0x1FC70]  }
0x2ab: {  	v12 =	vmovc v32;
	v32 =	vld [tilespmem:s23+$0xFFFFFFE0];
	v10 =	vmul.f32 v62, v50;
	v43 =	vmul.f32 v62, v51;
	v0 =	vshll.u32 v0, $0x2  }
0x2ac: {  	v23 =	vld [tilespmem:s20+$0xFFFFFFF0];
	v50 =	vshll.u32 v30, $0x2;
	[tilespmem:$0x1FC00] =	vst v5;
	v5 =	vmul.f32 $1.442695020e+00, v60;
	v60 =	vmul.f32 $1.442695020e+00, v59  }
0x2ad: {  	v59 =	vmul.f32 $1.442695020e+00, v58;
	v58 =	vmul.f32 $1.442695020e+00, v55;
	v31 =	vld [tilespmem:s23+$0x0];
	[tilespmem:$0x1FC70] =	vst v12;
	v12 =	vor.u32 $0x1, v50  }
0x2ae: {  	v55 =	vmul.f32 $1.442695020e+00, v2;
	v2 =	vadd.s32 s26, v21;
	[tilespmem:$0x1FC20] =	vst v6;
	v6 =	vmovc v41;
	v41 =	vmul.f32 v62, v53;
	v53 =	vld [tilespmem:$0x1FCB0]  }
0x2af: {  	v11 =	vadd.s32 s26, v22;
	(erf) = vpow2.f32 v4;
	[tilespmem:v39+s13+$0x0] =	vst.idx.msk $0xffff, v10;
	v3 =	vshll.u32 v3, $0x2;
	v13 =	vmovc v9;
	v9 =	vld [tilespmem:s20+$0x0]  }
0x2b0: {  	v61 =	vmul.f32 $1.442695020e+00, v56;
	v56 =	vmovc v42;
	v30 =	vor.u32 $0x1, v0;
	[tilespmem:v1+s13+$0x0] =	vst.idx.msk $0xffff, v43;
	(erf) = vpow2.f32 v5;
	v5 =	vld [tilespmem:$0x1FD20]  }
0x2b1: {  	v51 =	vshll.u32 v24, $0x2;
	v10 =	vmul.f32 v62, v52;
	v24 =	vor.u32 $0x1, v3;
	[tilespmem:$0x1FCB0] =	vst v56;
	v62 =	vld [tilespmem:$0x1FCA0]  }
0x2b2: {  	v52 =	vshll.u32 v23, $0x2;
	v23 =	vor.u32 $0x2, v0;
	v12 =	vld.idx.msk [tilespmem:v12+s2+$0x0], $0xffff;
	[tilespmem:$0x1FC30] =	vst v13  }
0x2b3: {  	v39 =	vmovc v44;
	v13 =	vor.u32 $0x2, v3;
	v44 =	vmov v53;
	v53 =	vshll.u32 v31, $0x2;
	v31 =	vld.idx.msk [tilespmem:v0+s2+$0x0], $0xffff;
	[tilespmem:v2+s13+$0x0] =	vst.idx.msk $0xffff, v10  }
0x2b4: {  	v0 =	vor.u32 $0x3, v0;
	v56 =	vshll.u32 v9, $0x2;
	v9 =	vld.idx.msk [tilespmem:v3+s2+$0x0], $0xffff;
	[tilespmem:v11+s13+$0x0] =	vst.idx.msk $0xffff, v41  }
0x2b5: {  	v2 =	vor.u32 $0x2, v50;
	v10 =	vld.idx.msk [tilespmem:v30+s2+$0x0], $0xffff  }
0x2b6: {  	v43 =	vmovc v62;
	v62 =	vshll.u32 v32, $0x2;
	v3 =	vor.u32 $0x3, v3;
	v11 =	vmov v40;
	v24 =	vld.idx.msk [tilespmem:v24+s2+$0x0], $0xffff  }
0x2b7: {  	[tilespmem:$0x1FCA0] =	vst v11;
	v11 =	vor.u32 $0x1, v62;
	v23 =	vld.idx.msk [tilespmem:v23+s2+$0x0], $0xffff  }
0x2b8: {  	v30 =	vor.u32 $0x2, v62;
	v13 =	vld.idx.msk [tilespmem:v13+s2+$0x0], $0xffff  }
0x2b9: {  	v32 =	vor.u32 $0x3, v62;
	v0 =	vld.idx.msk [tilespmem:v0+s2+$0x0], $0xffff  }
0x2ba: {  	v57 =	vmul.f32 v46, v34;
	v34 =	vmov v25;
	v1 =	vor.u32 $0x3, v50;
	v25 =	vld.idx.msk [tilespmem:v2+s2+$0x0], $0xffff  }
0x2bb: {  	v3 =	vld.idx.msk [tilespmem:v3+s2+$0x0], $0xffff  }
0x2bc: {  	v11 =	vld.idx.msk [tilespmem:v11+s2+$0x0], $0xffff  }
0x2bd: {  	v30 =	vld.idx.msk [tilespmem:v30+s2+$0x0], $0xffff;
	[tilespmem:v35+s13+$0x0] =	vst.idx.msk $0xffff, v57  }
0x2be: {  	v4 =	vmul.f32 v46, v63;
	v32 =	vld.idx.msk [tilespmem:v32+s2+$0x0], $0xffff  }
0x2bf: {  	v8 =	vadd.f32 v40, v42;
	v40 =	vor.u32 $0x1, v51;
	v1 =	vld.idx.msk [tilespmem:v1+s2+$0x0], $0xffff  }
0x2c0: {  	[tilespmem:v36+s13+$0x0] =	vst.idx.msk $0xffff, v4;
	v4 =	vld [tilespmem:$0x1FD30]  }
0x2c1: {  	v9 =	vmul.f32 v9, v31;
	v31 =	vmul.f32 v24, v10  }
0x2c2: {  	v13 =	vmul.f32 v13, v23;
	v0 =	vmul.f32 v3, v0  }
0x2c3: {  	v63 =	vld [tilespmem:$0x1FF90];
	(erf) = vpow2.f32 v27  }
0x2c4: {  	v5 =	vmul.f32 v46, v5;
	v36 =	vmax.f32 v9, v31;
	v3 =	vld.idx.msk [tilespmem:v40+s2+$0x0], $0xffff;
	v40 =	vmax.f32 v13, v0  }
0x2c5: {  	v4 =	vmul.f32 v46, v4;
	v46 =	vmul.f32 v12, v11;
	v12 =	vmax.f32 v36, v40  }
0x2c6: {  	(erf) = vpow2.f32 v60;
	v9 =	vsub.f32 v9, v12  }
0x2c7: {  	s25 =	sadd.s32 $0x10, s21;
	(erf) = vpow2.f32 v61;
	v60 =	vmul.f32 v25, v30;
	v30 =	vpop (erf)  }
0x2c8: {  	v2 =	vadd.s32 s25, v63;
	(erf) = vpow2.f32 v59;
	v63 =	vpop (erf);
	v9 =	vmul.f32 $1.442695020e+00, v9  }
0x2c9: {  	v59 =	vpop (erf);
	(erf) = vpow2.f32 v58  }
0x2ca: {  	(erf) = vpow2.f32 v9;
	v9 =	vld [tilespmem:$0x1FBC0];
	_ =	sdelay $0x1  }
0x2cb: {  	v15 =	vor.u32 $0x2, v51  }
0x2cc: {  	v18 =	vor.u32 $0x2, v53;
	_ =	sdelay $0x1  }
0x2cd: {  	v38 =	vld [tilespmem:$0x1FC90];
	v37 =	vmov v45;
	v16 =	vor.u32 $0x2, v52  }
0x2ce: {  	v42 =	vmov v17;
	v22 =	vld [tilespmem:$0x1FFF0];
	[tilespmem:$0x1FC80] =	vst v37;
	v17 =	vor.u32 $0x1, v53  }
0x2cf: {  	v15 =	vld.idx.msk [tilespmem:v15+s2+$0x0], $0xffff;
	v41 =	vor.u32 $0x3, v52;
	[tilespmem:v33+s13+$0x0] =	vst.idx.msk $0xffff, v5  }
0x2d0: {  	v37 =	vor.u32 $0x3, v51;
	[tilespmem:v9+s13+$0x0] =	vst.idx.msk $0xffff, v4;
	v4 =	vld.idx.msk [tilespmem:v18+s2+$0x0], $0xffff  }
0x2d1: {  	v14 =	vor.u32 $0x1, v52;
	v18 =	vld [tilespmem:$0x1FD00]  }
0x2d2: {  	v16 =	vld.idx.msk [tilespmem:v16+s2+$0x0], $0xffff  }
0x2d3: {  	[tilespmem:$0x1FBE0] =	vst v6;
	v6 =	vor.u32 $0x3, v53;
	v17 =	vld.idx.msk [tilespmem:v17+s2+$0x0], $0xffff  }
0x2d4: {  	v45 =	vmov v38;
	v38 =	vmul.f32 $1.442695020e+00, v28;
	v28 =	vld.idx.msk [tilespmem:v41+s2+$0x0], $0xffff  }
0x2d5: {  	v8 =	vadd.f32 v8, v47;
	[tilespmem:$0x1FC90] =	vst v39;
	v39 =	vmov v26;
	v26 =	vlaneseq.u32;
	v25 =	vld.idx.msk [tilespmem:v37+s2+$0x0], $0xffff  }
0x2d6: {  	s24 =	sadd.s32 $0x20, s21;
	v47 =	vor.u32 s25, v26;
	v19 =	vor.u32 $0x1, v56;
	v20 =	vor.u32 $0x2, v56;
	v11 =	vld.idx.msk [tilespmem:v14+s2+$0x0], $0xffff  }
0x2d7: {  	v24 =	vor.u32 s24, v26;
	v57 =	vmul.f32 v48, v54;
	v36 =	vld [tilespmem:$0x1FD10];
	v26 =	vsub.f32 v31, v12  }
0x2d8: {  	v21 =	vor.u32 $0x3, v56;
	v40 =	vld.idx.msk [tilespmem:v6+s2+$0x0], $0xffff;
	v13 =	vsub.f32 v13, v12  }
0x2d9: {  	v7 =	vmul.f32 $1.442695020e+00, v7;
	v6 =	vld [tilespmem:$0x1FBD0];
	v0 =	vsub.f32 v0, v12;
	v26 =	vmul.f32 $1.442695020e+00, v26;
	[tilespmem:v18+s13+$0x0] =	vst.idx.msk $0xffff, v57;
	v18 =	vpop (erf)  }
0x2da: {  	v27 =	vmul.f32 v48, v49;
	v13 =	vmul.f32 $1.442695020e+00, v13;
	[tilespmem:$0x1FD30] =	vst v18;
	v54 =	vadd.f32 v18, v59;
	v18 =	vld [tilespmem:$0x1FFA0]  }
0x2db: {  	v61 =	vld.idx.msk [tilespmem:v19+s2+$0x0], $0xffff;
	v0 =	vmul.f32 $1.442695020e+00, v0;
	(erf) = vpow2.f32 v26  }
0x2dc: {  	v3 =	vmul.f32 v11, v3;
	v11 =	vld.idx.msk [tilespmem:v20+s2+$0x0], $0xffff;
	(erf) = vpow2.f32 v13  }
0x2dd: {  	v22 =	vadd.s32 s25, v22;
	v13 =	vmul.f32 v16, v15;
	v15 =	vmovc v47;
	v16 =	vld.idx.msk [tilespmem:v21+s2+$0x0], $0xffff;
	(erf) = vpow2.f32 v0  }
0x2de: {  	v9 =	vadd.f32 v63, v30;
	[tilespmem:$0x1FD00] =	vst v15;
	v15 =	vmul.f32 v28, v25;
	v19 =	vld.idx.msk [tilespmem:v50+s2+$0x0], $0xffff;
	v28 =	vpop (erf);
	(erf) = vpow2.f32 v6  }
0x2df: {  	v1 =	vmul.f32 v1, v32;
	[tilespmem:v36+s13+$0x0] =	vst.idx.msk $0xffff, v27;
	v27 =	vpop (erf);
	(erf) = vpow2.f32 v55;
	v32 =	vadd.s32 s24, v18;
	v18 =	vld.idx.msk [tilespmem:v62+s2+$0x0], $0xffff  }
0x2e0: {  	v58 =	vld.idx.msk [tilespmem:v53+s2+$0x0], $0xffff;
	v0 =	vadd.f32 v54, v9;
	v9 =	vmul.f32 v48, v34;
	v25 =	vpop (erf);
	(erf) = vpow2.f32 v38  }
0x2e1: {  	v6 =	vld.idx.msk [tilespmem:v51+s2+$0x0], $0xffff;
	v54 =	vmul.f32 v61, v17;
	v57 =	vadd.f32 v27, v28;
	(erf) = vpow2.f32 v7;
	v26 =	vpop (erf)  }
0x2e2: {  	v17 =	vmovc v22;
	v7 =	vmul.f32 v48, v39;
	v48 =	vmul.f32 v11, v4;
	v4 =	vadd.f32 v26, v25  }
0x2e3: {  	v49 =	vmul.f32 v16, v40;
	[tilespmem:$0x1FD10] =	vst v17;
	v17 =	vld.idx.msk [tilespmem:v52+s2+$0x0], $0xffff;
	v50 =	vpop (erf)  }
0x2e4: {  	(erf) = vrcp.f32 v0;
	v51 =	vpop (erf);
	v4 =	vadd.f32 v4, v57;
	v16 =	vmul.f32 v19, v18;
	v19 =	vld [tilespmem:$0x1FBF0]  }
0x2e5: {  	(erf) = vrcp.f32 v8;
	v8 =	vld [tilespmem:$0x1FBE0];
	v52 =	vpop (erf)  }
0x2e6: {  	v53 =	vpop (erf);
	(erf) = vrcp.f32 v4;
	v4 =	vld [tilespmem:$0x1FC00];
	_ =	sdelay $0x1  }
0x2e7: {  	v41 =	vld [tilespmem:$0x1FFF0]  }
0x2e8: {  	v10 =	vld [tilespmem:$0x1FFA0]  }
0x2e9: {  	v23 =	vld [tilespmem:$0x1FFF0]  }
0x2ea: {  	v35 =	vld [tilespmem:$0x1FF90];
	[tilespmem:v42+s13+$0x0] =	vst.idx.msk $0xffff, v9;
	v8 =	vmul.f32 v29, v8  }
0x2eb: {  	v21 =	vld [tilespmem:$0x1FF90];
	[tilespmem:v19+s13+$0x0] =	vst.idx.msk $0xffff, v7;
	v7 =	vadd.f32 v51, v50;
	v19 =	vadd.f32 v53, v52  }
0x2ec: {  	[tilespmem:$0x1FD20] =	vst v59;
	v11 =	vmul.f32 v29, v45;
	v9 =	vld.idx.msk [tilespmem:v56+s2+$0x0], $0xffff;
	v45 =	vpop (erf)  }
0x2ed: {  	v59 =	vmul.f32 v29, v44;
	v44 =	vpop (erf);
	[tilespmem:v4+s13+$0x0] =	vst.idx.msk $0xffff, v8;
	v8 =	vld [tilespmem:$0x1FC10];
	v7 =	vadd.f32 v19, v7  }
0x2ee: {  	v10 =	vadd.s32 s25, v10;
	v23 =	vadd.s32 s24, v23;
	v22 =	vld [tilespmem:$0x1FFA0];
	v42 =	vpop (erf)  }
0x2ef: {  	v37 =	vlaneseq.u32;
	v14 =	vmul.f32 v29, v43;
	v40 =	vpop (erf);
	(erf) = vrcp.f32 v7;
	v7 =	vld [tilespmem:$0x1FC20]  }
0x2f0: {  	v5 =	vmax.f32 v60, v1;
	v31 =	vadd.s32 s24, v35;
	v35 =	vor.u32 s21, v37;
	v62 =	vld [tilespmem:$0x1FC30]  }
0x2f1: {  	v33 =	vadd.s32 s21, v21;
	v20 =	vmax.f32 v13, v15;
	v38 =	vmul.f32 v9, v58  }
0x2f2: {  	s22 =	sadd.s32 $0x4, s22;
	v36 =	vadd.s32 s21, v41;
	v6 =	vmul.f32 v17, v6;
	v4 =	vmax.f32 v16, v46  }
0x2f3: {  	p1 =	slt.u32 s22, $0x78;
	v18 =	vmax.f32 v48, v49;
	v61 =	vmax.f32 v38, v54;
	v5 =	vmax.f32 v4, v5  }
.Ltmp6:
0x2f4: {  	v47 =	vadd.f32 v44, v45;
	v39 =	vmax.f32 v61, v18;
	v4 =	vsub.f32 v46, v5;
	(pc) =	sbr.rel @p1 .LBB2_6-.Ltmp6, $4  }
0x2f5: {  	v34 =	vadd.s32 s21, v22;
	v60 =	vsub.f32 v60, v5;
	[tilespmem:v8+s13+$0x0] =	vst.idx.msk $0xffff, v11;
	v11 =	vmax.f32 v6, v3  }
0x2f6: {  	v43 =	vsub.f32 v1, v5;
	v8 =	vsub.f32 v16, v5;
	v0 =	vmax.f32 v11, v20  }
0x2f7: {  	v17 =	vmov v2;
	v46 =	vpop (erf);
	v56 =	vsub.f32 v3, v0;
	v58 =	vsub.f32 v13, v0;
	[tilespmem:v7+s13+$0x0] =	vst.idx.msk $0xffff, v59  }
0x2f8: {  	s23 =	sadd.s32 $0x40, s23;
	v29 =	vpop (erf);
	v57 =	vmul.f32 $1.442695020e+00, v8;
	v55 =	vsub.f32 v15, v0;
	v59 =	vsub.f32 v6, v0;
	[tilespmem:v62+s13+$0x0] =	vst.idx.msk $0xffff, v14  }
0x2f9: {  	v0 =	vmul.f32 $1.442695020e+00, v4;
	v1 =	vmul.f32 $1.442695020e+00, v60  }
0x2fa: {  	v2 =	vmul.f32 $1.442695020e+00, v43;
	v56 =	vmul.f32 $1.442695020e+00, v56  }
0x2fb: {  	v19 =	vmul.f32 v46, v30;
	(erf) = vpow2.f32 v57  }
0x2fc: {  	s20 =	sadd.s32 $0x40, s21;
	v3 =	vsub.f32 v54, v39;
	v43 =	vmul.f32 $1.442695020e+00, v59;
	v57 =	vmul.f32 $1.442695020e+00, v58  }
0x2fd: {  	v61 =	vpop (erf);
	v58 =	vmul.f32 $1.442695020e+00, v55;
	v59 =	vsub.f32 v38, v39;
	s21 =	sadd.s32 $0x30, s20;
	(erf) = vpow2.f32 v0  }
0x2fe: {  	v62 =	vpop (erf);
	v5 =	vor.u32 s21, v37;
	v3 =	vmul.f32 $1.442695020e+00, v3;
	(erf) = vpow2.f32 v1  }
0x2ff: {  	v7 =	vadd.s32 s21, v41;
	v11 =	vmul.f32 v62, v50;
	(erf) = vpow2.f32 v2  }
0x300: {  	v9 =	vadd.s32 s21, v21;
	v13 =	vmul.f32 v62, v51;
	(erf) = vpow2.f32 v43  }
0x301: {  	v12 =	vadd.s32 s21, v22;
	v14 =	vmul.f32 v62, v52;
	(erf) = vpow2.f32 v56  }
0x302: {  	v60 =	vsub.f32 v48, v39;
	v1 =	vmul.f32 $1.442695020e+00, v59;
	(erf) = vpow2.f32 v57  }
0x303: {  	v6 =	vsub.f32 v49, v39;
	v0 =	vmul.f32 v62, v53;
	[tilespmem:v5+s13+$0x0] =	vst.idx.msk $0xffff, v11;
	(erf) = vpow2.f32 v58  }
0x304: {  	v2 =	vmul.f32 $1.442695020e+00, v60;
	[tilespmem:v7+s13+$0x0] =	vst.idx.msk $0xffff, v13;
	(erf) = vpow2.f32 v1  }
0x305: {  	v11 =	vmul.f32 $1.442695020e+00, v6;
	[tilespmem:v9+s13+$0x0] =	vst.idx.msk $0xffff, v14;
	v8 =	vpop (erf);
	(erf) = vpow2.f32 v3  }
0x306: {  	v30 =	vmul.f32 v46, v63;
	[tilespmem:v12+s13+$0x0] =	vst.idx.msk $0xffff, v0;
	v15 =	vpop (erf);
	(erf) = vpow2.f32 v2  }
0x307: {  	v16 =	vpop (erf);
	(erf) = vpow2.f32 v11;
	v11 =	vld [tilespmem:$0x1FD20];
	[tilespmem:v35+s13+$0x0] =	vst.idx.msk $0xffff, v19  }
0x308: {  	[tilespmem:v36+s13+$0x0] =	vst.idx.msk $0xffff, v30  }
0x309: {  	v9 =	vld [tilespmem:$0x1FD30];
	_ =	sdelay $0x3  }
0x30a: {  	v11 =	vmul.f32 v46, v11  }
0x30b: {  	v9 =	vmul.f32 v46, v9  }
0x30c: {  	[tilespmem:v33+s13+$0x0] =	vst.idx.msk $0xffff, v11  }
0x30d: {  	[tilespmem:v34+s13+$0x0] =	vst.idx.msk $0xffff, v9  }
0x30e: {  	v9 =	vld [tilespmem:$0x1FD00];
	_ =	sdelay $0x3  }
0x30f: {  	v20 =	vadd.f32 v40, v42;
	_ =	sdelay $0x1  }
0x310: {  	v5 =	vadd.f32 v20, v47;
	v47 =	vmul.f32 v61, v28;
	_ =	sdelay $0x1  }
0x311: {  	[tilespmem:v9+s13+$0x0] =	vst.idx.msk $0xffff, v47  }
0x312: {  	v9 =	vld [tilespmem:$0x1FD10];
	_ =	sdelay $0x4  }
0x313: {  	v1 =	vpop (erf)  }
0x314: {  	v48 =	vmul.f32 v61, v27;
	v13 =	vadd.f32 v15, v8;
	v18 =	vadd.f32 v1, v16  }
0x315: {  	v49 =	vmul.f32 v61, v25;
	v3 =	vpop (erf)  }
0x316: {  	v2 =	vpop (erf);
	v6 =	vadd.f32 v18, v13;
	[tilespmem:v9+s13+$0x0] =	vst.idx.msk $0xffff, v48  }
0x317: {  	v7 =	vpop (erf);
	[tilespmem:v17+s13+$0x0] =	vst.idx.msk $0xffff, v49  }
0x318: {  	v4 =	vmul.f32 v61, v26;
	v38 =	vpop (erf);
	(erf) = vrcp.f32 v6;
	v6 =	vld [tilespmem:$0x1FC80]  }
0x319: {  	v13 =	vld [tilespmem:$0x1FC90]  }
0x31a: {  	v14 =	vld [tilespmem:$0x1FCB0];
	[tilespmem:v10+s13+$0x0] =	vst.idx.msk $0xffff, v4  }
0x31b: {  	v17 =	vld [tilespmem:$0x1FC40];
	_ =	sdelay $0x5  }
0x31c: {  	v6 =	vmul.f32 v29, v6;
	_ =	sdelay $0x1  }
0x31d: {  	[tilespmem:v17+s13+$0x0] =	vst.idx.msk $0xffff, v6  }
0x31e: {  	v19 =	vld [tilespmem:$0x1FC50];
	_ =	sdelay $0x5  }
0x31f: {  	v13 =	vmul.f32 v29, v13;
	_ =	sdelay $0x1  }
0x320: {  	v18 =	vld [tilespmem:$0x1FCA0];
	[tilespmem:v19+s13+$0x0] =	vst.idx.msk $0xffff, v13  }
0x321: {  	v20 =	vld [tilespmem:$0x1FC60];
	_ =	sdelay $0x4  }
0x322: {  	v39 =	vadd.f32 v2, v3;
	v43 =	vadd.f32 v38, v7;
	v50 =	vpop (erf)  }
0x323: {  	v51 =	vpop (erf);
	v14 =	vmul.f32 v29, v14  }
0x324: {  	v0 =	vadd.f32 v43, v39;
	v52 =	vpop (erf)  }
0x325: {  	(erf) = vrcp.f32 v5;
	v54 =	vpop (erf);
	[tilespmem:v20+s13+$0x0] =	vst.idx.msk $0xffff, v14  }
0x326: {  	v56 =	vadd.f32 v51, v50;
	(erf) = vrcp.f32 v0;
	v57 =	vadd.f32 v54, v52;
	v61 =	vld [tilespmem:$0x1FC70]  }
0x327: {  	v53 =	vor.u32 s20, v37  }
0x328: {  	v55 =	vadd.s32 s20, v41;
	v59 =	vpop (erf);
	v6 =	vadd.f32 v57, v56  }
0x329: {  	v8 =	vmul.f32 v59, v8  }
0x32a: {  	v58 =	vadd.s32 s20, v21;
	(erf) = vrcp.f32 v6;
	v18 =	vmul.f32 v29, v18  }
0x32b: {  	v60 =	vadd.s32 s20, v22;
	v15 =	vmul.f32 v59, v15  }
0x32c: {  	s29 =	sadd.s32 $0x10, s20;
	[tilespmem:v53+s13+$0x0] =	vst.idx.msk $0xffff, v8  }
0x32d: {  	v62 =	vor.u32 s29, v37;
	v20 =	vmul.f32 v59, v16;
	[tilespmem:v55+s13+$0x0] =	vst.idx.msk $0xffff, v15  }
0x32e: {  	v1 =	vmul.f32 v59, v1;
	[tilespmem:v61+s13+$0x0] =	vst.idx.msk $0xffff, v18;
	v18 =	vpop (erf)  }
0x32f: {  	v63 =	vadd.s32 s29, v41;
	[tilespmem:v58+s13+$0x0] =	vst.idx.msk $0xffff, v20;
	v26 =	vpop (erf);
	v33 =	vmul.f32 v18, v45  }
0x330: {  	s20 =	sadd.s32 $0x20, s20;
	[tilespmem:v60+s13+$0x0] =	vst.idx.msk $0xffff, v1;
	v3 =	vmul.f32 v26, v3  }
0x331: {  	v34 =	vor.u32 s20, v37;
	v35 =	vmul.f32 v18, v44;
	[tilespmem:v24+s13+$0x0] =	vst.idx.msk $0xffff, v33  }
0x332: {  	v25 =	vadd.s32 s29, v21;
	v6 =	vmul.f32 v18, v40;
	v28 =	vmul.f32 v26, v2;
	[tilespmem:v62+s13+$0x0] =	vst.idx.msk $0xffff, v3  }
0x333: {  	v30 =	vmul.f32 v26, v38;
	v38 =	vmul.f32 v18, v42;
	v40 =	vpop (erf);
	[tilespmem:v23+s13+$0x0] =	vst.idx.msk $0xffff, v35  }
0x334: {  	v36 =	vadd.s32 s20, v41;
	v0 =	vmul.f32 v40, v50;
	[tilespmem:v63+s13+$0x0] =	vst.idx.msk $0xffff, v28  }
0x335: {  	v27 =	vadd.s32 s29, v22;
	v29 =	vmul.f32 v26, v7;
	[tilespmem:v31+s13+$0x0] =	vst.idx.msk $0xffff, v38  }
0x336: {  	v39 =	vadd.s32 s20, v21;
	[tilespmem:v34+s13+$0x0] =	vst.idx.msk $0xffff, v0  }
0x337: {  	v42 =	vadd.s32 s20, v22;
	v5 =	vmul.f32 v40, v51;
	[tilespmem:v25+s13+$0x0] =	vst.idx.msk $0xffff, v29  }
0x338: {  	[tilespmem:v32+s13+$0x0] =	vst.idx.msk $0xffff, v6  }
0x339: {  	v43 =	vmul.f32 v40, v52;
	[tilespmem:v36+s13+$0x0] =	vst.idx.msk $0xffff, v5  }
0x33a: {  	v44 =	vmul.f32 v40, v54;
	[tilespmem:v27+s13+$0x0] =	vst.idx.msk $0xffff, v30  }
0x33b: {  	[tilespmem:v39+s13+$0x0] =	vst.idx.msk $0xffff, v43  }
0x33c: {  	[tilespmem:v42+s13+$0x0] =	vst.idx.msk $0xffff, v44  }
0x33d: {  	v0 =	vld [tilespmem:$0xA7C0]  }
0x33e: {  	v1 =	vld [tilespmem:$0xAFC0];
	_ =	sdelay $0x3  }
0x33f: {  	v0 =	vshll.u32 v0, $0x2  }
0x340: {  	v1 =	vshll.u32 v1, $0x2  }
0x341: {  	v45 =	vor.u32 $0x1, v0  }
0x342: {  	v46 =	vor.u32 $0x1, v1  }
0x343: {  	v47 =	vor.u32 $0x2, v0  }
0x344: {  	v48 =	vor.u32 $0x2, v1;
	v5 =	vld.idx.msk [tilespmem:v0+s2+$0x0], $0xffff  }
0x345: {  	v7 =	vld.idx.msk [tilespmem:v1+s2+$0x0], $0xffff;
	v0 =	vor.u32 $0x3, v0  }
0x346: {  	v1 =	vor.u32 $0x3, v1;
	v2 =	vld.idx.msk [tilespmem:v45+s2+$0x0], $0xffff  }
0x347: {  	v3 =	vld.idx.msk [tilespmem:v46+s2+$0x0], $0xffff  }
0x348: {  	v4 =	vld.idx.msk [tilespmem:v47+s2+$0x0], $0xffff  }
0x349: {  	v6 =	vld.idx.msk [tilespmem:v48+s2+$0x0], $0xffff  }
0x34a: {  	v0 =	vld.idx.msk [tilespmem:v0+s2+$0x0], $0xffff  }
0x34b: {  	v1 =	vld.idx.msk [tilespmem:v1+s2+$0x0], $0xffff;
	_ =	sdelay $0x3  }
0x34c: {  	v5 =	vmul.f32 v7, v5;
	v2 =	vmul.f32 v3, v2  }
0x34d: {  	v49 =	vmul.f32 v6, v4;
	v0 =	vmul.f32 v1, v0;
	_ =	sdelay $0x1  }
0x34e: {  	v50 =	vmax.f32 v5, v2;
	v4 =	vmax.f32 v49, v0  }
0x34f: {  	v1 =	vmax.f32 v50, v4  }
0x350: {  	v4 =	vsub.f32 v5, v1  }
0x351: {  	v2 =	vsub.f32 v2, v1  }
0x352: {  	v3 =	vsub.f32 v49, v1;
	v4 =	vmul.f32 $1.442695020e+00, v4  }
0x353: {  	v0 =	vsub.f32 v0, v1;
	v2 =	vmul.f32 $1.442695020e+00, v2  }
0x354: {  	v51 =	vmul.f32 $1.442695020e+00, v3;
	(erf) = vpow2.f32 v4  }
0x355: {  	v0 =	vmul.f32 $1.442695020e+00, v0;
	(erf) = vpow2.f32 v2  }
0x356: {  	(erf) = vpow2.f32 v51  }
0x357: {  	(erf) = vpow2.f32 v0;
	_ =	sdelay $0x5  }
0x358: {  	v52 =	vpop (erf)  }
0x359: {  	v53 =	vpop (erf)  }
0x35a: {  	v54 =	vpop (erf)  }
0x35b: {  	v55 =	vpop (erf)  }
0x35c: {  	v56 =	vadd.f32 v53, v52;
	v57 =	vadd.f32 v55, v54;
	_ =	sdelay $0x1  }
0x35d: {  	v4 =	vadd.f32 v57, v56;
	_ =	sdelay $0x1  }
0x35e: {  	(erf) = vrcp.f32 v4;
	_ =	sdelay $0x3  }
0x35f: {  	v58 =	vld [tilespmem:$0x1FFB0]  }
0x360: {  	v60 =	vld [tilespmem:$0x1FFC0]  }
0x361: {  	v62 =	vld [tilespmem:$0x1FFD0]  }
0x362: {  	v63 =	vld [tilespmem:$0x1FFE0];
	_ =	sdelay $0x1  }
0x363: {  	v4 =	vpop (erf)  }
0x364: {  	v0 =	vmul.f32 v4, v52  }
0x365: {  	v1 =	vmul.f32 v4, v53  }
0x366: {  	v59 =	vmul.f32 v4, v54;
	[tilespmem:v58+s13+$0x0] =	vst.idx.msk $0xffff, v0  }
0x367: {  	s18 =	sadd.s32 s8, s18;
	v61 =	vmul.f32 v4, v55;
	[tilespmem:v60+s13+$0x0] =	vst.idx.msk $0xffff, v1  }
0x368: {  	s18 =	sshrl.u32 s18, $0x3;
	[tilespmem:v62+s13+$0x0] =	vst.idx.msk $0xffff, v59  }
0x369: {  	s18 =	sadd.s32 s7, s18;
	[tilespmem:v63+s13+$0x0] =	vst.idx.msk $0xffff, v61  }
0x36a: {  	[hbm4b:s18+s2] =	stream.linear.scatter [tilespmem:s13], [sflag:$0x1], $0x7D0, $0x38;
	[tilespmem:$0xCF80] =	vst v63  }
0x36b: {  	_ =	swait.ge [sflag:s10], $0x7D0  }
0x36c: {  	[sflag:s10] =	ssyncset.done $0x0  }
0x36d: {  	s30 =	sadd.s32 $0x13880, s18;
	[sflag:s10] =	ssyncadd.s32 $0xFFFFF830  }
0x36e: {  	[hbm4b:s30+s2] =	stream.linear.scatter [tilespmem:s14], [sflag:$0x1], $0x7D0, $0x38;
	[tilespmem:$0xCF80] =	vst v63  }
0x36f: {  	_ =	swait.ge [sflag:s10], $0x7D0  }
0x370: {  	[sflag:s10] =	ssyncset.done $0x0  }
0x371: {  	s31 =	sadd.s32 $0x27100, s18;
	[sflag:s10] =	ssyncadd.s32 $0xFFFFF830  }
0x372: {  	[hbm4b:s31+s2] =	stream.linear.scatter [tilespmem:s15], [sflag:$0x1], $0x7D0, $0x38;
	[tilespmem:$0xCF80] =	vst v63  }
0x373: {  	_ =	swait.ge [sflag:s10], $0x7D0  }
0x374: {  	s19 =	sadd.s32 $0x1, s19;
	[sflag:s10] =	ssyncset.done $0x0  }
0x375: {  	p1 =	sne.s32 s19, $0xA;
	s18 =	sadd.s32 $0x3A980, s18;
	[sflag:s10] =	ssyncadd.s32 $0xFFFFF830  }
0x376: {  	[hbm4b:s18+s2] =	stream.linear.scatter [tilespmem:s16], [sflag:$0x1], $0x7D0, $0x38;
	[tilespmem:$0xCF80] =	vst v63  }
.Ltmp7:
0x377: {  	_ = 	snop;
	(pc) =	sbr.rel @p1 .LBB2_5-.Ltmp7, $4  }
.Ltmp8:
0x378: {  	_ = 	snop;
	(pc) =	sbr.rel @!p1 .LBB2_8-.Ltmp8, $4  }
0x379: {  	_ =	swait.ge [sflag:s10], $0x7D0  }
0x37a: {  	[sflag:s10] =	ssyncset.done $0x0  }
0x37b: {  	[sflag:s10] =	ssyncadd.s32 $0xFFFFF830  }
0x37c: {  	_ = 	snop  }
.LBB2_9:
0x37d: {  	_ =	sfence.sel $0x180000  }
0x37e: {  	[bflag:$0x0] =	sbarrier.arrive $0xFFFF  }
0x37f: {  	p0 =	sne.s32 s3, $0x0;
	_ =	strace $0x9000004D  }
0x380: {  	s0 =	sadd.s32 @!p0 $0x100000, s0;
	[bflag:$0x2] =	sbarrier.arrive $0xFFFF  }
0x381: {  	[sflag:s0] =	ssyncadd.tile.s32 @!p0 $0x1;
	_ =	shalt  }
.Lfunc_end2:
_tile_overlayer_lowered:
.L_overlay_start_2:
0x382: {  	(tag) =	ssettag $0x2  }
0x383: {  	s0 =	rddreg [dreg:$0x0];
	s2 =	stileid.u32  }
0x384: {  	s1 =	rddreg [dreg:$0x1];
	p0 =	sne.s32 s2, $0x0  }
0x385: {  	s3 =	rddreg [dreg:$0x2];
	[bflag:$0x3] =	sbarrier.arrive $0xFFFF;
	s2 =	simm.s32 @!p0 $0x1C01  }
0x386: {  	[timem:s3], [sflag:s2] =	dma.local @!p0 [hbm:s0], s1  }
0x387: {  	s0 =	simm.s32 @!p0 $0x1  }
0x388: {  	_ =	swait.ge @!p0 [sflag:s0], s1  }
0x389: {  	s1 =	ssub.s32 @!p0 $0x0, s1;
	[sflag:s0] =	ssyncset.done @!p0 $0x0  }
0x38a: {  	[sflag:s0] =	ssyncadd.s32 @!p0 s1  }
0x38b: {  	[bflag:$0x3] =	sbarrier.arrive $0xFFFF  }
0x38c: {  	_ =	shalt  }

// kernel: kernel.7.cloned.1.call-start
scs
__scs_entry_jumppad:
0x0: {  	(pc) =	sbr.rel $0x88, $3  }
0x1: {  	(tag) =	ssettag $0x0;
	lr =	simm.s32 $0x1  }
0x2: {  	[smem:$0x3F95] =	sst lr;
	_ =	strace $0xD0000000  }
0x3: {  	_ = 	snop  }
0x4: {  	_ = 	snop  }
0x5: {  	_ = 	snop  }
0x6: {  	_ = 	snop  }
0x7: {  	_ = 	snop  }
__scs_overlays_trampoline_lowered:
0x8: {  	[smem:$0x3FA4] =	sst s0  }
0x9: {  	[smem:$0x3FA5] =	sst s1  }
0xa: {  	[smem:$0x3FA6] =	sst s2  }
0xb: {  	[smem:$0x3FA7] =	sst s3  }
0xc: {  	[smem:$0x3FA8] =	sst s4  }
0xd: {  	[smem:$0x3FA9] =	sst s5  }
0xe: {  	[smem:$0x3FAA] =	sst s6  }
0xf: {  	[smem:$0x3FAB] =	sst s7  }
0x10: {  	[smem:$0x3FAC] =	sst s8  }
0x11: {  	[smem:$0x3FAD] =	sst s9;
	s0 =	simm.s32 @!p0 $0x0  }
0x12: {  	s1 =	sld [smem:$0x3F93];
	s0 =	simm.s32 @p0 $0x1  }
0x13: {  	[smem:$0x3FAE] =	sst s0;
	s0 =	simm.s32 @!p1 $0x0  }
0x14: {  	s2 =	sld [smem:$0x3F92];
	s0 =	simm.s32 @p1 $0x1  }
0x15: {  	[smem:$0x3FAF] =	sst s0;
	s0 =	simm.s32 @!p2 $0x0  }
0x16: {  	s3 =	sld [smem:$0x3FDB];
	s0 =	simm.s32 @p2 $0x1  }
0x17: {  	s4 =	simm.s32 $0x1BF5;
	[smem:$0x3FB1] =	sst s0  }
0x18: {  	s0 =	sld [smem:$0x3F94];
	_ =	swait.ge [sflag:s4], $0x0  }
0x19: {  	s7 =	sld [smem:$0x3F95]  }
0x1a: {  	s8 =	sadd.s32 $0xFFFFE003, lr  }
0x1b: {  	s9 =	sadd.s32 $0xFFFFFEF7, lr;
	s5 =	simm.s32 $0xFFFFFFFF;
	p2 =	slt.u32 s8, $0xFFFFF086  }
0x1c: {  	p1 =	slt.u32 s9, $0xF7A;
	s5 =	simm.s32 @!p2 $0x0  }
0x1d: {  	s5 =	simm.s32 @p1 $0x1;
	p0 =	seq.s32 s7, s2  }
0x1e: {  	s7 =	smul.u32 @!p0 $0xF7A, s2;
	p2 =	seq.s32 @!p0 s5, $0x0  }
0x1f: {  	s9 =	smul.u32 $0xF7A, s1;
	s8 =	simm.s32 @!p0 $0x1BF5;
	p2 =	por !p2, p0  }
0x20: {  	[sflag:s8] =	ssyncset.s32 @!p0 $0xFFFFF086;
	s6 =	sadd.s32 @!p0 s3, s7;
	s7 =	simm.s32 @!p0 $0x108  }
0x21: {  	s3 =	sadd.s32 s3, s9;
	s6 =	sadd.s32 @!p0 $0x88, s6;
	s7 =	simm.s32 @p2 $0x1082  }
0x22: {  	[simem:s7], [sflag:s8] =	dma.local @!p0 [hbm:s6], $0xF7A  }
0x23: {  	s9 =	sor.u32 $0xD0000000, s2;
	s6 =	simm.s32 $0x108;
	_ =	swait.ge @!p0 [sflag:s8], $0x0  }
0x24: {  	s3 =	sadd.s32 $0x88, s3;
	s6 =	simm.s32 @!p1 $0x1082;
	[sflag:s4] =	ssyncset.s32 $0xFFFFF086  }
0x25: {  	[simem:s6], [sflag:s4] =	dma.local [hbm:s3], $0xF7A  }
0x26: {  	[smem:$0x3F95] =	sst s1;
	(tag) =	ssettag s2;
	_ =	strace s9  }
0x27: {  	s1 =	sld [smem:$0x3FA5]  }
0x28: {  	s2 =	sld [smem:$0x3FA6]  }
0x29: {  	s4 =	sld [smem:$0x3FA8]  }
0x2a: {  	p0 =	seq.s32 s5, $0x0;
	s5 =	sld [smem:$0x3FA9]  }
0x2b: {  	s6 =	sld [smem:$0x3FAA]  }
0x2c: {  	s7 =	sld [smem:$0x3FAB]  }
0x2d: {  	s3 =	simm.s32 $0x108;
	s8 =	sld [smem:$0x3FAC]  }
0x2e: {  	s3 =	simm.s32 @!p0 $0x1082;
	s9 =	sld [smem:$0x3FAD]  }
0x2f: {  	lr =	sadd.s32 s0, s3;
	s0 =	sld [smem:$0x3FA4]  }
0x30: {  	s3 =	sld [smem:$0x3FA7]  }
0x31: {  	[smem:$0x3FB0] =	sst s10  }
0x32: {  	s10 =	sld [smem:$0x3FAE];
	_ =	sdelay $0x3  }
0x33: {  	p0 =	seq.s32 s10, $0x1;
	s10 =	sld [smem:$0x3FB0];
	_ =	sdelay $0x3  }
0x34: {  	[smem:$0x3FB0] =	sst s10  }
0x35: {  	s10 =	sld [smem:$0x3FAF];
	_ =	sdelay $0x3  }
0x36: {  	p1 =	seq.s32 s10, $0x1;
	s10 =	sld [smem:$0x3FB0];
	_ =	sdelay $0x3  }
0x37: {  	[smem:$0x3FB0] =	sst s10  }
0x38: {  	s10 =	sld [smem:$0x3FB1]  }
0x39: {  	_ = 	snop;
	(pc) =	sbr.ind lr, $3  }
0x3a: {  	_ = 	snop  }
0x3b: {  	_ = 	snop  }
0x3c: {  	p2 =	seq.s32 s10, $0x1;
	s10 =	sld [smem:$0x3FB0]  }
0x3d: {  	_ =	shalt  }
0x3e: {  	_ =	shalt  }
0x3f: {  	_ =	shalt  }
0x40: {  	_ =	shalt  }
0x41: {  	_ =	shalt  }
0x42: {  	_ =	shalt  }
0x43: {  	_ =	shalt  }
0x44: {  	_ =	shalt  }
0x45: {  	_ =	shalt  }
0x46: {  	_ =	shalt  }
0x47: {  	_ =	shalt  }
0x48: {  	_ =	shalt  }
0x49: {  	_ =	shalt  }
0x4a: {  	_ =	shalt  }
0x4b: {  	_ =	shalt  }
0x4c: {  	_ =	shalt  }
0x4d: {  	_ =	shalt  }
0x4e: {  	_ =	shalt  }
0x4f: {  	_ =	shalt  }
0x50: {  	_ =	shalt  }
0x51: {  	_ =	shalt  }
0x52: {  	_ =	shalt  }
0x53: {  	_ =	shalt  }
0x54: {  	_ =	shalt  }
0x55: {  	_ =	shalt  }
0x56: {  	_ =	shalt  }
0x57: {  	_ =	shalt  }
0x58: {  	_ =	shalt  }
0x59: {  	_ =	shalt  }
0x5a: {  	_ =	shalt  }
0x5b: {  	_ =	shalt  }
0x5c: {  	_ =	shalt  }
0x5d: {  	_ =	shalt  }
0x5e: {  	_ =	shalt  }
0x5f: {  	_ =	shalt  }
0x60: {  	_ =	shalt  }
0x61: {  	_ =	shalt  }
0x62: {  	_ =	shalt  }
0x63: {  	_ =	shalt  }
0x64: {  	_ =	shalt  }
0x65: {  	_ =	shalt  }
0x66: {  	_ =	shalt  }
0x67: {  	_ =	shalt  }
0x68: {  	_ =	shalt  }
0x69: {  	_ =	shalt  }
0x6a: {  	_ =	shalt  }
0x6b: {  	_ =	shalt  }
0x6c: {  	_ =	shalt  }
0x6d: {  	_ =	shalt  }
0x6e: {  	_ =	shalt  }
0x6f: {  	_ =	shalt  }
0x70: {  	_ =	shalt  }
0x71: {  	_ =	shalt  }
0x72: {  	_ =	shalt  }
0x73: {  	_ =	shalt  }
0x74: {  	_ =	shalt  }
0x75: {  	_ =	shalt  }
0x76: {  	_ =	shalt  }
0x77: {  	_ =	shalt  }
0x78: {  	_ =	shalt  }
0x79: {  	_ =	shalt  }
0x7a: {  	_ =	shalt  }
0x7b: {  	_ =	shalt  }
0x7c: {  	_ =	shalt  }
0x7d: {  	_ =	shalt  }
0x7e: {  	_ =	shalt  }
0x7f: {  	_ =	shalt  }
0x80: {  	_ =	shalt  }
0x81: {  	_ =	shalt  }
0x82: {  	_ =	shalt  }
0x83: {  	_ =	shalt  }
0x84: {  	_ =	shalt  }
0x85: {  	_ =	shalt  }
0x86: {  	_ =	shalt  }
0x87: {  	_ =	shalt  }
.Lfunc_end0:
.L_simem_size_0:
called_computation_lowered:
.L_overlay_start_0:
0x88: {  	s2 =	sld [smem:$0x3FD9]  }
0x89: {  	s3 =	sld [smem:$0x3FFE];
	_ =	sdelay $0x1  }
0x8a: {  	s1 =	srdreg.scid  }
0x8b: {  	s0 =	sand.u32 $0x1, s1  }
0x8c: {  	s17 =	sshll.u32 s0, $0xA;
	s2 =	sadd.s32 s3, s2  }
0x8d: {  	s2 =	sadd.s32 s2, s17  }
0x8e: {  	[smem:$0x3FBC] =	sst s2  }
0x8f: {  	_ = 	snop  }
0x90: {  	s2 =	sld [smem:$0x3FD0];
	(tm) =	ssettm $0x1  }
0x91: {  	s18 =	sld [smem:$0x3FFB];
	_ =	sdelay $0x3  }
0x92: {  	_ =	strace s18  }
0x93: {  	s3 =	sld [smem:$0x3FFC];
	_ =	sdelay $0x3  }
0x94: {  	_ =	strace s3  }
0x95: {  	s3 =	sld [smem:$0x3FFD];
	_ =	sdelay $0x3  }
0x96: {  	_ =	strace s3  }
0x97: {  	_ =	strace $0x8FFFFFFF  }
0x98: {  	s19 =	sld [smem:$0x3FDB];
	_ =	sdelay $0x1  }
0x99: {  	s4 =	simm.s32 $_scs_section_size  }
0x9a: {  	s5 =	simm.s32 $_size__tile_overlayer_lowered;
	s6 =	simm.s32 $_tile_overlayer_lowered  }
0x9b: {  	s22 =	simm.s32 $0x1BFF;
	s21 =	sshll.u32 s6, $0x1;
	s3 =	sadd.s32 s4, s19  }
0x9c: {  	s7 =	simm.s32 $0x0;
	s20 =	sshll.u32 s5, $0x1;
	s5 =	sadd.s32 s21, s3  }
0x9d: {  	[timem:s7], [sflag:s22] =	dma.local [hbm:s5], s20  }
0x9e: {  	_ =	swait.ge [sflag:s22], s20  }
0x9f: {  	s4 =	ssub.s32 $0x0, s20;
	[sflag:s22] =	ssyncset.done $0x0  }
0xa0: {  	[sflag:s22] =	ssyncadd.s32 s4;
	_ =	sdelay $0x1  }
0xa1: {  	s23 =	simm.s32 $0x1B8B  }
0xa2: {  	_ =	swait.ge [sflag:s23], $0x1  }
0xa3: {  	[sflag:s23] =	ssyncset.done $0x0  }
0xa4: {  	s25 =	simm.s32 $0x1B8E;
	s24 =	sld [smem:$0x3FFE];
	[sflag:s23] =	ssyncadd.s32 $0xFFFFFFFF  }
0xa5: {  	s26 =	simm.s32 $execute0_lowered;
	[smem:$0x3FD2] =	sst s25  }
0xa6: {  	s5 =	sshll.u32 s26, $0x1;
	_ =	strace $0x80000046;
	[dreg:$0x1] =	wrdreg $0xFFFFFFFF  }
0xa7: {  	s28 =	simm.s32 $_size_execute0_lowered;
	s3 =	sadd.s32 s3, s5;
	[dreg:$0x0] =	wrdreg $0x0  }
0xa8: {  	s5 =	sshll.u32 s28, $0x1;
	[dreg:$0x2] =	wrdreg s3  }
0xa9: {  	[dreg:$0x3] =	wrdreg s5  }
0xaa: {  	[dreg:$0x4] =	wrdreg $0xC0  }
0xab: {  	_ =	task [dreg:s7], $0x5FFFF  }
0xac: {  	[dreg:$0x1] =	wrdreg $0xFFFFFFFF  }
0xad: {  	[dreg:$0x0] =	wrdreg $0x60  }
0xae: {  	[dreg:$0x2] =	wrdreg s24  }
0xaf: {  	[dreg:$0x3] =	wrdreg s2  }
0xb0: {  	[dreg:$0x4] =	wrdreg $0x6F400  }
0xb1: {  	[dreg:$0x5] =	wrdreg $0x9  }
0xb2: {  	_ =	task.clear_ibuf [dreg:s7], $0x6FFFF;
	_ =	strace $0x90000046  }
0xb3: {  	s29 =	simm.s32 $0x9;
	_ =	strace $0x80000048  }
0xb4: {  	_ =	swait.ge [sflag:s29], $0x1  }
0xb5: {  	[sflag:s29] =	ssyncadd.s32 $0xFFFFFFFF  }
0xb6: {  	_ =	strace $0x90000048  }
0xb7: {  	_ =	sfence  }
0xb8: {  	s30 =	sld [smem:$0x0];
	_ =	sdelay $0x2  }
0xb9: {  	s31 =	sshll.u32 s1, $0xD;
	s1 =	sshrl.u32 s1, $0x2  }
0xba: {  	s3 =	sand.u32 $0x4000, s31;
	s1 =	sadd.s32 s1, s30  }
0xbb: {  	s0 =	sor.u32 s3, s0;
	s1 =	sshll.u32 s1, $0x11  }
0xbc: {  	s0 =	sor.u32 s1, s0  }
0xbd: {  	s0 =	sadd.s32 $0x8F2B, s0  }
0xbe: {  	[sflag:s0] =	ssyncadd.remote.s32 $0x1  }
0xbf: {  	_ =	sfence.sel $0xFFFF  }
0xc0: {  	[dreg:$0x0] =	wrdreg $0xFFFFFFFF;
	(pc) =	sbr.abs _section_cstart, $3  }
0xc1: {  	[dreg:$0x1] =	wrdreg $0xFFFFFFFF  }
0xc2: {  	_ =	task.clear_ibuf [dreg:s7], $0x2FFFF;
	_ =	strace $0x9FFFFFFF  }
0xc3: {  	(tm) =	ssettm $0x7FFFFFFF  }
tec
execute0_lowered:
.L_overlay_start_1:
0x0: {  	(tag) =	ssettag $0x1  }
0x1: {  	s1 =	rddreg [dreg:$0x0]  }
0x2: {  	s0 =	srdreg.scid;
	s7 =	rddreg [dreg:$0x1]  }
0x3: {  	s12 =	stileid.u32;
	s2 =	rddreg [dreg:$0x2]  }
0x4: {  	s14 =	simm.s32 $0xFA;
	s15 =	simm.s32 $0x5000;
	s16 =	simm.s32 $0x100  }
0x5: {  	s17 =	simm.s32 $0x57D0;
	s18 =	simm.s32 $0x200;
	s19 =	simm.s32 $0x5FA0  }
0x6: {  	s20 =	simm.s32 $0x300;
	s21 =	simm.s32 $0x6770;
	s22 =	simm.s32 $0x1  }
0x7: {  	s28 =	simm.s32 $0x4D00;
	s29 =	simm.s32 $0x4E00;
	s30 =	simm.s32 $0x4F00  }
0x8: {  	s31 =	simm.s32 $0x0;
	s0 =	sand.u32 $0x1, s0;
	s6 =	smul.u32 $0x1400, s12  }
0x9: {  	s24 =	smul.u32 $0x280, s12;
	s25 =	sshll.u32 s12, $0x6;
	s3 =	sshll.u32 s0, $0x4  }
0xa: {  	s8 =	ssub.s32 $0x2, s0;
	s0 =	smul.u32 $0x2800, s0;
	s4 =	sor.u32 s12, s3  }
0xb: {  	s3 =	simm.s32 $0x0;
	s23 =	sshrl.u32 s6, $0x3;
	s10 =	sshrl.u32 s8, $0x1  }
0xc: {  	s11 =	sadd.s32 s6, s2;
	s6 =	sor.u32 $0x1C05, s25;
	s26 =	sadd.s32 s7, s24  }
0xd: {  	s12 =	simm.s32 $0x5;
	s24 =	simm.s32 $0x3;
	s25 =	simm.s32 $0x4  }
0xe: {  	s5 =	smul.u32 $0x500, s4;
	[smem:$0x7FF] =	sst s3;
	s4 =	sadd.s32 $0x15C00, s1  }
0xf: {  	s10 =	ssub.s32 s8, s10;
	s11 =	sshrl.u32 s11, $0x3;
	_ =	strace $0x80000047  }
0x10: {  	s10 =	smax.u32 s10, $0x1;
	s9 =	sadd.s32 s5, s1;
	s1 =	sadd.s32 s23, s1  }
0x11: {  	s23 =	simm.s32 $0x2;
	s5 =	sadd.s32 $0x18400, s1;
	s7 =	sadd.s32 $0xBC00, s9  }
0x12: {  	s8 =	sadd.s32 $0x1C00, s9;
	s9 =	sadd.s32 s0, s26;
	s26 =	simm.s32 $0x4C00  }
.LBB2_1:
0x13: {  	[spmem:s11], [sflag:s6] =	dma.local [hbm:s5], $0x280  }
0x14: {  	_ =	swait.ge [sflag:s12], $0x280  }
0x15: {  	[sflag:s12] =	ssyncset.done $0x0  }
0x16: {  	[sflag:s12] =	ssyncadd.s32 $0xFFFFFD80  }
0x17: {  	[tilespmem:s3], [sflag:$0x5] =	stream.linear.gather [hbm4b:s7+s3], $0x2800, $0x38;
	[tilespmem:$0x8340] =	vst v63  }
0x18: {  	_ =	swait.ge [sflag:s12], $0x2800  }
0x19: {  	[sflag:s12] =	ssyncset.done $0x0  }
0x1a: {  	s0 =	simm.s32 $0x2800;
	[sflag:s12] =	ssyncadd.s32 $0xFFFFD800  }
0x1b: {  	[tilespmem:s0], [sflag:$0x5] =	stream.linear.gather [hbm4b:s8+s3], $0x2800, $0x38;
	[tilespmem:$0x8340] =	vst v63  }
0x1c: {  	_ =	swait.ge [sflag:s12], $0x2800  }
0x1d: {  	[sflag:s12] =	ssyncset.done $0x0  }
0x1e: {  	[sflag:s12] =	ssyncadd.s32 $0xFFFFD800  }
0x1f: {  	[bflag:$0x0] =	sbarrier.arrive $0xFFFF  }
0x20: {  	[tilespmem:s15], [sflag:$0x1] =	stream.indirect.gather [hbm4b:s4+s14], $0x8, s3, s14, $0xb8;
	[tilespmem:$0x8340] =	vst v63  }
0x21: {  	_ = 	snop  }
0x22: {  	[tilespmem:s17], [sflag:$0x2] =	stream.indirect.gather [hbm4b:s4+s14], $0x8, s16, s14, $0xb8;
	[tilespmem:$0x8340] =	vst v63  }
0x23: {  	_ = 	snop  }
0x24: {  	[tilespmem:s19], [sflag:$0x3] =	stream.indirect.gather [hbm4b:s4+s14], $0x8, s18, s14, $0xb8;
	[tilespmem:$0x8340] =	vst v63  }
0x25: {  	_ = 	snop  }
0x26: {  	[tilespmem:s21], [sflag:$0x4] =	stream.indirect.gather [hbm4b:s4+s14], $0x8, s20, s14, $0xb8;
	[tilespmem:$0x8340] =	vst v63  }
0x27: {  	_ =	swait.ge [sflag:s22], $0x7D0  }
0x28: {  	[sflag:s22] =	ssyncset.done $0x0  }
0x29: {  	s13 =	simm.s32 $0x2800;
	[sflag:s22] =	ssyncadd.s32 $0xFFFFF830  }
0x2a: {  	[spmem:s2] =	stream.indirect.scatter.add.f32 [tilespmem:s15], [sflag:$0x5], $0x8, s13, s14, $0xb8;
	[tilespmem:$0x8340] =	vst v63  }
0x2b: {  	_ =	swait.ge [sflag:s12], $0x7D0  }
0x2c: {  	[sflag:s12] =	ssyncset.done $0x0  }
0x2d: {  	s1 =	simm.s32 $0x400;
	[sflag:s12] =	ssyncadd.s32 $0xFFFFF830  }
0x2e: {  	[tilespmem:s15], [sflag:$0x1] =	stream.indirect.gather [hbm4b:s4+s14], $0x8, s1, s14, $0xb8;
	[tilespmem:$0x8340] =	vst v63  }
0x2f: {  	_ =	swait.ge [sflag:s23], $0x7D0  }
0x30: {  	[sflag:s23] =	ssyncset.done $0x0  }
0x31: {  	s13 =	simm.s32 $0x2900;
	[sflag:s23] =	ssyncadd.s32 $0xFFFFF830  }
0x32: {  	[spmem:s2] =	stream.indirect.scatter.add.f32 [tilespmem:s17], [sflag:$0x5], $0x8, s13, s14, $0xb8;
	[tilespmem:$0x8340] =	vst v63  }
0x33: {  	_ =	swait.ge [sflag:s12], $0x7D0  }
0x34: {  	[sflag:s12] =	ssyncset.done $0x0  }
0x35: {  	s1 =	simm.s32 $0x500;
	[sflag:s12] =	ssyncadd.s32 $0xFFFFF830  }
0x36: {  	[tilespmem:s17], [sflag:$0x2] =	stream.indirect.gather [hbm4b:s4+s14], $0x8, s1, s14, $0xb8;
	[tilespmem:$0x8340] =	vst v63  }
0x37: {  	_ =	swait.ge [sflag:s24], $0x7D0  }
0x38: {  	[sflag:s24] =	ssyncset.done $0x0  }
0x39: {  	s13 =	simm.s32 $0x2A00;
	[sflag:s24] =	ssyncadd.s32 $0xFFFFF830  }
0x3a: {  	[spmem:s2] =	stream.indirect.scatter.add.f32 [tilespmem:s19], [sflag:$0x5], $0x8, s13, s14, $0xb8;
	[tilespmem:$0x8340] =	vst v63  }
0x3b: {  	_ =	swait.ge [sflag:s12], $0x7D0  }
0x3c: {  	[sflag:s12] =	ssyncset.done $0x0  }
0x3d: {  	s1 =	simm.s32 $0x600;
	[sflag:s12] =	ssyncadd.s32 $0xFFFFF830  }
0x3e: {  	[tilespmem:s19], [sflag:$0x3] =	stream.indirect.gather [hbm4b:s4+s14], $0x8, s1, s14, $0xb8;
	[tilespmem:$0x8340] =	vst v63  }
0x3f: {  	_ =	swait.ge [sflag:s25], $0x7D0  }
0x40: {  	[sflag:s25] =	ssyncset.done $0x0  }
0x41: {  	s13 =	simm.s32 $0x2B00;
	[sflag:s25] =	ssyncadd.s32 $0xFFFFF830  }
0x42: {  	[spmem:s2] =	stream.indirect.scatter.add.f32 [tilespmem:s21], [sflag:$0x5], $0x8, s13, s14, $0xb8;
	[tilespmem:$0x8340] =	vst v63  }
0x43: {  	_ =	swait.ge [sflag:s12], $0x7D0  }
0x44: {  	[sflag:s12] =	ssyncset.done $0x0  }
0x45: {  	s0 =	simm.s32 $0x700;
	s1 =	simm.s32 $0x1000;
	[sflag:s12] =	ssyncadd.s32 $0xFFFFF830  }
.LBB2_2:
0x46: {  	[tilespmem:s21], [sflag:$0x4] =	stream.indirect.gather [hbm4b:s4+s14], $0x8, s0, s14, $0xb8;
	[tilespmem:$0x8340] =	vst v63  }
0x47: {  	s0 =	smov.u32 s1  }
0x48: {  	p0 =	sne.s32 s1, $0x8000;
	s1 =	sadd.s32 $0x1000, s1;
	_ =	swait.ge [sflag:s22], $0x7D0  }
0x49: {  	s0 =	sshra.s32 s0, $0x2;
	[sflag:s22] =	ssyncset.done $0x0  }
0x4a: {  	s13 =	sadd.s32 $0x2800, s0;
	[sflag:s22] =	ssyncadd.s32 $0xFFFFF830  }
0x4b: {  	[spmem:s2] =	stream.indirect.scatter.add.f32 [tilespmem:s15], [sflag:$0x5], $0x8, s13, s14, $0xb8;
	[tilespmem:$0x8340] =	vst v63  }
0x4c: {  	_ =	swait.ge [sflag:s12], $0x7D0  }
0x4d: {  	[sflag:s12] =	ssyncset.done $0x0  }
0x4e: {  	s13 =	sadd.s32 $0x400, s0;
	[sflag:s12] =	ssyncadd.s32 $0xFFFFF830  }
0x4f: {  	[tilespmem:s15], [sflag:$0x1] =	stream.indirect.gather [hbm4b:s4+s14], $0x8, s13, s14, $0xb8;
	[tilespmem:$0x8340] =	vst v63  }
0x50: {  	_ =	swait.ge [sflag:s23], $0x7D0  }
0x51: {  	[sflag:s23] =	ssyncset.done $0x0  }
0x52: {  	s13 =	sadd.s32 $0x2900, s0;
	[sflag:s23] =	ssyncadd.s32 $0xFFFFF830  }
0x53: {  	[spmem:s2] =	stream.indirect.scatter.add.f32 [tilespmem:s17], [sflag:$0x5], $0x8, s13, s14, $0xb8;
	[tilespmem:$0x8340] =	vst v63  }
0x54: {  	_ =	swait.ge [sflag:s12], $0x7D0  }
0x55: {  	[sflag:s12] =	ssyncset.done $0x0  }
0x56: {  	s13 =	sadd.s32 $0x500, s0;
	[sflag:s12] =	ssyncadd.s32 $0xFFFFF830  }
0x57: {  	[tilespmem:s17], [sflag:$0x2] =	stream.indirect.gather [hbm4b:s4+s14], $0x8, s13, s14, $0xb8;
	[tilespmem:$0x8340] =	vst v63  }
0x58: {  	_ =	swait.ge [sflag:s24], $0x7D0  }
0x59: {  	[sflag:s24] =	ssyncset.done $0x0  }
0x5a: {  	s13 =	sadd.s32 $0x2A00, s0;
	[sflag:s24] =	ssyncadd.s32 $0xFFFFF830  }
0x5b: {  	[spmem:s2] =	stream.indirect.scatter.add.f32 [tilespmem:s19], [sflag:$0x5], $0x8, s13, s14, $0xb8;
	[tilespmem:$0x8340] =	vst v63  }
0x5c: {  	_ =	swait.ge [sflag:s12], $0x7D0  }
0x5d: {  	[sflag:s12] =	ssyncset.done $0x0  }
0x5e: {  	s13 =	sadd.s32 $0x600, s0;
	[sflag:s12] =	ssyncadd.s32 $0xFFFFF830  }
0x5f: {  	[tilespmem:s19], [sflag:$0x3] =	stream.indirect.gather [hbm4b:s4+s14], $0x8, s13, s14, $0xb8;
	[tilespmem:$0x8340] =	vst v63  }
0x60: {  	_ =	swait.ge [sflag:s25], $0x7D0  }
0x61: {  	[sflag:s25] =	ssyncset.done $0x0  }
.Ltmp0:
0x62: {  	s13 =	sadd.s32 $0x2B00, s0;
	[sflag:s25] =	ssyncadd.s32 $0xFFFFF830;
	(pc) =	sbr.rel @p0 .LBB2_2-.Ltmp0, $4  }
0x63: {  	[spmem:s2] =	stream.indirect.scatter.add.f32 [tilespmem:s21], [sflag:$0x5], $0x8, s13, s14, $0xb8;
	[tilespmem:$0x8340] =	vst v63  }
0x64: {  	_ =	swait.ge [sflag:s12], $0x7D0  }
0x65: {  	[sflag:s12] =	ssyncset.done $0x0  }
0x66: {  	s0 =	sadd.s32 $0x700, s0;
	[sflag:s12] =	ssyncadd.s32 $0xFFFFF830  }
0x67: {  	[tilespmem:s21], [sflag:$0x4] =	stream.indirect.gather [hbm4b:s4+s14], $0x8, s0, s14, $0xb8;
	[tilespmem:$0x8340] =	vst v63  }
0x68: {  	_ =	swait.ge [sflag:s22], $0x7D0  }
0x69: {  	[sflag:s22] =	ssyncset.done $0x0  }
0x6a: {  	[sflag:s22] =	ssyncadd.s32 $0xFFFFF830  }
0x6b: {  	[spmem:s2] =	stream.indirect.scatter.add.f32 [tilespmem:s15], [sflag:$0x5], $0x8, s26, s14, $0xb8;
	[tilespmem:$0x8340] =	vst v63  }
0x6c: {  	_ =	swait.ge [sflag:s12], $0x7D0  }
0x6d: {  	[sflag:s12] =	ssyncset.done $0x0  }
0x6e: {  	[sflag:s12] =	ssyncadd.s32 $0xFFFFF830  }
0x6f: {  	_ =	swait.ge [sflag:s23], $0x7D0  }
0x70: {  	[sflag:s23] =	ssyncset.done $0x0  }
0x71: {  	[sflag:s23] =	ssyncadd.s32 $0xFFFFF830  }
0x72: {  	[spmem:s2] =	stream.indirect.scatter.add.f32 [tilespmem:s17], [sflag:$0x5], $0x8, s28, s14, $0xb8;
	[tilespmem:$0x8340] =	vst v63  }
0x73: {  	_ =	swait.ge [sflag:s12], $0x7D0  }
0x74: {  	[sflag:s12] =	ssyncset.done $0x0  }
0x75: {  	[sflag:s12] =	ssyncadd.s32 $0xFFFFF830  }
0x76: {  	_ =	swait.ge [sflag:s24], $0x7D0  }
0x77: {  	[sflag:s24] =	ssyncset.done $0x0  }
0x78: {  	[sflag:s24] =	ssyncadd.s32 $0xFFFFF830  }
0x79: {  	[spmem:s2] =	stream.indirect.scatter.add.f32 [tilespmem:s19], [sflag:$0x5], $0x8, s29, s14, $0xb8;
	[tilespmem:$0x8340] =	vst v63  }
0x7a: {  	_ =	swait.ge [sflag:s12], $0x7D0  }
0x7b: {  	[sflag:s12] =	ssyncset.done $0x0  }
0x7c: {  	[sflag:s12] =	ssyncadd.s32 $0xFFFFF830  }
0x7d: {  	_ =	swait.ge [sflag:s25], $0x7D0  }
0x7e: {  	[sflag:s25] =	ssyncset.done $0x0  }
0x7f: {  	[sflag:s25] =	ssyncadd.s32 $0xFFFFF830  }
0x80: {  	[spmem:s2] =	stream.indirect.scatter.add.f32 [tilespmem:s21], [sflag:$0x5], $0x8, s30, s14, $0xb8;
	[tilespmem:$0x8340] =	vst v63  }
0x81: {  	_ =	swait.ge [sflag:s12], $0x7D0  }
0x82: {  	s31 =	sadd.s32 $0x1, s31;
	[sflag:s12] =	ssyncset.done $0x0  }
0x83: {  	p0 =	sne.s32 s31, s10;
	[sflag:s12] =	ssyncadd.s32 $0xFFFFF830  }
.Ltmp1:
0x84: {  	[bflag:$0x0] =	sbarrier.arrive $0xFFFF;
	(pc) =	sbr.rel @p0 .LBB2_1-.Ltmp1, $4  }
0x85: {  	[hbm:s9], [sflag:s6] =	dma.local [spmem:s11], $0x280  }
0x86: {  	_ =	swait.ge [sflag:s12], $0x280  }
0x87: {  	[sflag:s12] =	ssyncset.done $0x0  }
0x88: {  	[sflag:s12] =	ssyncadd.s32 $0xFFFFFD80  }
0x89: {  	_ =	sfence.sel $0x180000  }
0x8a: {  	[bflag:$0x0] =	sbarrier.arrive $0xFFFF  }
0x8b: {  	_ =	strace $0x90000047  }
0x8c: {  	s0 =	stileid.u32;
	[bflag:$0x2] =	sbarrier.arrive $0xFFFF  }
0x8d: {  	p0 =	sne.s32 s0, $0x0;
	s0 =	rddreg [dreg:$0x3]  }
0x8e: {  	s0 =	sadd.s32 @!p0 $0x100000, s0  }
0x8f: {  	[sflag:s0] =	ssyncadd.tile.s32 @!p0 $0x1;
	_ =	shalt  }
.Lfunc_end2:
_tile_overlayer_lowered:
.L_overlay_start_2:
0x90: {  	(tag) =	ssettag $0x2  }
0x91: {  	s0 =	rddreg [dreg:$0x0];
	s2 =	stileid.u32  }
0x92: {  	s1 =	rddreg [dreg:$0x1];
	p0 =	sne.s32 s2, $0x0  }
0x93: {  	s3 =	rddreg [dreg:$0x2];
	[bflag:$0x3] =	sbarrier.arrive $0xFFFF;
	s2 =	simm.s32 @!p0 $0x1C05  }
0x94: {  	[timem:s3], [sflag:s2] =	dma.local @!p0 [hbm:s0], s1  }
0x95: {  	s0 =	simm.s32 @!p0 $0x5  }
0x96: {  	_ =	swait.ge @!p0 [sflag:s0], s1  }
0x97: {  	s1 =	ssub.s32 @!p0 $0x0, s1;
	[sflag:s0] =	ssyncset.done @!p0 $0x0  }
0x98: {  	[sflag:s0] =	ssyncadd.s32 @!p0 s1  }
0x99: {  	[bflag:$0x3] =	sbarrier.arrive $0xFFFF  }
0x9a: {  	_ =	shalt  }

</sc_bundles>
